<compile_context>
chip_gen: v7x
topology: tpu7x:2x2x1
jax: 0.10.2.dev20260603
libtpu: 0.0.44.dev20260713+nightly
codegen_flags: <defaults>
</compile_context>

<pallas_src>
import dataclasses
import functools

import jax
import jax.numpy as jnp
from jax import lax
from jax.experimental import pallas as pl
from jax.experimental.pallas import tpu as pltpu
from jax.experimental.pallas import tpu_sc as plsc

N = 10000
E = 320000
G = 64
CIN = 128
H = 128
HH = 64
OUT = 32
NC, NS = 2, 16
NW = NC * NS
CH = 128
NCHUNK = 2560
EPAD = NCHUNK * CH
C16 = NCHUNK // 16
C32 = NCHUNK // 32
NPAD = 10240
RPT = NPAD // NS
VSIZE = G * NPAD
VPT = VSIZE // NS
NB = 1024

_mesh = plsc.VectorSubcoreMesh(core_axis_name="core", subcore_axis_name="subcore")

_sc_params = pltpu.CompilerParams()
if "needs_layout_passes" in pltpu.CompilerParams.__dataclass_fields__:
    _sc_params = dataclasses.replace(_sc_params, needs_layout_passes=False)



@functools.partial(
    pl.kernel,
    out_type=jax.ShapeDtypeStruct((NC, NPAD), jnp.float32),
    mesh=_mesh,
    scratch_types=[
        pltpu.VMEM((C32, CH), jnp.int32),
        pltpu.VMEM((CH,), jnp.float32),
        pltpu.VMEM_SHARED((NPAD,), jnp.float32),
        pltpu.SemaphoreType.DMA,
    ],
    compiler_params=_sc_params,
)
def _deg_call(dst2_hbm, ones_hbm, z_hbm, deg_out, dstx, onesv, deg_sh, sem):
    c = lax.axis_index("core")
    s = lax.axis_index("subcore")
    w = c * NS + s
    off = w * C32
    pltpu.async_copy(z_hbm, deg_sh.at[pl.ds(s * RPT, RPT)], sem)
    pltpu.async_copy(ones_hbm, onesv, sem)
    pltpu.async_copy(dst2_hbm.at[pl.ds(off, C32)], dstx, sem)
    pltpu.make_async_copy(z_hbm, deg_sh.at[pl.ds(s * RPT, RPT)], sem).wait()
    pltpu.make_async_copy(ones_hbm, onesv, sem).wait()
    pltpu.make_async_copy(dst2_hbm.at[pl.ds(off, C32)], dstx, sem).wait()
    plsc.subcore_barrier()

    @pl.loop(0, C32)
    def _(j):
        pltpu.async_copy(onesv, deg_sh.at[dstx.at[j]], sem, add=True)

    @pl.loop(0, C32)
    def _(j):
        pltpu.make_async_copy(onesv, deg_sh.at[dstx.at[0]], sem).wait()

    plsc.subcore_barrier()
    pltpu.sync_copy(deg_sh.at[pl.ds(s * RPT, RPT)],
                    deg_out.at[c, pl.ds(s * RPT, RPT)])



def _mm_body(x_ref, w_ref, d0_ref, d1_ref, h2_ref, dinv_ref):
    dinv = lax.rsqrt(d0_ref[...] + d1_ref[...] + 1.0)
    h = jnp.dot(x_ref[...], w_ref[...], preferred_element_type=jnp.float32)
    h2_ref[...] = dinv * h
    dinv_ref[...] = dinv


_mm_call = pl.pallas_call(
    _mm_body,
    grid=(NPAD // NB,),
    in_specs=[
        pl.BlockSpec((NB, CIN), lambda i: (i, 0)),
        pl.BlockSpec((CIN, H), lambda i: (0, 0)),
        pl.BlockSpec((NB, 1), lambda i: (i, 0)),
        pl.BlockSpec((NB, 1), lambda i: (i, 0)),
    ],
    out_specs=[
        pl.BlockSpec((NB, H), lambda i: (i, 0)),
        pl.BlockSpec((NB, 1), lambda i: (i, 0)),
    ],
    out_shape=[
        jax.ShapeDtypeStruct((NPAD, H), jnp.float32),
        jax.ShapeDtypeStruct((NPAD, 1), jnp.float32),
    ],
)



CH1 = 80
K1 = (EPAD // NW) // CH1

@functools.partial(
    pl.kernel,
    out_type=jax.ShapeDtypeStruct((NC, NPAD, H), jnp.float32),
    mesh=_mesh,
    scratch_types=(
        [pltpu.VMEM((CH1,), jnp.int32)] * 16
        + [pltpu.VMEM((CH1, H), jnp.float32)] * 4
        + [pltpu.VMEM_SHARED((NPAD, H), jnp.float32)]
        + [pltpu.SemaphoreType.DMA] * 16
    ),
    compiler_params=_sc_params,
)
def _agg_call(src1_hbm, dst1_hbm, h2_hbm, z2_hbm, agg_out,
              sx0, sx1, sx2, sx3, sx4, sx5, sx6, sx7,
              dx0, dx1, dx2, dx3, dx4, dx5, dx6, dx7,
              r0, r1, r2, r3, agg_sh,
              si0, si1, si2, si3, si4, si5, si6, si7,
              sg0, sg1, sg2, sg3, sc0, sc1, sc2, sc3):
    c = lax.axis_index("core")
    s = lax.axis_index("subcore")
    w = c * NS + s
    base = w * K1 * CH1
    sx = (sx0, sx1, sx2, sx3, sx4, sx5, sx6, sx7)
    dx = (dx0, dx1, dx2, dx3, dx4, dx5, dx6, dx7)
    rows = (r0, r1, r2, r3)
    si = (si0, si1, si2, si3, si4, si5, si6, si7)
    sg = (sg0, sg1, sg2, sg3)
    sc = (sc0, sc1, sc2, sc3)

    def fire_idx(j, q):
        e = pl.multiple_of(base + j * CH1, 8)
        pltpu.async_copy(src1_hbm.at[pl.ds(e, CH1)], sx[q], si[q])
        pltpu.async_copy(dst1_hbm.at[pl.ds(e, CH1)], dx[q], si[q])

    def wait_idx(q):
        pltpu.make_async_copy(src1_hbm.at[pl.ds(0, CH1)], sx[q], si[q]).wait()
        pltpu.make_async_copy(dst1_hbm.at[pl.ds(0, CH1)], dx[q], si[q]).wait()

    def fire_gather(q, b):
        pltpu.async_copy(h2_hbm.at[sx[q]], rows[b], sg[b])

    def wait_gather(b):
        pltpu.make_async_copy(h2_hbm.at[sx[0]], rows[b], sg[b]).wait()

    def fire_scatter(q, b):
        pltpu.async_copy(rows[b], agg_sh.at[dx[q]], sc[b], add=True)

    def wait_scatter(b):
        pltpu.make_async_copy(rows[b], agg_sh.at[dx[0]], sc[b]).wait()

    pltpu.async_copy(z2_hbm, agg_sh.at[pl.ds(s * RPT, RPT)], sc0)
    for q in range(6):
        fire_idx(q, q)
    pltpu.make_async_copy(z2_hbm, agg_sh.at[pl.ds(s * RPT, RPT)], sc0).wait()
    plsc.subcore_barrier()

    wait_idx(0)
    fire_gather(0, 0)
    wait_idx(1)
    fire_gather(1, 1)

    @pl.loop(0, K1 // 8)
    def _(i):
        for u in range(8):
            b = u % 4
            b2 = (u + 2) % 4
            q = u
            q2 = (u + 2) % 8
            q6 = (u + 6) % 8
            wait_gather(b)
            fire_scatter(q, b)
            gate2 = pl.when(i >= 1) if u < 2 else (lambda f: f())
            gate_hi = (lambda f: f()) if u < 6 else pl.when(i < K1 // 8 - 1)
            gate_hi2 = (lambda f: f()) if u < 2 else pl.when(i < K1 // 8 - 1)

            @gate2
            def _():
                wait_scatter(b2)

            @gate_hi
            def _():
                wait_idx(q2)
                fire_gather(q2, b2)

            @gate_hi2
            def _():
                fire_idx(8 * i + u + 6, q6)

    wait_scatter(2)
    wait_scatter(3)
    plsc.subcore_barrier()
    pltpu.sync_copy(agg_sh.at[pl.ds(s * RPT, RPT)],
                    agg_out.at[c, pl.ds(s * RPT, RPT)])



@functools.partial(
    pl.kernel,
    out_type=jax.ShapeDtypeStruct((NC, VSIZE), jnp.float32),
    mesh=_mesh,
    scratch_types=[
        pltpu.VMEM((C32, CH), jnp.int32),
        pltpu.VMEM((C32, CH), jnp.int32),
        pltpu.VMEM((C32, CH), jnp.float32),
        pltpu.VMEM((C32, CH), jnp.int32),
        pltpu.VMEM((NPAD,), jnp.float32),
        pltpu.VMEM((NPAD,), jnp.int32),
        pltpu.VMEM_SHARED((VSIZE,), jnp.float32),
        pltpu.SemaphoreType.DMA,
    ],
    compiler_params=_sc_params,
)
def _vtab_call(src2_hbm, dst2_hbm, dinv_hbm, batch_hbm, z1_hbm, v_out,
               srcx, dstx, vvals, vidx, dinvv, batchv, v_sh, sem):
    c = lax.axis_index("core")
    s = lax.axis_index("subcore")
    w = c * NS + s
    off = w * C32
    pltpu.async_copy(z1_hbm, v_sh.at[pl.ds(s * VPT, VPT)], sem)
    pltpu.async_copy(dinv_hbm, dinvv, sem)
    pltpu.async_copy(batch_hbm, batchv, sem)
    pltpu.async_copy(src2_hbm.at[pl.ds(off, C32)], srcx, sem)
    pltpu.async_copy(dst2_hbm.at[pl.ds(off, C32)], dstx, sem)
    pltpu.make_async_copy(z1_hbm, v_sh.at[pl.ds(s * VPT, VPT)], sem).wait()
    pltpu.make_async_copy(dinv_hbm, dinvv, sem).wait()
    pltpu.make_async_copy(batch_hbm, batchv, sem).wait()
    pltpu.make_async_copy(src2_hbm.at[pl.ds(off, C32)], srcx, sem).wait()
    pltpu.make_async_copy(dst2_hbm.at[pl.ds(off, C32)], dstx, sem).wait()

    zf16 = jnp.zeros((16,), jnp.float32)
    zi16 = jnp.zeros((16,), jnp.int32)
    for k in range((NPAD - N) // 16):
        dinvv[pl.ds(N + 16 * k, 16)] = zf16
        batchv[pl.ds(N + 16 * k, 16)] = zi16
    plsc.subcore_barrier()

    @pl.loop(0, C32)
    def _(j):
        @pl.loop(0, CH // 16)
        def _(k):
            s16 = srcx[j, pl.ds(16 * k, 16)]
            d16 = dstx[j, pl.ds(16 * k, 16)]
            vvals[j, pl.ds(16 * k, 16)] = plsc.load_gather(dinvv, [d16])
            vidx[j, pl.ds(16 * k, 16)] = (
                plsc.load_gather(batchv, [d16]) * NPAD + s16)

        pltpu.async_copy(vvals.at[j], v_sh.at[vidx.at[j]], sem, add=True)

    @pl.loop(0, C32)
    def _(j):
        pltpu.make_async_copy(vvals.at[0], v_sh.at[vidx.at[0]], sem).wait()

    plsc.subcore_barrier()
    pltpu.sync_copy(v_sh.at[pl.ds(s * VPT, VPT)],
                    v_out.at[c, pl.ds(s * VPT, VPT)])



def _final_body(a0_ref, a1_ref, h2_ref, dcol_ref, drow_ref, brow_ref, v0_ref,
                v1_ref, b1_ref, w2g_ref, w2t_ref, b2g_ref, b2t_ref, out_ref,
                u_acc, cnt_acc):
    i = pl.program_id(0)

    @pl.when(i == 0)
    def _():
        u_acc[...] = jnp.zeros_like(u_acc)
        cnt_acc[...] = jnp.zeros_like(cnt_acc)

    dinv = dcol_ref[...]
    a = a0_ref[...] + a1_ref[...] + h2_ref[...]
    rd = dinv * jnp.maximum(dinv * a + b1_ref[...], 0.0)
    gids = lax.broadcasted_iota(jnp.int32, (G, NB), 0)
    onehot = brow_ref[...] == gids
    v_eff = v0_ref[...] + v1_ref[...] + jnp.where(onehot, drow_ref[...], 0.0)
    u_acc[...] += jnp.dot(v_eff, rd, preferred_element_type=jnp.float32)
    cnt_acc[...] += jnp.sum(onehot.astype(jnp.float32), axis=1, keepdims=True)

    @pl.when(i == pl.num_programs(0) - 1)
    def _():
        cnt = cnt_acc[...]
        cinv = 1.0 / jnp.maximum(cnt, 1.0)
        nz = jnp.where(cnt > 0, 1.0, 0.0)
        us = u_acc[...] * cinv
        pg = jnp.dot(us[:, :HH], w2g_ref[...],
                     preferred_element_type=jnp.float32) + b2g_ref[...] * nz
        pt = jnp.dot(us[:, HH:], w2t_ref[...],
                     preferred_element_type=jnp.float32) + b2t_ref[...] * nz
        diff = pt - pg + 1e-6
        dist = jnp.sqrt(jnp.sum(diff * diff, axis=1, keepdims=True))
        out_ref[...] = jnp.sum(dist).reshape(1, 1) / G


_final_call = pl.pallas_call(
    _final_body,
    grid=(NPAD // NB,),
    in_specs=[
        pl.BlockSpec((NB, H), lambda i: (i, 0)),
        pl.BlockSpec((NB, H), lambda i: (i, 0)),
        pl.BlockSpec((NB, H), lambda i: (i, 0)),
        pl.BlockSpec((NB, 1), lambda i: (i, 0)),
        pl.BlockSpec((1, NB), lambda i: (0, i)),
        pl.BlockSpec((1, NB), lambda i: (0, i)),
        pl.BlockSpec((G, NB), lambda i: (0, i)),
        pl.BlockSpec((G, NB), lambda i: (0, i)),
        pl.BlockSpec((1, H), lambda i: (0, 0)),
        pl.BlockSpec((HH, OUT), lambda i: (0, 0)),
        pl.BlockSpec((HH, OUT), lambda i: (0, 0)),
        pl.BlockSpec((1, OUT), lambda i: (0, 0)),
        pl.BlockSpec((1, OUT), lambda i: (0, 0)),
    ],
    out_specs=pl.BlockSpec((1, 1), lambda i: (0, 0)),
    out_shape=jax.ShapeDtypeStruct((1, 1), jnp.float32),
    scratch_shapes=[
        pltpu.VMEM((G, H), jnp.float32),
        pltpu.VMEM((G, 1), jnp.float32),
    ],
)


def kernel(x, edge_index, batch, W1g, b1g, W2g, b2g, W1t, b1t, W2t, b2t):
    pad_edges = N + jnp.arange(EPAD - E, dtype=jnp.int32) % (NPAD - N)
    src1 = jnp.concatenate([edge_index[0], pad_edges])
    dst1 = jnp.concatenate([edge_index[1], pad_edges])
    src2 = src1.reshape(NCHUNK, CH)
    dst2 = dst1.reshape(NCHUNK, CH)
    Wcat = jnp.concatenate([W1g, W1t], axis=1)
    b1cat = jnp.concatenate([b1g, b1t]).reshape(1, H)
    ones_ch = jnp.ones((CH,), jnp.float32)
    z1 = jnp.zeros((RPT,), jnp.float32)
    z2 = jnp.zeros((RPT, H), jnp.float32)
    zv = jnp.zeros((VPT,), jnp.float32)
    x_pad = jnp.pad(x, ((0, NPAD - N), (0, 0)))
    batch_pad = jnp.pad(batch, (0, NPAD - N), constant_values=G)

    deg_parts = _deg_call(dst2, ones_ch, z1)
    d0 = deg_parts[0].reshape(NPAD, 1)
    d1 = deg_parts[1].reshape(NPAD, 1)
    h2, dinv = _mm_call(x_pad, Wcat, d0, d1)
    aggp = _agg_call(src1, dst1, h2, z2)
    vp = _vtab_call(src2, dst2, dinv.reshape(NPAD), batch_pad, zv)
    out = _final_call(
        aggp[0], aggp[1], h2, dinv, dinv.reshape(1, NPAD),
        batch_pad.reshape(1, NPAD), vp[0].reshape(G, NPAD),
        vp[1].reshape(G, NPAD), b1cat, W2g, W2t,
        b2g.reshape(1, OUT), b2t.reshape(1, OUT))
    return out.reshape(())

# --- scband reference (transcript-rebuilt; emitter-appended) ---
"""Pipeline reference for scband-rdnscorer-27487790695030 (READ-ONLY COPY).

The authoritative reference and input builder live on the scoring server;
editing this copy changes nothing except your own understanding.
"""

import jax, jax.numpy as jnp
import numpy as np

N_NODES = 10000
N_EDGES = 320000
IN_CH = 128
OUT_CH = 32
HID = 2 * OUT_CH
N_GRAPHS = 64


def gcn_conv(x, src, dst, W, b, n_nodes):
    # GCNConv with added self-loops and symmetric normalization
    loop = jnp.arange(n_nodes, dtype=src.dtype)
    s = jnp.concatenate([src, loop])
    d = jnp.concatenate([dst, loop])
    h = x @ W
    deg = jnp.zeros((n_nodes,), dtype=x.dtype).at[d].add(1.0)
    dinv = jnp.where(deg > 0, 1.0 / jnp.sqrt(deg), 0.0)
    norm = dinv[s] * dinv[d]
    msg = h[s] * norm[:, None]
    out = jnp.zeros((n_nodes, W.shape[1]), dtype=x.dtype).at[d].add(msg)
    return out + b


def encoder(x, src, dst, W1, b1, W2, b2, n_nodes):
    h = gcn_conv(x, src, dst, W1, b1, n_nodes)
    h = jax.nn.relu(h)
    return gcn_conv(h, src, dst, W2, b2, n_nodes)


def global_mean_pool(h, batch, n_graphs):
    s = jax.ops.segment_sum(h, batch, num_segments=n_graphs)
    cnt = jax.ops.segment_sum(jnp.ones((h.shape[0],), dtype=h.dtype), batch, num_segments=n_graphs)
    return s / jnp.maximum(cnt, 1.0)[:, None]


def setup_inputs(seed: int = 0) -> dict:
    key = jax.random.key(seed)
    ks = jax.random.split(key, 12)
    x = jax.random.normal(ks[0], (N_NODES, IN_CH), dtype=jnp.float32)
    edge_index = jax.random.randint(ks[1], (2, N_EDGES), 0, N_NODES, dtype=jnp.int32)
    batch = jnp.sort(jax.random.randint(ks[2], (N_NODES,), 0, N_GRAPHS, dtype=jnp.int32))
    def glorot(k, fan_in, fan_out):
        lim = jnp.sqrt(6.0 / (fan_in + fan_out))
        return jax.random.uniform(k, (fan_in, fan_out), dtype=jnp.float32, minval=-lim, maxval=lim)
    # guesser encoder params
    W1g = glorot(ks[3], IN_CH, HID)
    b1g = jnp.zeros((HID,), dtype=jnp.float32)
    W2g = glorot(ks[4], HID, OUT_CH)
    b2g = jnp.zeros((OUT_CH,), dtype=jnp.float32)
    # target encoder params (frozen / eval, no_grad in torch)
    W1t = glorot(ks[5], IN_CH, HID)
    b1t = jnp.zeros((HID,), dtype=jnp.float32)
    W2t = glorot(ks[6], HID, OUT_CH)
    b2t = jnp.zeros((OUT_CH,), dtype=jnp.float32)
    return {"x": x, "edge_index": edge_index, "batch": batch,
            "W1g": W1g, "b1g": b1g, "W2g": W2g, "b2g": b2g,
            "W1t": W1t, "b1t": b1t, "W2t": W2t, "b2t": b2t}


def reference(x, edge_index, batch, W1g, b1g, W2g, b2g, W1t, b1t, W2t, b2t):
    src, dst = edge_index[0], edge_index[1]
    guess_nodes = encoder(x, src, dst, W1g, b1g, W2g, b2g, N_NODES)
    guess = global_mean_pool(guess_nodes, batch, N_GRAPHS)
    # target branch (torch.no_grad in original)
    actual_nodes = encoder(x, src, dst, W1t, b1t, W2t, b2t, N_NODES)
    actual = jax.lax.stop_gradient(global_mean_pool(actual_nodes, batch, N_GRAPHS))
    # F.pairwise_distance(actual, guess) with p=2, eps=1e-6, then mean
    diff = actual - guess + 1e-6
    dist = jnp.sqrt(jnp.sum(diff * diff, axis=1))
    return jnp.mean(dist)

if __name__ == "__main__":
    import jax
    _d = setup_inputs()
    print(jax.jit(kernel)(*tuple(_d.values())))

</pallas_src>

<mosaic_0001>
#map = affine_map<(d0, d1) -> (0, 0)>
#map1 = affine_map<(d0, d1) -> (0)>
module attributes {stable_mosaic.version = 14 : i64} {
  func.func @_vtab_call(%arg0: i32, %arg1: i32, %arg2: memref<2560x128xi32, #tpu.memory_space<hbm>>, %arg3: memref<2560x128xi32, #tpu.memory_space<hbm>>, %arg4: memref<10240xf32, #tpu.memory_space<hbm>>, %arg5: memref<10240xi32, #tpu.memory_space<hbm>>, %arg6: memref<40960xf32, #tpu.memory_space<hbm>>, %arg7: memref<2x655360xf32, #tpu.memory_space<hbm>>, %arg8: memref<80x128xi32, #tpu.memory_space<vmem>>, %arg9: memref<80x128xi32, #tpu.memory_space<vmem>>, %arg10: memref<80x128xf32, #tpu.memory_space<vmem>>, %arg11: memref<80x128xi32, #tpu.memory_space<vmem>>, %arg12: memref<10240xf32, #tpu.memory_space<vmem>>, %arg13: memref<10240xi32, #tpu.memory_space<vmem>>, %arg14: memref<655360xf32, #tpu.memory_space<vmem_shared>>, %arg15: memref<!tpu.dma_semaphore, #tpu.memory_space<semaphore_mem>>) attributes {dimension_semantics = [#tpu.dimension_semantics<core_parallel>, #tpu.dimension_semantics<subcore_parallel>], iteration_bounds = array<i64: 2, 16>, scalar_prefetch = 0 : i64, scratch_operands = 8 : i64, tpu.core_type = #tpu.core_type<sc_vector_subcore>, window_params = [{transform_indices = #map}, {transform_indices = #map}, {transform_indices = #map1}, {transform_indices = #map1}, {transform_indices = #map1}, {transform_indices = #map}]} {
    %mul3A = arith.constant 16 : i32
    %mul3A_0 = arith.muli %arg0, %mul3A : i32
    %add3A = arith.addi %mul3A_0, %arg1 : i32
    %mul3A_1 = arith.constant 80 : i32
    %mul3A_2 = arith.muli %add3A, %mul3A_1 : i32
    %mul3A_3 = arith.constant 40960 : i32
    %mul3A_4 = arith.muli %arg1, %mul3A_3 : i32
    %dma_start3A = tpu.memref_slice %arg14[%mul3A_4] : memref<655360xf32, #tpu.memory_space<vmem_shared>> -> memref<40960xf32, #tpu.memory_space<vmem_shared>>
    tpu.enqueue_dma source(%arg6 : memref<40960xf32, #tpu.memory_space<hbm>>) target(%dma_start3A : memref<40960xf32, #tpu.memory_space<vmem_shared>>) target_semaphore(%arg15 : memref<!tpu.dma_semaphore, #tpu.memory_space<semaphore_mem>>)
    tpu.enqueue_dma source(%arg4 : memref<10240xf32, #tpu.memory_space<hbm>>) target(%arg12 : memref<10240xf32, #tpu.memory_space<vmem>>) target_semaphore(%arg15 : memref<!tpu.dma_semaphore, #tpu.memory_space<semaphore_mem>>)
    tpu.enqueue_dma source(%arg5 : memref<10240xi32, #tpu.memory_space<hbm>>) target(%arg13 : memref<10240xi32, #tpu.memory_space<vmem>>) target_semaphore(%arg15 : memref<!tpu.dma_semaphore, #tpu.memory_space<semaphore_mem>>)
    %dma_start3A_5 = arith.constant 0 : i32
    %dma_start3A_6 = tpu.memref_slice %arg2[%mul3A_2, %dma_start3A_5] : memref<2560x128xi32, #tpu.memory_space<hbm>> -> memref<80x128xi32, #tpu.memory_space<hbm>>
    %dma_start3A_7 = arith.constant 0 : i32
    %dma_start3A_8 = tpu.memref_slice %arg2[%mul3A_2, %dma_start3A_7] : memref<2560x128xi32, #tpu.memory_space<hbm>> -> memref<80x128xi32, #tpu.memory_space<hbm>>
    tpu.enqueue_dma source(%dma_start3A_8 : memref<80x128xi32, #tpu.memory_space<hbm>>) target(%arg8 : memref<80x128xi32, #tpu.memory_space<vmem>>) target_semaphore(%arg15 : memref<!tpu.dma_semaphore, #tpu.memory_space<semaphore_mem>>)
    %dma_start3A_9 = arith.constant 0 : i32
    %dma_start3A_10 = tpu.memref_slice %arg3[%mul3A_2, %dma_start3A_9] : memref<2560x128xi32, #tpu.memory_space<hbm>> -> memref<80x128xi32, #tpu.memory_space<hbm>>
    %dma_start3A_11 = arith.constant 0 : i32
    %dma_start3A_12 = tpu.memref_slice %arg3[%mul3A_2, %dma_start3A_11] : memref<2560x128xi32, #tpu.memory_space<hbm>> -> memref<80x128xi32, #tpu.memory_space<hbm>>
    tpu.enqueue_dma source(%dma_start3A_12 : memref<80x128xi32, #tpu.memory_space<hbm>>) target(%arg9 : memref<80x128xi32, #tpu.memory_space<vmem>>) target_semaphore(%arg15 : memref<!tpu.dma_semaphore, #tpu.memory_space<semaphore_mem>>)
    %mul3A_13 = arith.constant 40960 : i32
    %mul3A_14 = arith.muli %arg1, %mul3A_13 : i32
    %dma_wait3A = tpu.memref_slice %arg14[%mul3A_14] : memref<655360xf32, #tpu.memory_space<vmem_shared>> -> memref<40960xf32, #tpu.memory_space<vmem_shared>>
    tpu.wait_dma2 semaphore(%arg15 : memref<!tpu.dma_semaphore, #tpu.memory_space<semaphore_mem>>) src(%arg6 : memref<40960xf32, #tpu.memory_space<hbm>>) dst(%dma_wait3A : memref<40960xf32, #tpu.memory_space<vmem_shared>>)
    tpu.wait_dma2 semaphore(%arg15 : memref<!tpu.dma_semaphore, #tpu.memory_space<semaphore_mem>>) src(%arg4 : memref<10240xf32, #tpu.memory_space<hbm>>) dst(%arg12 : memref<10240xf32, #tpu.memory_space<vmem>>)
    tpu.wait_dma2 semaphore(%arg15 : memref<!tpu.dma_semaphore, #tpu.memory_space<semaphore_mem>>) src(%arg5 : memref<10240xi32, #tpu.memory_space<hbm>>) dst(%arg13 : memref<10240xi32, #tpu.memory_space<vmem>>)
    %dma_wait3A_15 = arith.constant 0 : i32
    %dma_wait3A_16 = tpu.memref_slice %arg2[%mul3A_2, %dma_wait3A_15] : memref<2560x128xi32, #tpu.memory_space<hbm>> -> memref<80x128xi32, #tpu.memory_space<hbm>>
    %dma_wait3A_17 = arith.constant 0 : i32
    %dma_wait3A_18 = tpu.memref_slice %arg2[%mul3A_2, %dma_wait3A_17] : memref<2560x128xi32, #tpu.memory_space<hbm>> -> memref<80x128xi32, #tpu.memory_space<hbm>>
    tpu.wait_dma2 semaphore(%arg15 : memref<!tpu.dma_semaphore, #tpu.memory_space<semaphore_mem>>) src(%dma_wait3A_18 : memref<80x128xi32, #tpu.memory_space<hbm>>) dst(%arg8 : memref<80x128xi32, #tpu.memory_space<vmem>>)
    %dma_wait3A_19 = arith.constant 0 : i32
    %dma_wait3A_20 = tpu.memref_slice %arg3[%mul3A_2, %dma_wait3A_19] : memref<2560x128xi32, #tpu.memory_space<hbm>> -> memref<80x128xi32, #tpu.memory_space<hbm>>
    %dma_wait3A_21 = arith.constant 0 : i32
    %dma_wait3A_22 = tpu.memref_slice %arg3[%mul3A_2, %dma_wait3A_21] : memref<2560x128xi32, #tpu.memory_space<hbm>> -> memref<80x128xi32, #tpu.memory_space<hbm>>
    tpu.wait_dma2 semaphore(%arg15 : memref<!tpu.dma_semaphore, #tpu.memory_space<semaphore_mem>>) src(%dma_wait3A_22 : memref<80x128xi32, #tpu.memory_space<hbm>>) dst(%arg9 : memref<80x128xi32, #tpu.memory_space<vmem>>)
    %broadcast_in_dim3A = arith.constant 0.000000e+00 : f32
    %broadcast_in_dim3A_23 = vector.broadcast %broadcast_in_dim3A : f32 to vector<16xf32>
    %broadcast_in_dim3A_24 = arith.constant 0 : i32
    %broadcast_in_dim3A_25 = vector.broadcast %broadcast_in_dim3A_24 : i32 to vector<16xi32>
    %swap3A = arith.constant 10000 : index
    %swap3A_26 = tpu.vector_load %arg12[%swap3A] {strides = array<i32>} : memref<10240xf32, #tpu.memory_space<vmem>>, vector<16xf32>,
    tpu.vector_store %arg12[%swap3A], %broadcast_in_dim3A_23 {strides = array<i32>} : memref<10240xf32, #tpu.memory_space<vmem>>, vector<16xf32>,
    %swap3A_27 = arith.constant 10000 : index
    %swap3A_28 = tpu.vector_load %arg13[%swap3A_27] {strides = array<i32>} : memref<10240xi32, #tpu.memory_space<vmem>>, vector<16xi32>,
    tpu.vector_store %arg13[%swap3A_27], %broadcast_in_dim3A_25 {strides = array<i32>} : memref<10240xi32, #tpu.memory_space<vmem>>, vector<16xi32>,
    %swap3A_29 = arith.constant 10016 : index
    %swap3A_30 = tpu.vector_load %arg12[%swap3A_29] {strides = array<i32>} : memref<10240xf32, #tpu.memory_space<vmem>>, vector<16xf32>,
    tpu.vector_store %arg12[%swap3A_29], %broadcast_in_dim3A_23 {strides = array<i32>} : memref<10240xf32, #tpu.memory_space<vmem>>, vector<16xf32>,
    %swap3A_31 = arith.constant 10016 : index
    %swap3A_32 = tpu.vector_load %arg13[%swap3A_31] {strides = array<i32>} : memref<10240xi32, #tpu.memory_space<vmem>>, vector<16xi32>,
    tpu.vector_store %arg13[%swap3A_31], %broadcast_in_dim3A_25 {strides = array<i32>} : memref<10240xi32, #tpu.memory_space<vmem>>, vector<16xi32>,
    %swap3A_33 = arith.constant 10032 : index
    %swap3A_34 = tpu.vector_load %arg12[%swap3A_33] {strides = array<i32>} : memref<10240xf32, #tpu.memory_space<vmem>>, vector<16xf32>,
    tpu.vector_store %arg12[%swap3A_33], %broadcast_in_dim3A_23 {strides = array<i32>} : memref<10240xf32, #tpu.memory_space<vmem>>, vector<16xf32>,
    %swap3A_35 = arith.constant 10032 : index
    %swap3A_36 = tpu.vector_load %arg13[%swap3A_35] {strides = array<i32>} : memref<10240xi32, #tpu.memory_space<vmem>>, vector<16xi32>,
    tpu.vector_store %arg13[%swap3A_35], %broadcast_in_dim3A_25 {strides = array<i32>} : memref<10240xi32, #tpu.memory_space<vmem>>, vector<16xi32>,
    %swap3A_37 = arith.constant 10048 : index
    %swap3A_38 = tpu.vector_load %arg12[%swap3A_37] {strides = array<i32>} : memref<10240xf32, #tpu.memory_space<vmem>>, vector<16xf32>,
    tpu.vector_store %arg12[%swap3A_37], %broadcast_in_dim3A_23 {strides = array<i32>} : memref<10240xf32, #tpu.memory_space<vmem>>, vector<16xf32>,
    %swap3A_39 = arith.constant 10048 : index
    %swap3A_40 = tpu.vector_load %arg13[%swap3A_39] {strides = array<i32>} : memref<10240xi32, #tpu.memory_space<vmem>>, vector<16xi32>,
    tpu.vector_store %arg13[%swap3A_39], %broadcast_in_dim3A_25 {strides = array<i32>} : memref<10240xi32, #tpu.memory_space<vmem>>, vector<16xi32>,
    %swap3A_41 = arith.constant 10064 : index
    %swap3A_42 = tpu.vector_load %arg12[%swap3A_41] {strides = array<i32>} : memref<10240xf32, #tpu.memory_space<vmem>>, vector<16xf32>,
    tpu.vector_store %arg12[%swap3A_41], %broadcast_in_dim3A_23 {strides = array<i32>} : memref<10240xf32, #tpu.memory_space<vmem>>, vector<16xf32>,
    %swap3A_43 = arith.constant 10064 : index
    %swap3A_44 = tpu.vector_load %arg13[%swap3A_43] {strides = array<i32>} : memref<10240xi32, #tpu.memory_space<vmem>>, vector<16xi32>,
    tpu.vector_store %arg13[%swap3A_43], %broadcast_in_dim3A_25 {strides = array<i32>} : memref<10240xi32, #tpu.memory_space<vmem>>, vector<16xi32>,
    %swap3A_45 = arith.constant 10080 : index
    %swap3A_46 = tpu.vector_load %arg12[%swap3A_45] {strides = array<i32>} : memref<10240xf32, #tpu.memory_space<vmem>>, vector<16xf32>,
    tpu.vector_store %arg12[%swap3A_45], %broadcast_in_dim3A_23 {strides = array<i32>} : memref<10240xf32, #tpu.memory_space<vmem>>, vector<16xf32>,
    %swap3A_47 = arith.constant 10080 : index
    %swap3A_48 = tpu.vector_load %arg13[%swap3A_47] {strides = array<i32>} : memref<10240xi32, #tpu.memory_space<vmem>>, vector<16xi32>,
    tpu.vector_store %arg13[%swap3A_47], %broadcast_in_dim3A_25 {strides = array<i32>} : memref<10240xi32, #tpu.memory_space<vmem>>, vector<16xi32>,
    %swap3A_49 = arith.constant 10096 : index
    %swap3A_50 = tpu.vector_load %arg12[%swap3A_49] {strides = array<i32>} : memref<10240xf32, #tpu.memory_space<vmem>>, vector<16xf32>,
    tpu.vector_store %arg12[%swap3A_49], %broadcast_in_dim3A_23 {strides = array<i32>} : memref<10240xf32, #tpu.memory_space<vmem>>, vector<16xf32>,
    %swap3A_51 = arith.constant 10096 : index
    %swap3A_52 = tpu.vector_load %arg13[%swap3A_51] {strides = array<i32>} : memref<10240xi32, #tpu.memory_space<vmem>>, vector<16xi32>,
    tpu.vector_store %arg13[%swap3A_51], %broadcast_in_dim3A_25 {strides = array<i32>} : memref<10240xi32, #tpu.memory_space<vmem>>, vector<16xi32>,
    %swap3A_53 = arith.constant 10112 : index
    %swap3A_54 = tpu.vector_load %arg12[%swap3A_53] {strides = array<i32>} : memref<10240xf32, #tpu.memory_space<vmem>>, vector<16xf32>,
    tpu.vector_store %arg12[%swap3A_53], %broadcast_in_dim3A_23 {strides = array<i32>} : memref<10240xf32, #tpu.memory_space<vmem>>, vector<16xf32>,
    %swap3A_55 = arith.constant 10112 : index
    %swap3A_56 = tpu.vector_load %arg13[%swap3A_55] {strides = array<i32>} : memref<10240xi32, #tpu.memory_space<vmem>>, vector<16xi32>,
    tpu.vector_store %arg13[%swap3A_55], %broadcast_in_dim3A_25 {strides = array<i32>} : memref<10240xi32, #tpu.memory_space<vmem>>, vector<16xi32>,
    %swap3A_57 = arith.constant 10128 : index
    %swap3A_58 = tpu.vector_load %arg12[%swap3A_57] {strides = array<i32>} : memref<10240xf32, #tpu.memory_space<vmem>>, vector<16xf32>,
    tpu.vector_store %arg12[%swap3A_57], %broadcast_in_dim3A_23 {strides = array<i32>} : memref<10240xf32, #tpu.memory_space<vmem>>, vector<16xf32>,
    %swap3A_59 = arith.constant 10128 : index
    %swap3A_60 = tpu.vector_load %arg13[%swap3A_59] {strides = array<i32>} : memref<10240xi32, #tpu.memory_space<vmem>>, vector<16xi32>,
    tpu.vector_store %arg13[%swap3A_59], %broadcast_in_dim3A_25 {strides = array<i32>} : memref<10240xi32, #tpu.memory_space<vmem>>, vector<16xi32>,
    %swap3A_61 = arith.constant 10144 : index
    %swap3A_62 = tpu.vector_load %arg12[%swap3A_61] {strides = array<i32>} : memref<10240xf32, #tpu.memory_space<vmem>>, vector<16xf32>,
    tpu.vector_store %arg12[%swap3A_61], %broadcast_in_dim3A_23 {strides = array<i32>} : memref<10240xf32, #tpu.memory_space<vmem>>, vector<16xf32>,
    %swap3A_63 = arith.constant 10144 : index
    %swap3A_64 = tpu.vector_load %arg13[%swap3A_63] {strides = array<i32>} : memref<10240xi32, #tpu.memory_space<vmem>>, vector<16xi32>,
    tpu.vector_store %arg13[%swap3A_63], %broadcast_in_dim3A_25 {strides = array<i32>} : memref<10240xi32, #tpu.memory_space<vmem>>, vector<16xi32>,
    %swap3A_65 = arith.constant 10160 : index
    %swap3A_66 = tpu.vector_load %arg12[%swap3A_65] {strides = array<i32>} : memref<10240xf32, #tpu.memory_space<vmem>>, vector<16xf32>,
    tpu.vector_store %arg12[%swap3A_65], %broadcast_in_dim3A_23 {strides = array<i32>} : memref<10240xf32, #tpu.memory_space<vmem>>, vector<16xf32>,
    %swap3A_67 = arith.constant 10160 : index
    %swap3A_68 = tpu.vector_load %arg13[%swap3A_67] {strides = array<i32>} : memref<10240xi32, #tpu.memory_space<vmem>>, vector<16xi32>,
    tpu.vector_store %arg13[%swap3A_67], %broadcast_in_dim3A_25 {strides = array<i32>} : memref<10240xi32, #tpu.memory_space<vmem>>, vector<16xi32>,
    %swap3A_69 = arith.constant 10176 : index
    %swap3A_70 = tpu.vector_load %arg12[%swap3A_69] {strides = array<i32>} : memref<10240xf32, #tpu.memory_space<vmem>>, vector<16xf32>,
    tpu.vector_store %arg12[%swap3A_69], %broadcast_in_dim3A_23 {strides = array<i32>} : memref<10240xf32, #tpu.memory_space<vmem>>, vector<16xf32>,
    %swap3A_71 = arith.constant 10176 : index
    %swap3A_72 = tpu.vector_load %arg13[%swap3A_71] {strides = array<i32>} : memref<10240xi32, #tpu.memory_space<vmem>>, vector<16xi32>,
    tpu.vector_store %arg13[%swap3A_71], %broadcast_in_dim3A_25 {strides = array<i32>} : memref<10240xi32, #tpu.memory_space<vmem>>, vector<16xi32>,
    %swap3A_73 = arith.constant 10192 : index
    %swap3A_74 = tpu.vector_load %arg12[%swap3A_73] {strides = array<i32>} : memref<10240xf32, #tpu.memory_space<vmem>>, vector<16xf32>,
    tpu.vector_store %arg12[%swap3A_73], %broadcast_in_dim3A_23 {strides = array<i32>} : memref<10240xf32, #tpu.memory_space<vmem>>, vector<16xf32>,
    %swap3A_75 = arith.constant 10192 : index
    %swap3A_76 = tpu.vector_load %arg13[%swap3A_75] {strides = array<i32>} : memref<10240xi32, #tpu.memory_space<vmem>>, vector<16xi32>,
    tpu.vector_store %arg13[%swap3A_75], %broadcast_in_dim3A_25 {strides = array<i32>} : memref<10240xi32, #tpu.memory_space<vmem>>, vector<16xi32>,
    %swap3A_77 = arith.constant 10208 : index
    %swap3A_78 = tpu.vector_load %arg12[%swap3A_77] {strides = array<i32>} : memref<10240xf32, #tpu.memory_space<vmem>>, vector<16xf32>,
    tpu.vector_store %arg12[%swap3A_77], %broadcast_in_dim3A_23 {strides = array<i32>} : memref<10240xf32, #tpu.memory_space<vmem>>, vector<16xf32>,
    %swap3A_79 = arith.constant 10208 : index
    %swap3A_80 = tpu.vector_load %arg13[%swap3A_79] {strides = array<i32>} : memref<10240xi32, #tpu.memory_space<vmem>>, vector<16xi32>,
    tpu.vector_store %arg13[%swap3A_79], %broadcast_in_dim3A_25 {strides = array<i32>} : memref<10240xi32, #tpu.memory_space<vmem>>, vector<16xi32>,
    %swap3A_81 = arith.constant 10224 : index
    %swap3A_82 = tpu.vector_load %arg12[%swap3A_81] {strides = array<i32>} : memref<10240xf32, #tpu.memory_space<vmem>>, vector<16xf32>,
    tpu.vector_store %arg12[%swap3A_81], %broadcast_in_dim3A_23 {strides = array<i32>} : memref<10240xf32, #tpu.memory_space<vmem>>, vector<16xf32>,
    %swap3A_83 = arith.constant 10224 : index
    %swap3A_84 = tpu.vector_load %arg13[%swap3A_83] {strides = array<i32>} : memref<10240xi32, #tpu.memory_space<vmem>>, vector<16xi32>,
    tpu.vector_store %arg13[%swap3A_83], %broadcast_in_dim3A_25 {strides = array<i32>} : memref<10240xi32, #tpu.memory_space<vmem>>, vector<16xi32>,
    %barrier3A = arith.constant 0 : index
    tpu.barrier barrier_id(%barrier3A)
    %scan3A = arith.constant 0 : i32
    %scan3A_85 = arith.constant 80 : i32
    %scan3A_86 = arith.addi %scan3A, %scan3A_85 : i32
    %scan3A_87 = arith.constant 1 : i32
    scf.for %scan3A_99 = %scan3A to %scan3A_86 step %scan3A_87  : i32 {
      %mul3A_100 = arith.constant 1 : i32
      %mul3A_101 = arith.muli %scan3A_99, %mul3A_100 : i32
      %add3A_102 = arith.constant 0 : i32
      %add3A_103 = arith.addi %add3A_102, %mul3A_101 : i32
      %scan3A_104 = arith.constant 0 : i32
      %scan3A_105 = arith.constant 8 : i32
      %scan3A_106 = arith.addi %scan3A_104, %scan3A_105 : i32
      %scan3A_107 = arith.constant 1 : i32
      scf.for %scan3A_117 = %scan3A_104 to %scan3A_106 step %scan3A_107  : i32 {
        %mul3A_118 = arith.constant 1 : i32
        %mul3A_119 = arith.muli %scan3A_117, %mul3A_118 : i32
        %add3A_120 = arith.constant 0 : i32
        %add3A_121 = arith.addi %add3A_120, %mul3A_119 : i32
        %mul3A_122 = arith.constant 16 : i32
        %mul3A_123 = arith.muli %mul3A_122, %add3A_121 : i32
        %get3A = arith.index_cast %add3A_103 : i32 to index
        %get3A_124 = arith.index_cast %mul3A_123 : i32 to index
        %get3A_125 = tpu.vector_load %arg8[%get3A, %get3A_124] {strides = array<i32>} : memref<80x128xi32, #tpu.memory_space<vmem>>, vector<16xi32>,
        %mul3A_126 = arith.constant 16 : i32
        %mul3A_127 = arith.muli %mul3A_126, %add3A_121 : i32
        %get3A_128 = arith.index_cast %add3A_103 : i32 to index
        %get3A_129 = arith.index_cast %mul3A_127 : i32 to index
        %get3A_130 = tpu.vector_load %arg9[%get3A_128, %get3A_129] {strides = array<i32>} : memref<80x128xi32, #tpu.memory_space<vmem>>, vector<16xi32>,
        %gather3A = tpu.vector_load_idx %arg12[%get3A_130] : memref<10240xf32, #tpu.memory_space<vmem>>[vector<16xi32>], vector<16xf32>,
        %mul3A_131 = arith.constant 16 : i32
        %mul3A_132 = arith.muli %mul3A_131, %add3A_121 : i32
        %swap3A_133 = arith.index_cast %add3A_103 : i32 to index
        %swap3A_134 = arith.index_cast %mul3A_132 : i32 to index
        %swap3A_135 = tpu.vector_load %arg10[%swap3A_133, %swap3A_134] {strides = array<i32>} : memref<80x128xf32, #tpu.memory_space<vmem>>, vector<16xf32>,
        tpu.vector_store %arg10[%swap3A_133, %swap3A_134], %gather3A {strides = array<i32>} : memref<80x128xf32, #tpu.memory_space<vmem>>, vector<16xf32>,
        %gather3A_136 = tpu.vector_load_idx %arg13[%get3A_130] : memref<10240xi32, #tpu.memory_space<vmem>>[vector<16xi32>], vector<16xi32>,
        %mul3A_137 = arith.constant 10240 : i32
        %mul3A_138 = vector.broadcast %mul3A_137 : i32 to vector<16xi32>
        %mul3A_139 = arith.muli %gather3A_136, %mul3A_138 : vector<16xi32>
        %add3A_140 = arith.addi %mul3A_139, %get3A_125 : vector<16xi32>
        %mul3A_141 = arith.constant 16 : i32
        %mul3A_142 = arith.muli %mul3A_141, %add3A_121 : i32
        %swap3A_143 = arith.index_cast %add3A_103 : i32 to index
        %swap3A_144 = arith.index_cast %mul3A_142 : i32 to index
        %swap3A_145 = tpu.vector_load %arg11[%swap3A_143, %swap3A_144] {strides = array<i32>} : memref<80x128xi32, #tpu.memory_space<vmem>>, vector<16xi32>,
        tpu.vector_store %arg11[%swap3A_143, %swap3A_144], %add3A_140 {strides = array<i32>} : memref<80x128xi32, #tpu.memory_space<vmem>>, vector<16xi32>,
      }
      %scan3A_108 = arith.constant 8 : i32
      %dma_start3A_109 = arith.constant 0 : i32
      %dma_start3A_110 = tpu.memref_slice %arg10[%add3A_103, %dma_start3A_109] : memref<80x128xf32, #tpu.memory_space<vmem>> -> memref<1x128xf32, #tpu.memory_space<vmem>>
      %dma_start3A_111 = tpu.memref_squeeze %dma_start3A_110 : memref<1x128xf32, #tpu.memory_space<vmem>> -> memref<128xf32, #tpu.memory_space<vmem>>
      %dma_start3A_112 = arith.constant 0 : i32
      %dma_start3A_113 = tpu.memref_slice %arg11[%add3A_103, %dma_start3A_112] : memref<80x128xi32, #tpu.memory_space<vmem>> -> memref<1x128xi32, #tpu.memory_space<vmem>>
      %dma_start3A_114 = tpu.memref_squeeze %dma_start3A_113 : memref<1x128xi32, #tpu.memory_space<vmem>> -> memref<128xi32, #tpu.memory_space<vmem>>
      %dma_start3A_115 = arith.constant 0 : i32
      %dma_start3A_116 = tpu.memref_slice %arg14[%dma_start3A_115] : memref<655360xf32, #tpu.memory_space<vmem_shared>> -> memref<655360xf32, #tpu.memory_space<vmem_shared>>
      tpu.enqueue_indirect_dma source(%dma_start3A_111 : memref<128xf32, #tpu.memory_space<vmem>>) target(%dma_start3A_116 : memref<655360xf32, #tpu.memory_space<vmem_shared>>) offsets(%dma_start3A_114 : memref<128xi32, #tpu.memory_space<vmem>>) semaphore(%arg15 : memref<!tpu.dma_semaphore, #tpu.memory_space<semaphore_mem>>) {add = true}
    }
    %scan3A_88 = arith.constant 80 : i32
    %scan3A_89 = arith.constant 0 : i32
    %scan3A_90 = arith.constant 80 : i32
    %scan3A_91 = arith.addi %scan3A_89, %scan3A_90 : i32
    %scan3A_92 = arith.constant 1 : i32
    scf.for %scan3A_99 = %scan3A_89 to %scan3A_91 step %scan3A_92  : i32 {
      %mul3A_100 = arith.constant 1 : i32
      %mul3A_101 = arith.muli %scan3A_99, %mul3A_100 : i32
      %add3A_102 = arith.constant 0 : i32
      %add3A_103 = arith.addi %add3A_102, %mul3A_101 : i32
      %dma_wait3A_104 = arith.constant 0 : i32
      %dma_wait3A_105 = arith.constant 0 : i32
      %dma_wait3A_106 = arith.constant 0 : i32
      %dma_wait3A_107 = tpu.memref_slice %arg10[%dma_wait3A_104, %dma_wait3A_106] : memref<80x128xf32, #tpu.memory_space<vmem>> -> memref<1x128xf32, #tpu.memory_space<vmem>>
      %dma_wait3A_108 = tpu.memref_squeeze %dma_wait3A_107 : memref<1x128xf32, #tpu.memory_space<vmem>> -> memref<128xf32, #tpu.memory_space<vmem>>
      %dma_wait3A_109 = arith.constant 0 : i32
      %dma_wait3A_110 = tpu.memref_slice %arg11[%dma_wait3A_105, %dma_wait3A_109] : memref<80x128xi32, #tpu.memory_space<vmem>> -> memref<1x128xi32, #tpu.memory_space<vmem>>
      %dma_wait3A_111 = tpu.memref_squeeze %dma_wait3A_110 : memref<1x128xi32, #tpu.memory_space<vmem>> -> memref<128xi32, #tpu.memory_space<vmem>>
      %dma_wait3A_112 = arith.constant 0 : i32
      %dma_wait3A_113 = tpu.memref_slice %arg14[%dma_wait3A_112] : memref<655360xf32, #tpu.memory_space<vmem_shared>> -> memref<655360xf32, #tpu.memory_space<vmem_shared>>
      tpu.wait_indirect_dma semaphore(%arg15 : memref<!tpu.dma_semaphore, #tpu.memory_space<semaphore_mem>>) src(%dma_wait3A_108 : memref<128xf32, #tpu.memory_space<vmem>>) dst(%dma_wait3A_113 : memref<655360xf32, #tpu.memory_space<vmem_shared>>)
    }
    %scan3A_93 = arith.constant 80 : i32
    %barrier3A_94 = arith.constant 0 : index
    tpu.barrier barrier_id(%barrier3A_94)
    %mul3A_95 = arith.constant 40960 : i32
    %mul3A_96 = arith.muli %arg1, %mul3A_95 : i32
    %mul3A_97 = arith.constant 40960 : i32
    %mul3A_98 = arith.muli %arg1, %mul3A_97 : i32
    "tpu.region"() ({
      %run_scoped3A = tpu.sem_alloc : memref<!tpu.dma_semaphore, #tpu.memory_space<semaphore_mem>>
      %dma_start3A_99 = tpu.memref_slice %arg7[%arg0, %mul3A_98] : memref<2x655360xf32, #tpu.memory_space<hbm>> -> memref<1x40960xf32, #tpu.memory_space<hbm>>
      %dma_start3A_100 = tpu.memref_squeeze %dma_start3A_99 : memref<1x40960xf32, #tpu.memory_space<hbm>> -> memref<40960xf32, #tpu.memory_space<hbm>>
      %dma_start3A_101 = tpu.memref_slice %arg14[%mul3A_96] : memref<655360xf32, #tpu.memory_space<vmem_shared>> -> memref<40960xf32, #tpu.memory_space<vmem_shared>>
      tpu.enqueue_dma source(%dma_start3A_101 : memref<40960xf32, #tpu.memory_space<vmem_shared>>) target(%dma_start3A_100 : memref<40960xf32, #tpu.memory_space<hbm>>) target_semaphore(%run_scoped3A : memref<!tpu.dma_semaphore, #tpu.memory_space<semaphore_mem>>)
      %dma_wait3A_102 = tpu.memref_slice %arg7[%arg0, %mul3A_98] : memref<2x655360xf32, #tpu.memory_space<hbm>> -> memref<1x40960xf32, #tpu.memory_space<hbm>>
      %dma_wait3A_103 = tpu.memref_squeeze %dma_wait3A_102 : memref<1x40960xf32, #tpu.memory_space<hbm>> -> memref<40960xf32, #tpu.memory_space<hbm>>
      %dma_wait3A_104 = tpu.memref_slice %arg14[%mul3A_96] : memref<655360xf32, #tpu.memory_space<vmem_shared>> -> memref<40960xf32, #tpu.memory_space<vmem_shared>>
      tpu.wait_dma2 semaphore(%run_scoped3A : memref<!tpu.dma_semaphore, #tpu.memory_space<semaphore_mem>>) src(%dma_wait3A_104 : memref<40960xf32, #tpu.memory_space<vmem_shared>>) dst(%dma_wait3A_103 : memref<40960xf32, #tpu.memory_space<hbm>>)
      tpu.yield
    }) : () -> ()
    return
  }
}

#map = affine_map<(d0, d1) -> (0, 0)>
#map1 = affine_map<(d0, d1) -> (0)>
module attributes {stable_mosaic.version = 14 : i64} {
  func.func @_deg_call(%arg0: i32, %arg1: i32, %arg2: memref<2560x128xi32, #tpu.memory_space<hbm>>, %arg3: memref<128xf32, #tpu.memory_space<hbm>>, %arg4: memref<640xf32, #tpu.memory_space<hbm>>, %arg5: memref<2x10240xf32, #tpu.memory_space<hbm>>, %arg6: memref<80x128xi32, #tpu.memory_space<vmem>>, %arg7: memref<128xf32, #tpu.memory_space<vmem>>, %arg8: memref<10240xf32, #tpu.memory_space<vmem_shared>>, %arg9: memref<!tpu.dma_semaphore, #tpu.memory_space<semaphore_mem>>) attributes {dimension_semantics = [#tpu.dimension_semantics<core_parallel>, #tpu.dimension_semantics<subcore_parallel>], iteration_bounds = array<i64: 2, 16>, scalar_prefetch = 0 : i64, scratch_operands = 4 : i64, tpu.core_type = #tpu.core_type<sc_vector_subcore>, window_params = [{transform_indices = #map}, {transform_indices = #map1}, {transform_indices = #map1}, {transform_indices = #map}]} {
    %mul3A = arith.constant 16 : i32
    %mul3A_0 = arith.muli %arg0, %mul3A : i32
    %add3A = arith.addi %mul3A_0, %arg1 : i32
    %mul3A_1 = arith.constant 80 : i32
    %mul3A_2 = arith.muli %add3A, %mul3A_1 : i32
    %mul3A_3 = arith.constant 640 : i32
    %mul3A_4 = arith.muli %arg1, %mul3A_3 : i32
    %dma_start3A = tpu.memref_slice %arg8[%mul3A_4] : memref<10240xf32, #tpu.memory_space<vmem_shared>> -> memref<640xf32, #tpu.memory_space<vmem_shared>>
    tpu.enqueue_dma source(%arg4 : memref<640xf32, #tpu.memory_space<hbm>>) target(%dma_start3A : memref<640xf32, #tpu.memory_space<vmem_shared>>) target_semaphore(%arg9 : memref<!tpu.dma_semaphore, #tpu.memory_space<semaphore_mem>>)
    tpu.enqueue_dma source(%arg3 : memref<128xf32, #tpu.memory_space<hbm>>) target(%arg7 : memref<128xf32, #tpu.memory_space<vmem>>) target_semaphore(%arg9 : memref<!tpu.dma_semaphore, #tpu.memory_space<semaphore_mem>>)
    %dma_start3A_5 = arith.constant 0 : i32
    %dma_start3A_6 = tpu.memref_slice %arg2[%mul3A_2, %dma_start3A_5] : memref<2560x128xi32, #tpu.memory_space<hbm>> -> memref<80x128xi32, #tpu.memory_space<hbm>>
    %dma_start3A_7 = arith.constant 0 : i32
    %dma_start3A_8 = tpu.memref_slice %arg2[%mul3A_2, %dma_start3A_7] : memref<2560x128xi32, #tpu.memory_space<hbm>> -> memref<80x128xi32, #tpu.memory_space<hbm>>
    tpu.enqueue_dma source(%dma_start3A_8 : memref<80x128xi32, #tpu.memory_space<hbm>>) target(%arg6 : memref<80x128xi32, #tpu.memory_space<vmem>>) target_semaphore(%arg9 : memref<!tpu.dma_semaphore, #tpu.memory_space<semaphore_mem>>)
    %mul3A_9 = arith.constant 640 : i32
    %mul3A_10 = arith.muli %arg1, %mul3A_9 : i32
    %dma_wait3A = tpu.memref_slice %arg8[%mul3A_10] : memref<10240xf32, #tpu.memory_space<vmem_shared>> -> memref<640xf32, #tpu.memory_space<vmem_shared>>
    tpu.wait_dma2 semaphore(%arg9 : memref<!tpu.dma_semaphore, #tpu.memory_space<semaphore_mem>>) src(%arg4 : memref<640xf32, #tpu.memory_space<hbm>>) dst(%dma_wait3A : memref<640xf32, #tpu.memory_space<vmem_shared>>)
    tpu.wait_dma2 semaphore(%arg9 : memref<!tpu.dma_semaphore, #tpu.memory_space<semaphore_mem>>) src(%arg3 : memref<128xf32, #tpu.memory_space<hbm>>) dst(%arg7 : memref<128xf32, #tpu.memory_space<vmem>>)
    %dma_wait3A_11 = arith.constant 0 : i32
    %dma_wait3A_12 = tpu.memref_slice %arg2[%mul3A_2, %dma_wait3A_11] : memref<2560x128xi32, #tpu.memory_space<hbm>> -> memref<80x128xi32, #tpu.memory_space<hbm>>
    %dma_wait3A_13 = arith.constant 0 : i32
    %dma_wait3A_14 = tpu.memref_slice %arg2[%mul3A_2, %dma_wait3A_13] : memref<2560x128xi32, #tpu.memory_space<hbm>> -> memref<80x128xi32, #tpu.memory_space<hbm>>
    tpu.wait_dma2 semaphore(%arg9 : memref<!tpu.dma_semaphore, #tpu.memory_space<semaphore_mem>>) src(%dma_wait3A_14 : memref<80x128xi32, #tpu.memory_space<hbm>>) dst(%arg6 : memref<80x128xi32, #tpu.memory_space<vmem>>)
    %barrier3A = arith.constant 0 : index
    tpu.barrier barrier_id(%barrier3A)
    %scan3A = arith.constant 0 : i32
    %scan3A_15 = arith.constant 80 : i32
    %scan3A_16 = arith.addi %scan3A, %scan3A_15 : i32
    %scan3A_17 = arith.constant 1 : i32
    scf.for %scan3A_29 = %scan3A to %scan3A_16 step %scan3A_17  : i32 {
      %mul3A_30 = arith.constant 1 : i32
      %mul3A_31 = arith.muli %scan3A_29, %mul3A_30 : i32
      %add3A_32 = arith.constant 0 : i32
      %add3A_33 = arith.addi %add3A_32, %mul3A_31 : i32
      %dma_start3A_34 = arith.constant 0 : i32
      %dma_start3A_35 = tpu.memref_slice %arg6[%add3A_33, %dma_start3A_34] : memref<80x128xi32, #tpu.memory_space<vmem>> -> memref<1x128xi32, #tpu.memory_space<vmem>>
      %dma_start3A_36 = tpu.memref_squeeze %dma_start3A_35 : memref<1x128xi32, #tpu.memory_space<vmem>> -> memref<128xi32, #tpu.memory_space<vmem>>
      %dma_start3A_37 = arith.constant 0 : i32
      %dma_start3A_38 = tpu.memref_slice %arg8[%dma_start3A_37] : memref<10240xf32, #tpu.memory_space<vmem_shared>> -> memref<10240xf32, #tpu.memory_space<vmem_shared>>
      tpu.enqueue_indirect_dma source(%arg7 : memref<128xf32, #tpu.memory_space<vmem>>) target(%dma_start3A_38 : memref<10240xf32, #tpu.memory_space<vmem_shared>>) offsets(%dma_start3A_36 : memref<128xi32, #tpu.memory_space<vmem>>) semaphore(%arg9 : memref<!tpu.dma_semaphore, #tpu.memory_space<semaphore_mem>>) {add = true}
    }
    %scan3A_18 = arith.constant 80 : i32
    %scan3A_19 = arith.constant 0 : i32
    %scan3A_20 = arith.constant 80 : i32
    %scan3A_21 = arith.addi %scan3A_19, %scan3A_20 : i32
    %scan3A_22 = arith.constant 1 : i32
    scf.for %scan3A_29 = %scan3A_19 to %scan3A_21 step %scan3A_22  : i32 {
      %mul3A_30 = arith.constant 1 : i32
      %mul3A_31 = arith.muli %scan3A_29, %mul3A_30 : i32
      %add3A_32 = arith.constant 0 : i32
      %add3A_33 = arith.addi %add3A_32, %mul3A_31 : i32
      %dma_wait3A_34 = arith.constant 0 : i32
      %dma_wait3A_35 = arith.constant 0 : i32
      %dma_wait3A_36 = tpu.memref_slice %arg6[%dma_wait3A_34, %dma_wait3A_35] : memref<80x128xi32, #tpu.memory_space<vmem>> -> memref<1x128xi32, #tpu.memory_space<vmem>>
      %dma_wait3A_37 = tpu.memref_squeeze %dma_wait3A_36 : memref<1x128xi32, #tpu.memory_space<vmem>> -> memref<128xi32, #tpu.memory_space<vmem>>
      %dma_wait3A_38 = arith.constant 0 : i32
      %dma_wait3A_39 = tpu.memref_slice %arg8[%dma_wait3A_38] : memref<10240xf32, #tpu.memory_space<vmem_shared>> -> memref<10240xf32, #tpu.memory_space<vmem_shared>>
      tpu.wait_indirect_dma semaphore(%arg9 : memref<!tpu.dma_semaphore, #tpu.memory_space<semaphore_mem>>) src(%arg7 : memref<128xf32, #tpu.memory_space<vmem>>) dst(%dma_wait3A_39 : memref<10240xf32, #tpu.memory_space<vmem_shared>>)
    }
    %scan3A_23 = arith.constant 80 : i32
    %barrier3A_24 = arith.constant 0 : index
    tpu.barrier barrier_id(%barrier3A_24)
    %mul3A_25 = arith.constant 640 : i32
    %mul3A_26 = arith.muli %arg1, %mul3A_25 : i32
    %mul3A_27 = arith.constant 640 : i32
    %mul3A_28 = arith.muli %arg1, %mul3A_27 : i32
    "tpu.region"() ({
      %run_scoped3A = tpu.sem_alloc : memref<!tpu.dma_semaphore, #tpu.memory_space<semaphore_mem>>
      %dma_start3A_29 = tpu.memref_slice %arg5[%arg0, %mul3A_28] : memref<2x10240xf32, #tpu.memory_space<hbm>> -> memref<1x640xf32, #tpu.memory_space<hbm>>
      %dma_start3A_30 = tpu.memref_squeeze %dma_start3A_29 : memref<1x640xf32, #tpu.memory_space<hbm>> -> memref<640xf32, #tpu.memory_space<hbm>>
      %dma_start3A_31 = tpu.memref_slice %arg8[%mul3A_26] : memref<10240xf32, #tpu.memory_space<vmem_shared>> -> memref<640xf32, #tpu.memory_space<vmem_shared>>
      tpu.enqueue_dma source(%dma_start3A_31 : memref<640xf32, #tpu.memory_space<vmem_shared>>) target(%dma_start3A_30 : memref<640xf32, #tpu.memory_space<hbm>>) target_semaphore(%run_scoped3A : memref<!tpu.dma_semaphore, #tpu.memory_space<semaphore_mem>>)
      %dma_wait3A_32 = tpu.memref_slice %arg5[%arg0, %mul3A_28] : memref<2x10240xf32, #tpu.memory_space<hbm>> -> memref<1x640xf32, #tpu.memory_space<hbm>>
      %dma_wait3A_33 = tpu.memref_squeeze %dma_wait3A_32 : memref<1x640xf32, #tpu.memory_space<hbm>> -> memref<640xf32, #tpu.memory_space<hbm>>
      %dma_wait3A_34 = tpu.memref_slice %arg8[%mul3A_26] : memref<10240xf32, #tpu.memory_space<vmem_shared>> -> memref<640xf32, #tpu.memory_space<vmem_shared>>
      tpu.wait_dma2 semaphore(%run_scoped3A : memref<!tpu.dma_semaphore, #tpu.memory_space<semaphore_mem>>) src(%dma_wait3A_34 : memref<640xf32, #tpu.memory_space<vmem_shared>>) dst(%dma_wait3A_33 : memref<640xf32, #tpu.memory_space<hbm>>)
      tpu.yield
    }) : () -> ()
    return
  }
}

#map = affine_map<(d0, d1) -> (0)>
#map1 = affine_map<(d0, d1) -> (0, 0)>
#map2 = affine_map<(d0, d1) -> (0, 0, 0)>
module attributes {stable_mosaic.version = 14 : i64} {
  func.func @_agg_call(%arg0: i32, %arg1: i32, %arg2: memref<327680xi32, #tpu.memory_space<hbm>>, %arg3: memref<327680xi32, #tpu.memory_space<hbm>>, %arg4: memref<10240x128xf32, #tpu.memory_space<hbm>>, %arg5: memref<640x128xf32, #tpu.memory_space<hbm>>, %arg6: memref<2x10240x128xf32, #tpu.memory_space<hbm>>, %arg7: memref<80xi32, #tpu.memory_space<vmem>>, %arg8: memref<80xi32, #tpu.memory_space<vmem>>, %arg9: memref<80xi32, #tpu.memory_space<vmem>>, %arg10: memref<80xi32, #tpu.memory_space<vmem>>, %arg11: memref<80xi32, #tpu.memory_space<vmem>>, %arg12: memref<80xi32, #tpu.memory_space<vmem>>, %arg13: memref<80xi32, #tpu.memory_space<vmem>>, %arg14: memref<80xi32, #tpu.memory_space<vmem>>, %arg15: memref<80xi32, #tpu.memory_space<vmem>>, %arg16: memref<80xi32, #tpu.memory_space<vmem>>, %arg17: memref<80xi32, #tpu.memory_space<vmem>>, %arg18: memref<80xi32, #tpu.memory_space<vmem>>, %arg19: memref<80xi32, #tpu.memory_space<vmem>>, %arg20: memref<80xi32, #tpu.memory_space<vmem>>, %arg21: memref<80xi32, #tpu.memory_space<vmem>>, %arg22: memref<80xi32, #tpu.memory_space<vmem>>, %arg23: memref<80x128xf32, #tpu.memory_space<vmem>>, %arg24: memref<80x128xf32, #tpu.memory_space<vmem>>, %arg25: memref<80x128xf32, #tpu.memory_space<vmem>>, %arg26: memref<80x128xf32, #tpu.memory_space<vmem>>, %arg27: memref<10240x128xf32, #tpu.memory_space<vmem_shared>>, %arg28: memref<!tpu.dma_semaphore, #tpu.memory_space<semaphore_mem>>, %arg29: memref<!tpu.dma_semaphore, #tpu.memory_space<semaphore_mem>>, %arg30: memref<!tpu.dma_semaphore, #tpu.memory_space<semaphore_mem>>, %arg31: memref<!tpu.dma_semaphore, #tpu.memory_space<semaphore_mem>>, %arg32: memref<!tpu.dma_semaphore, #tpu.memory_space<semaphore_mem>>, %arg33: memref<!tpu.dma_semaphore, #tpu.memory_space<semaphore_mem>>, %arg34: memref<!tpu.dma_semaphore, #tpu.memory_space<semaphore_mem>>, %arg35: memref<!tpu.dma_semaphore, #tpu.memory_space<semaphore_mem>>, %arg36: memref<!tpu.dma_semaphore, #tpu.memory_space<semaphore_mem>>, %arg37: memref<!tpu.dma_semaphore, #tpu.memory_space<semaphore_mem>>, %arg38: memref<!tpu.dma_semaphore, #tpu.memory_space<semaphore_mem>>, %arg39: memref<!tpu.dma_semaphore, #tpu.memory_space<semaphore_mem>>, %arg40: memref<!tpu.dma_semaphore, #tpu.memory_space<semaphore_mem>>, %arg41: memref<!tpu.dma_semaphore, #tpu.memory_space<semaphore_mem>>, %arg42: memref<!tpu.dma_semaphore, #tpu.memory_space<semaphore_mem>>, %arg43: memref<!tpu.dma_semaphore, #tpu.memory_space<semaphore_mem>>) attributes {dimension_semantics = [#tpu.dimension_semantics<core_parallel>, #tpu.dimension_semantics<subcore_parallel>], iteration_bounds = array<i64: 2, 16>, scalar_prefetch = 0 : i64, scratch_operands = 37 : i64, tpu.core_type = #tpu.core_type<sc_vector_subcore>, window_params = [{transform_indices = #map}, {transform_indices = #map}, {transform_indices = #map1}, {transform_indices = #map1}, {transform_indices = #map2}]} {
    %mul3A = arith.constant 16 : i32
    %mul3A_0 = arith.muli %arg0, %mul3A : i32
    %add3A = arith.addi %mul3A_0, %arg1 : i32
    %mul3A_1 = arith.constant 128 : i32
    %mul3A_2 = arith.muli %add3A, %mul3A_1 : i32
    %mul3A_3 = arith.constant 80 : i32
    %mul3A_4 = arith.muli %mul3A_2, %mul3A_3 : i32
    %mul3A_5 = arith.constant 640 : i32
    %mul3A_6 = arith.muli %arg1, %mul3A_5 : i32
    %dma_start3A = arith.constant 0 : i32
    %dma_start3A_7 = tpu.memref_slice %arg27[%mul3A_6, %dma_start3A] : memref<10240x128xf32, #tpu.memory_space<vmem_shared>> -> memref<640x128xf32, #tpu.memory_space<vmem_shared>>
    tpu.enqueue_dma source(%arg5 : memref<640x128xf32, #tpu.memory_space<hbm>>) target(%dma_start3A_7 : memref<640x128xf32, #tpu.memory_space<vmem_shared>>) target_semaphore(%arg40 : memref<!tpu.dma_semaphore, #tpu.memory_space<semaphore_mem>>)
    %add3A_8 = arith.constant 0 : i32
    %add3A_9 = arith.addi %mul3A_4, %add3A_8 : i32
    %multiple_of3A = tpu.assume_multiple %add3A_9, 8 : i32
    %dma_start3A_10 = tpu.memref_slice %arg2[%multiple_of3A] : memref<327680xi32, #tpu.memory_space<hbm>> -> memref<80xi32, #tpu.memory_space<hbm>>
    %dma_start3A_11 = tpu.memref_slice %arg2[%multiple_of3A] : memref<327680xi32, #tpu.memory_space<hbm>> -> memref<80xi32, #tpu.memory_space<hbm>>
    tpu.enqueue_dma source(%dma_start3A_11 : memref<80xi32, #tpu.memory_space<hbm>>) target(%arg7 : memref<80xi32, #tpu.memory_space<vmem>>) target_semaphore(%arg28 : memref<!tpu.dma_semaphore, #tpu.memory_space<semaphore_mem>>)
    %dma_start3A_12 = tpu.memref_slice %arg3[%multiple_of3A] : memref<327680xi32, #tpu.memory_space<hbm>> -> memref<80xi32, #tpu.memory_space<hbm>>
    %dma_start3A_13 = tpu.memref_slice %arg3[%multiple_of3A] : memref<327680xi32, #tpu.memory_space<hbm>> -> memref<80xi32, #tpu.memory_space<hbm>>
    tpu.enqueue_dma source(%dma_start3A_13 : memref<80xi32, #tpu.memory_space<hbm>>) target(%arg15 : memref<80xi32, #tpu.memory_space<vmem>>) target_semaphore(%arg28 : memref<!tpu.dma_semaphore, #tpu.memory_space<semaphore_mem>>)
    %add3A_14 = arith.constant 80 : i32
    %add3A_15 = arith.addi %mul3A_4, %add3A_14 : i32
    %multiple_of3A_16 = tpu.assume_multiple %add3A_15, 8 : i32
    %dma_start3A_17 = tpu.memref_slice %arg2[%multiple_of3A_16] : memref<327680xi32, #tpu.memory_space<hbm>> -> memref<80xi32, #tpu.memory_space<hbm>>
    %dma_start3A_18 = tpu.memref_slice %arg2[%multiple_of3A_16] : memref<327680xi32, #tpu.memory_space<hbm>> -> memref<80xi32, #tpu.memory_space<hbm>>
    tpu.enqueue_dma source(%dma_start3A_18 : memref<80xi32, #tpu.memory_space<hbm>>) target(%arg8 : memref<80xi32, #tpu.memory_space<vmem>>) target_semaphore(%arg29 : memref<!tpu.dma_semaphore, #tpu.memory_space<semaphore_mem>>)
    %dma_start3A_19 = tpu.memref_slice %arg3[%multiple_of3A_16] : memref<327680xi32, #tpu.memory_space<hbm>> -> memref<80xi32, #tpu.memory_space<hbm>>
    %dma_start3A_20 = tpu.memref_slice %arg3[%multiple_of3A_16] : memref<327680xi32, #tpu.memory_space<hbm>> -> memref<80xi32, #tpu.memory_space<hbm>>
    tpu.enqueue_dma source(%dma_start3A_20 : memref<80xi32, #tpu.memory_space<hbm>>) target(%arg16 : memref<80xi32, #tpu.memory_space<vmem>>) target_semaphore(%arg29 : memref<!tpu.dma_semaphore, #tpu.memory_space<semaphore_mem>>)
    %add3A_21 = arith.constant 160 : i32
    %add3A_22 = arith.addi %mul3A_4, %add3A_21 : i32
    %multiple_of3A_23 = tpu.assume_multiple %add3A_22, 8 : i32
    %dma_start3A_24 = tpu.memref_slice %arg2[%multiple_of3A_23] : memref<327680xi32, #tpu.memory_space<hbm>> -> memref<80xi32, #tpu.memory_space<hbm>>
    %dma_start3A_25 = tpu.memref_slice %arg2[%multiple_of3A_23] : memref<327680xi32, #tpu.memory_space<hbm>> -> memref<80xi32, #tpu.memory_space<hbm>>
    tpu.enqueue_dma source(%dma_start3A_25 : memref<80xi32, #tpu.memory_space<hbm>>) target(%arg9 : memref<80xi32, #tpu.memory_space<vmem>>) target_semaphore(%arg30 : memref<!tpu.dma_semaphore, #tpu.memory_space<semaphore_mem>>)
    %dma_start3A_26 = tpu.memref_slice %arg3[%multiple_of3A_23] : memref<327680xi32, #tpu.memory_space<hbm>> -> memref<80xi32, #tpu.memory_space<hbm>>
    %dma_start3A_27 = tpu.memref_slice %arg3[%multiple_of3A_23] : memref<327680xi32, #tpu.memory_space<hbm>> -> memref<80xi32, #tpu.memory_space<hbm>>
    tpu.enqueue_dma source(%dma_start3A_27 : memref<80xi32, #tpu.memory_space<hbm>>) target(%arg17 : memref<80xi32, #tpu.memory_space<vmem>>) target_semaphore(%arg30 : memref<!tpu.dma_semaphore, #tpu.memory_space<semaphore_mem>>)
    %add3A_28 = arith.constant 240 : i32
    %add3A_29 = arith.addi %mul3A_4, %add3A_28 : i32
    %multiple_of3A_30 = tpu.assume_multiple %add3A_29, 8 : i32
    %dma_start3A_31 = tpu.memref_slice %arg2[%multiple_of3A_30] : memref<327680xi32, #tpu.memory_space<hbm>> -> memref<80xi32, #tpu.memory_space<hbm>>
    %dma_start3A_32 = tpu.memref_slice %arg2[%multiple_of3A_30] : memref<327680xi32, #tpu.memory_space<hbm>> -> memref<80xi32, #tpu.memory_space<hbm>>
    tpu.enqueue_dma source(%dma_start3A_32 : memref<80xi32, #tpu.memory_space<hbm>>) target(%arg10 : memref<80xi32, #tpu.memory_space<vmem>>) target_semaphore(%arg31 : memref<!tpu.dma_semaphore, #tpu.memory_space<semaphore_mem>>)
    %dma_start3A_33 = tpu.memref_slice %arg3[%multiple_of3A_30] : memref<327680xi32, #tpu.memory_space<hbm>> -> memref<80xi32, #tpu.memory_space<hbm>>
    %dma_start3A_34 = tpu.memref_slice %arg3[%multiple_of3A_30] : memref<327680xi32, #tpu.memory_space<hbm>> -> memref<80xi32, #tpu.memory_space<hbm>>
    tpu.enqueue_dma source(%dma_start3A_34 : memref<80xi32, #tpu.memory_space<hbm>>) target(%arg18 : memref<80xi32, #tpu.memory_space<vmem>>) target_semaphore(%arg31 : memref<!tpu.dma_semaphore, #tpu.memory_space<semaphore_mem>>)
    %add3A_35 = arith.constant 320 : i32
    %add3A_36 = arith.addi %mul3A_4, %add3A_35 : i32
    %multiple_of3A_37 = tpu.assume_multiple %add3A_36, 8 : i32
    %dma_start3A_38 = tpu.memref_slice %arg2[%multiple_of3A_37] : memref<327680xi32, #tpu.memory_space<hbm>> -> memref<80xi32, #tpu.memory_space<hbm>>
    %dma_start3A_39 = tpu.memref_slice %arg2[%multiple_of3A_37] : memref<327680xi32, #tpu.memory_space<hbm>> -> memref<80xi32, #tpu.memory_space<hbm>>
    tpu.enqueue_dma source(%dma_start3A_39 : memref<80xi32, #tpu.memory_space<hbm>>) target(%arg11 : memref<80xi32, #tpu.memory_space<vmem>>) target_semaphore(%arg32 : memref<!tpu.dma_semaphore, #tpu.memory_space<semaphore_mem>>)
    %dma_start3A_40 = tpu.memref_slice %arg3[%multiple_of3A_37] : memref<327680xi32, #tpu.memory_space<hbm>> -> memref<80xi32, #tpu.memory_space<hbm>>
    %dma_start3A_41 = tpu.memref_slice %arg3[%multiple_of3A_37] : memref<327680xi32, #tpu.memory_space<hbm>> -> memref<80xi32, #tpu.memory_space<hbm>>
    tpu.enqueue_dma source(%dma_start3A_41 : memref<80xi32, #tpu.memory_space<hbm>>) target(%arg19 : memref<80xi32, #tpu.memory_space<vmem>>) target_semaphore(%arg32 : memref<!tpu.dma_semaphore, #tpu.memory_space<semaphore_mem>>)
    %add3A_42 = arith.constant 400 : i32
    %add3A_43 = arith.addi %mul3A_4, %add3A_42 : i32
    %multiple_of3A_44 = tpu.assume_multiple %add3A_43, 8 : i32
    %dma_start3A_45 = tpu.memref_slice %arg2[%multiple_of3A_44] : memref<327680xi32, #tpu.memory_space<hbm>> -> memref<80xi32, #tpu.memory_space<hbm>>
    %dma_start3A_46 = tpu.memref_slice %arg2[%multiple_of3A_44] : memref<327680xi32, #tpu.memory_space<hbm>> -> memref<80xi32, #tpu.memory_space<hbm>>
    tpu.enqueue_dma source(%dma_start3A_46 : memref<80xi32, #tpu.memory_space<hbm>>) target(%arg12 : memref<80xi32, #tpu.memory_space<vmem>>) target_semaphore(%arg33 : memref<!tpu.dma_semaphore, #tpu.memory_space<semaphore_mem>>)
    %dma_start3A_47 = tpu.memref_slice %arg3[%multiple_of3A_44] : memref<327680xi32, #tpu.memory_space<hbm>> -> memref<80xi32, #tpu.memory_space<hbm>>
    %dma_start3A_48 = tpu.memref_slice %arg3[%multiple_of3A_44] : memref<327680xi32, #tpu.memory_space<hbm>> -> memref<80xi32, #tpu.memory_space<hbm>>
    tpu.enqueue_dma source(%dma_start3A_48 : memref<80xi32, #tpu.memory_space<hbm>>) target(%arg20 : memref<80xi32, #tpu.memory_space<vmem>>) target_semaphore(%arg33 : memref<!tpu.dma_semaphore, #tpu.memory_space<semaphore_mem>>)
    %mul3A_49 = arith.constant 640 : i32
    %mul3A_50 = arith.muli %arg1, %mul3A_49 : i32
    %dma_wait3A = arith.constant 0 : i32
    %dma_wait3A_51 = tpu.memref_slice %arg27[%mul3A_50, %dma_wait3A] : memref<10240x128xf32, #tpu.memory_space<vmem_shared>> -> memref<640x128xf32, #tpu.memory_space<vmem_shared>>
    tpu.wait_dma2 semaphore(%arg40 : memref<!tpu.dma_semaphore, #tpu.memory_space<semaphore_mem>>) src(%arg5 : memref<640x128xf32, #tpu.memory_space<hbm>>) dst(%dma_wait3A_51 : memref<640x128xf32, #tpu.memory_space<vmem_shared>>)
    %barrier3A = arith.constant 0 : index
    tpu.barrier barrier_id(%barrier3A)
    %dma_wait3A_52 = arith.constant 0 : i32
    %dma_wait3A_53 = tpu.memref_slice %arg2[%dma_wait3A_52] : memref<327680xi32, #tpu.memory_space<hbm>> -> memref<80xi32, #tpu.memory_space<hbm>>
    %dma_wait3A_54 = arith.constant 0 : i32
    %dma_wait3A_55 = tpu.memref_slice %arg2[%dma_wait3A_54] : memref<327680xi32, #tpu.memory_space<hbm>> -> memref<80xi32, #tpu.memory_space<hbm>>
    tpu.wait_dma2 semaphore(%arg28 : memref<!tpu.dma_semaphore, #tpu.memory_space<semaphore_mem>>) src(%dma_wait3A_55 : memref<80xi32, #tpu.memory_space<hbm>>) dst(%arg7 : memref<80xi32, #tpu.memory_space<vmem>>)
    %dma_wait3A_56 = arith.constant 0 : i32
    %dma_wait3A_57 = tpu.memref_slice %arg3[%dma_wait3A_56] : memref<327680xi32, #tpu.memory_space<hbm>> -> memref<80xi32, #tpu.memory_space<hbm>>
    %dma_wait3A_58 = arith.constant 0 : i32
    %dma_wait3A_59 = tpu.memref_slice %arg3[%dma_wait3A_58] : memref<327680xi32, #tpu.memory_space<hbm>> -> memref<80xi32, #tpu.memory_space<hbm>>
    tpu.wait_dma2 semaphore(%arg28 : memref<!tpu.dma_semaphore, #tpu.memory_space<semaphore_mem>>) src(%dma_wait3A_59 : memref<80xi32, #tpu.memory_space<hbm>>) dst(%arg15 : memref<80xi32, #tpu.memory_space<vmem>>)
    %dma_start3A_60 = arith.constant 0 : i32
    %dma_start3A_61 = arith.constant 0 : i32
    %dma_start3A_62 = tpu.memref_slice %arg4[%dma_start3A_60, %dma_start3A_61] : memref<10240x128xf32, #tpu.memory_space<hbm>> -> memref<10240x128xf32, #tpu.memory_space<hbm>>
    tpu.enqueue_indirect_dma source(%dma_start3A_62 : memref<10240x128xf32, #tpu.memory_space<hbm>>) target(%arg23 : memref<80x128xf32, #tpu.memory_space<vmem>>) offsets(%arg7 : memref<80xi32, #tpu.memory_space<vmem>>) semaphore(%arg36 : memref<!tpu.dma_semaphore, #tpu.memory_space<semaphore_mem>>)
    %dma_wait3A_63 = arith.constant 0 : i32
    %dma_wait3A_64 = tpu.memref_slice %arg2[%dma_wait3A_63] : memref<327680xi32, #tpu.memory_space<hbm>> -> memref<80xi32, #tpu.memory_space<hbm>>
    %dma_wait3A_65 = arith.constant 0 : i32
    %dma_wait3A_66 = tpu.memref_slice %arg2[%dma_wait3A_65] : memref<327680xi32, #tpu.memory_space<hbm>> -> memref<80xi32, #tpu.memory_space<hbm>>
    tpu.wait_dma2 semaphore(%arg29 : memref<!tpu.dma_semaphore, #tpu.memory_space<semaphore_mem>>) src(%dma_wait3A_66 : memref<80xi32, #tpu.memory_space<hbm>>) dst(%arg8 : memref<80xi32, #tpu.memory_space<vmem>>)
    %dma_wait3A_67 = arith.constant 0 : i32
    %dma_wait3A_68 = tpu.memref_slice %arg3[%dma_wait3A_67] : memref<327680xi32, #tpu.memory_space<hbm>> -> memref<80xi32, #tpu.memory_space<hbm>>
    %dma_wait3A_69 = arith.constant 0 : i32
    %dma_wait3A_70 = tpu.memref_slice %arg3[%dma_wait3A_69] : memref<327680xi32, #tpu.memory_space<hbm>> -> memref<80xi32, #tpu.memory_space<hbm>>
    tpu.wait_dma2 semaphore(%arg29 : memref<!tpu.dma_semaphore, #tpu.memory_space<semaphore_mem>>) src(%dma_wait3A_70 : memref<80xi32, #tpu.memory_space<hbm>>) dst(%arg16 : memref<80xi32, #tpu.memory_space<vmem>>)
    %dma_start3A_71 = arith.constant 0 : i32
    %dma_start3A_72 = arith.constant 0 : i32
    %dma_start3A_73 = tpu.memref_slice %arg4[%dma_start3A_71, %dma_start3A_72] : memref<10240x128xf32, #tpu.memory_space<hbm>> -> memref<10240x128xf32, #tpu.memory_space<hbm>>
    tpu.enqueue_indirect_dma source(%dma_start3A_73 : memref<10240x128xf32, #tpu.memory_space<hbm>>) target(%arg24 : memref<80x128xf32, #tpu.memory_space<vmem>>) offsets(%arg8 : memref<80xi32, #tpu.memory_space<vmem>>) semaphore(%arg37 : memref<!tpu.dma_semaphore, #tpu.memory_space<semaphore_mem>>)
    %scan3A = arith.constant 0 : i32
    %scan3A_74 = arith.constant 16 : i32
    %scan3A_75 = arith.addi %scan3A, %scan3A_74 : i32
    %scan3A_76 = arith.constant 1 : i32
    scf.for %scan3A_89 = %scan3A to %scan3A_75 step %scan3A_76  : i32 {
      %mul3A_90 = arith.constant 1 : i32
      %mul3A_91 = arith.muli %scan3A_89, %mul3A_90 : i32
      %add3A_92 = arith.constant 0 : i32
      %add3A_93 = arith.addi %add3A_92, %mul3A_91 : i32
      %dma_wait3A_94 = arith.constant 0 : i32
      %dma_wait3A_95 = arith.constant 0 : i32
      %dma_wait3A_96 = tpu.memref_slice %arg4[%dma_wait3A_94, %dma_wait3A_95] : memref<10240x128xf32, #tpu.memory_space<hbm>> -> memref<10240x128xf32, #tpu.memory_space<hbm>>
      tpu.wait_indirect_dma semaphore(%arg36 : memref<!tpu.dma_semaphore, #tpu.memory_space<semaphore_mem>>) src(%dma_wait3A_96 : memref<10240x128xf32, #tpu.memory_space<hbm>>) dst(%arg23 : memref<80x128xf32, #tpu.memory_space<vmem>>)
      %dma_start3A_97 = arith.constant 0 : i32
      %dma_start3A_98 = arith.constant 0 : i32
      %dma_start3A_99 = tpu.memref_slice %arg27[%dma_start3A_97, %dma_start3A_98] : memref<10240x128xf32, #tpu.memory_space<vmem_shared>> -> memref<10240x128xf32, #tpu.memory_space<vmem_shared>>
      tpu.enqueue_indirect_dma source(%arg23 : memref<80x128xf32, #tpu.memory_space<vmem>>) target(%dma_start3A_99 : memref<10240x128xf32, #tpu.memory_space<vmem_shared>>) offsets(%arg15 : memref<80xi32, #tpu.memory_space<vmem>>) semaphore(%arg40 : memref<!tpu.dma_semaphore, #tpu.memory_space<semaphore_mem>>) {add = true}
      %ge3A = arith.constant 1 : i32
      %ge3A_100 = arith.cmpi sge, %add3A_93, %ge3A : i32
      %convert_element_type3A = arith.extui %ge3A_100 : i1 to i32
      %cond3A = arith.constant 0 : i32
      %cond3A_101 = arith.cmpi ne, %convert_element_type3A, %cond3A : i32
      scf.if %cond3A_101 {
        %dma_wait3A_300 = arith.constant 0 : i32
        %dma_wait3A_301 = arith.constant 0 : i32
        %dma_wait3A_302 = tpu.memref_slice %arg27[%dma_wait3A_300, %dma_wait3A_301] : memref<10240x128xf32, #tpu.memory_space<vmem_shared>> -> memref<10240x128xf32, #tpu.memory_space<vmem_shared>>
        tpu.wait_indirect_dma semaphore(%arg42 : memref<!tpu.dma_semaphore, #tpu.memory_space<semaphore_mem>>) src(%arg25 : memref<80x128xf32, #tpu.memory_space<vmem>>) dst(%dma_wait3A_302 : memref<10240x128xf32, #tpu.memory_space<vmem_shared>>)
      } else {
      }
      %dma_wait3A_102 = arith.constant 0 : i32
      %dma_wait3A_103 = tpu.memref_slice %arg2[%dma_wait3A_102] : memref<327680xi32, #tpu.memory_space<hbm>> -> memref<80xi32, #tpu.memory_space<hbm>>
      %dma_wait3A_104 = arith.constant 0 : i32
      %dma_wait3A_105 = tpu.memref_slice %arg2[%dma_wait3A_104] : memref<327680xi32, #tpu.memory_space<hbm>> -> memref<80xi32, #tpu.memory_space<hbm>>
      tpu.wait_dma2 semaphore(%arg30 : memref<!tpu.dma_semaphore, #tpu.memory_space<semaphore_mem>>) src(%dma_wait3A_105 : memref<80xi32, #tpu.memory_space<hbm>>) dst(%arg9 : memref<80xi32, #tpu.memory_space<vmem>>)
      %dma_wait3A_106 = arith.constant 0 : i32
      %dma_wait3A_107 = tpu.memref_slice %arg3[%dma_wait3A_106] : memref<327680xi32, #tpu.memory_space<hbm>> -> memref<80xi32, #tpu.memory_space<hbm>>
      %dma_wait3A_108 = arith.constant 0 : i32
      %dma_wait3A_109 = tpu.memref_slice %arg3[%dma_wait3A_108] : memref<327680xi32, #tpu.memory_space<hbm>> -> memref<80xi32, #tpu.memory_space<hbm>>
      tpu.wait_dma2 semaphore(%arg30 : memref<!tpu.dma_semaphore, #tpu.memory_space<semaphore_mem>>) src(%dma_wait3A_109 : memref<80xi32, #tpu.memory_space<hbm>>) dst(%arg17 : memref<80xi32, #tpu.memory_space<vmem>>)
      %dma_start3A_110 = arith.constant 0 : i32
      %dma_start3A_111 = arith.constant 0 : i32
      %dma_start3A_112 = tpu.memref_slice %arg4[%dma_start3A_110, %dma_start3A_111] : memref<10240x128xf32, #tpu.memory_space<hbm>> -> memref<10240x128xf32, #tpu.memory_space<hbm>>
      tpu.enqueue_indirect_dma source(%dma_start3A_112 : memref<10240x128xf32, #tpu.memory_space<hbm>>) target(%arg25 : memref<80x128xf32, #tpu.memory_space<vmem>>) offsets(%arg9 : memref<80xi32, #tpu.memory_space<vmem>>) semaphore(%arg38 : memref<!tpu.dma_semaphore, #tpu.memory_space<semaphore_mem>>)
      %mul3A_113 = arith.constant 8 : i32
      %mul3A_114 = arith.muli %mul3A_113, %add3A_93 : i32
      %add3A_115 = arith.constant 0 : i32
      %add3A_116 = arith.addi %mul3A_114, %add3A_115 : i32
      %add3A_117 = arith.constant 6 : i32
      %add3A_118 = arith.addi %add3A_116, %add3A_117 : i32
      %mul3A_119 = arith.constant 80 : i32
      %mul3A_120 = arith.muli %add3A_118, %mul3A_119 : i32
      %add3A_121 = arith.addi %mul3A_4, %mul3A_120 : i32
      %multiple_of3A_122 = tpu.assume_multiple %add3A_121, 8 : i32
      %dma_start3A_123 = tpu.memref_slice %arg2[%multiple_of3A_122] : memref<327680xi32, #tpu.memory_space<hbm>> -> memref<80xi32, #tpu.memory_space<hbm>>
      %dma_start3A_124 = tpu.memref_slice %arg2[%multiple_of3A_122] : memref<327680xi32, #tpu.memory_space<hbm>> -> memref<80xi32, #tpu.memory_space<hbm>>
      tpu.enqueue_dma source(%dma_start3A_124 : memref<80xi32, #tpu.memory_space<hbm>>) target(%arg13 : memref<80xi32, #tpu.memory_space<vmem>>) target_semaphore(%arg34 : memref<!tpu.dma_semaphore, #tpu.memory_space<semaphore_mem>>)
      %dma_start3A_125 = tpu.memref_slice %arg3[%multiple_of3A_122] : memref<327680xi32, #tpu.memory_space<hbm>> -> memref<80xi32, #tpu.memory_space<hbm>>
      %dma_start3A_126 = tpu.memref_slice %arg3[%multiple_of3A_122] : memref<327680xi32, #tpu.memory_space<hbm>> -> memref<80xi32, #tpu.memory_space<hbm>>
      tpu.enqueue_dma source(%dma_start3A_126 : memref<80xi32, #tpu.memory_space<hbm>>) target(%arg21 : memref<80xi32, #tpu.memory_space<vmem>>) target_semaphore(%arg34 : memref<!tpu.dma_semaphore, #tpu.memory_space<semaphore_mem>>)
      %dma_wait3A_127 = arith.constant 0 : i32
      %dma_wait3A_128 = arith.constant 0 : i32
      %dma_wait3A_129 = tpu.memref_slice %arg4[%dma_wait3A_127, %dma_wait3A_128] : memref<10240x128xf32, #tpu.memory_space<hbm>> -> memref<10240x128xf32, #tpu.memory_space<hbm>>
      tpu.wait_indirect_dma semaphore(%arg37 : memref<!tpu.dma_semaphore, #tpu.memory_space<semaphore_mem>>) src(%dma_wait3A_129 : memref<10240x128xf32, #tpu.memory_space<hbm>>) dst(%arg24 : memref<80x128xf32, #tpu.memory_space<vmem>>)
      %dma_start3A_130 = arith.constant 0 : i32
      %dma_start3A_131 = arith.constant 0 : i32
      %dma_start3A_132 = tpu.memref_slice %arg27[%dma_start3A_130, %dma_start3A_131] : memref<10240x128xf32, #tpu.memory_space<vmem_shared>> -> memref<10240x128xf32, #tpu.memory_space<vmem_shared>>
      tpu.enqueue_indirect_dma source(%arg24 : memref<80x128xf32, #tpu.memory_space<vmem>>) target(%dma_start3A_132 : memref<10240x128xf32, #tpu.memory_space<vmem_shared>>) offsets(%arg16 : memref<80xi32, #tpu.memory_space<vmem>>) semaphore(%arg41 : memref<!tpu.dma_semaphore, #tpu.memory_space<semaphore_mem>>) {add = true}
      %ge3A_133 = arith.constant 1 : i32
      %ge3A_134 = arith.cmpi sge, %add3A_93, %ge3A_133 : i32
      %convert_element_type3A_135 = arith.extui %ge3A_134 : i1 to i32
      %cond3A_136 = arith.constant 0 : i32
      %cond3A_137 = arith.cmpi ne, %convert_element_type3A_135, %cond3A_136 : i32
      scf.if %cond3A_137 {
        %dma_wait3A_300 = arith.constant 0 : i32
        %dma_wait3A_301 = arith.constant 0 : i32
        %dma_wait3A_302 = tpu.memref_slice %arg27[%dma_wait3A_300, %dma_wait3A_301] : memref<10240x128xf32, #tpu.memory_space<vmem_shared>> -> memref<10240x128xf32, #tpu.memory_space<vmem_shared>>
        tpu.wait_indirect_dma semaphore(%arg43 : memref<!tpu.dma_semaphore, #tpu.memory_space<semaphore_mem>>) src(%arg26 : memref<80x128xf32, #tpu.memory_space<vmem>>) dst(%dma_wait3A_302 : memref<10240x128xf32, #tpu.memory_space<vmem_shared>>)
      } else {
      }
      %dma_wait3A_138 = arith.constant 0 : i32
      %dma_wait3A_139 = tpu.memref_slice %arg2[%dma_wait3A_138] : memref<327680xi32, #tpu.memory_space<hbm>> -> memref<80xi32, #tpu.memory_space<hbm>>
      %dma_wait3A_140 = arith.constant 0 : i32
      %dma_wait3A_141 = tpu.memref_slice %arg2[%dma_wait3A_140] : memref<327680xi32, #tpu.memory_space<hbm>> -> memref<80xi32, #tpu.memory_space<hbm>>
      tpu.wait_dma2 semaphore(%arg31 : memref<!tpu.dma_semaphore, #tpu.memory_space<semaphore_mem>>) src(%dma_wait3A_141 : memref<80xi32, #tpu.memory_space<hbm>>) dst(%arg10 : memref<80xi32, #tpu.memory_space<vmem>>)
      %dma_wait3A_142 = arith.constant 0 : i32
      %dma_wait3A_143 = tpu.memref_slice %arg3[%dma_wait3A_142] : memref<327680xi32, #tpu.memory_space<hbm>> -> memref<80xi32, #tpu.memory_space<hbm>>
      %dma_wait3A_144 = arith.constant 0 : i32
      %dma_wait3A_145 = tpu.memref_slice %arg3[%dma_wait3A_144] : memref<327680xi32, #tpu.memory_space<hbm>> -> memref<80xi32, #tpu.memory_space<hbm>>
      tpu.wait_dma2 semaphore(%arg31 : memref<!tpu.dma_semaphore, #tpu.memory_space<semaphore_mem>>) src(%dma_wait3A_145 : memref<80xi32, #tpu.memory_space<hbm>>) dst(%arg18 : memref<80xi32, #tpu.memory_space<vmem>>)
      %dma_start3A_146 = arith.constant 0 : i32
      %dma_start3A_147 = arith.constant 0 : i32
      %dma_start3A_148 = tpu.memref_slice %arg4[%dma_start3A_146, %dma_start3A_147] : memref<10240x128xf32, #tpu.memory_space<hbm>> -> memref<10240x128xf32, #tpu.memory_space<hbm>>
      tpu.enqueue_indirect_dma source(%dma_start3A_148 : memref<10240x128xf32, #tpu.memory_space<hbm>>) target(%arg26 : memref<80x128xf32, #tpu.memory_space<vmem>>) offsets(%arg10 : memref<80xi32, #tpu.memory_space<vmem>>) semaphore(%arg39 : memref<!tpu.dma_semaphore, #tpu.memory_space<semaphore_mem>>)
      %mul3A_149 = arith.constant 8 : i32
      %mul3A_150 = arith.muli %mul3A_149, %add3A_93 : i32
      %add3A_151 = arith.constant 1 : i32
      %add3A_152 = arith.addi %mul3A_150, %add3A_151 : i32
      %add3A_153 = arith.constant 6 : i32
      %add3A_154 = arith.addi %add3A_152, %add3A_153 : i32
      %mul3A_155 = arith.constant 80 : i32
      %mul3A_156 = arith.muli %add3A_154, %mul3A_155 : i32
      %add3A_157 = arith.addi %mul3A_4, %mul3A_156 : i32
      %multiple_of3A_158 = tpu.assume_multiple %add3A_157, 8 : i32
      %dma_start3A_159 = tpu.memref_slice %arg2[%multiple_of3A_158] : memref<327680xi32, #tpu.memory_space<hbm>> -> memref<80xi32, #tpu.memory_space<hbm>>
      %dma_start3A_160 = tpu.memref_slice %arg2[%multiple_of3A_158] : memref<327680xi32, #tpu.memory_space<hbm>> -> memref<80xi32, #tpu.memory_space<hbm>>
      tpu.enqueue_dma source(%dma_start3A_160 : memref<80xi32, #tpu.memory_space<hbm>>) target(%arg14 : memref<80xi32, #tpu.memory_space<vmem>>) target_semaphore(%arg35 : memref<!tpu.dma_semaphore, #tpu.memory_space<semaphore_mem>>)
      %dma_start3A_161 = tpu.memref_slice %arg3[%multiple_of3A_158] : memref<327680xi32, #tpu.memory_space<hbm>> -> memref<80xi32, #tpu.memory_space<hbm>>
      %dma_start3A_162 = tpu.memref_slice %arg3[%multiple_of3A_158] : memref<327680xi32, #tpu.memory_space<hbm>> -> memref<80xi32, #tpu.memory_space<hbm>>
      tpu.enqueue_dma source(%dma_start3A_162 : memref<80xi32, #tpu.memory_space<hbm>>) target(%arg22 : memref<80xi32, #tpu.memory_space<vmem>>) target_semaphore(%arg35 : memref<!tpu.dma_semaphore, #tpu.memory_space<semaphore_mem>>)
      %dma_wait3A_163 = arith.constant 0 : i32
      %dma_wait3A_164 = arith.constant 0 : i32
      %dma_wait3A_165 = tpu.memref_slice %arg4[%dma_wait3A_163, %dma_wait3A_164] : memref<10240x128xf32, #tpu.memory_space<hbm>> -> memref<10240x128xf32, #tpu.memory_space<hbm>>
      tpu.wait_indirect_dma semaphore(%arg38 : memref<!tpu.dma_semaphore, #tpu.memory_space<semaphore_mem>>) src(%dma_wait3A_165 : memref<10240x128xf32, #tpu.memory_space<hbm>>) dst(%arg25 : memref<80x128xf32, #tpu.memory_space<vmem>>)
      %dma_start3A_166 = arith.constant 0 : i32
      %dma_start3A_167 = arith.constant 0 : i32
      %dma_start3A_168 = tpu.memref_slice %arg27[%dma_start3A_166, %dma_start3A_167] : memref<10240x128xf32, #tpu.memory_space<vmem_shared>> -> memref<10240x128xf32, #tpu.memory_space<vmem_shared>>
      tpu.enqueue_indirect_dma source(%arg25 : memref<80x128xf32, #tpu.memory_space<vmem>>) target(%dma_start3A_168 : memref<10240x128xf32, #tpu.memory_space<vmem_shared>>) offsets(%arg17 : memref<80xi32, #tpu.memory_space<vmem>>) semaphore(%arg42 : memref<!tpu.dma_semaphore, #tpu.memory_space<semaphore_mem>>) {add = true}
      %lt3A = arith.constant 15 : i32
      %lt3A_169 = arith.cmpi slt, %add3A_93, %lt3A : i32
      %dma_wait3A_170 = arith.constant 0 : i32
      %dma_wait3A_171 = arith.constant 0 : i32
      %dma_wait3A_172 = tpu.memref_slice %arg27[%dma_wait3A_170, %dma_wait3A_171] : memref<10240x128xf32, #tpu.memory_space<vmem_shared>> -> memref<10240x128xf32, #tpu.memory_space<vmem_shared>>
      tpu.wait_indirect_dma semaphore(%arg40 : memref<!tpu.dma_semaphore, #tpu.memory_space<semaphore_mem>>) src(%arg23 : memref<80x128xf32, #tpu.memory_space<vmem>>) dst(%dma_wait3A_172 : memref<10240x128xf32, #tpu.memory_space<vmem_shared>>)
      %dma_wait3A_173 = arith.constant 0 : i32
      %dma_wait3A_174 = tpu.memref_slice %arg2[%dma_wait3A_173] : memref<327680xi32, #tpu.memory_space<hbm>> -> memref<80xi32, #tpu.memory_space<hbm>>
      %dma_wait3A_175 = arith.constant 0 : i32
      %dma_wait3A_176 = tpu.memref_slice %arg2[%dma_wait3A_175] : memref<327680xi32, #tpu.memory_space<hbm>> -> memref<80xi32, #tpu.memory_space<hbm>>
      tpu.wait_dma2 semaphore(%arg32 : memref<!tpu.dma_semaphore, #tpu.memory_space<semaphore_mem>>) src(%dma_wait3A_176 : memref<80xi32, #tpu.memory_space<hbm>>) dst(%arg11 : memref<80xi32, #tpu.memory_space<vmem>>)
      %dma_wait3A_177 = arith.constant 0 : i32
      %dma_wait3A_178 = tpu.memref_slice %arg3[%dma_wait3A_177] : memref<327680xi32, #tpu.memory_space<hbm>> -> memref<80xi32, #tpu.memory_space<hbm>>
      %dma_wait3A_179 = arith.constant 0 : i32
      %dma_wait3A_180 = tpu.memref_slice %arg3[%dma_wait3A_179] : memref<327680xi32, #tpu.memory_space<hbm>> -> memref<80xi32, #tpu.memory_space<hbm>>
      tpu.wait_dma2 semaphore(%arg32 : memref<!tpu.dma_semaphore, #tpu.memory_space<semaphore_mem>>) src(%dma_wait3A_180 : memref<80xi32, #tpu.memory_space<hbm>>) dst(%arg19 : memref<80xi32, #tpu.memory_space<vmem>>)
      %dma_start3A_181 = arith.constant 0 : i32
      %dma_start3A_182 = arith.constant 0 : i32
      %dma_start3A_183 = tpu.memref_slice %arg4[%dma_start3A_181, %dma_start3A_182] : memref<10240x128xf32, #tpu.memory_space<hbm>> -> memref<10240x128xf32, #tpu.memory_space<hbm>>
      tpu.enqueue_indirect_dma source(%dma_start3A_183 : memref<10240x128xf32, #tpu.memory_space<hbm>>) target(%arg23 : memref<80x128xf32, #tpu.memory_space<vmem>>) offsets(%arg11 : memref<80xi32, #tpu.memory_space<vmem>>) semaphore(%arg36 : memref<!tpu.dma_semaphore, #tpu.memory_space<semaphore_mem>>)
      %convert_element_type3A_184 = arith.extui %lt3A_169 : i1 to i32
      %cond3A_185 = arith.constant 0 : i32
      %cond3A_186 = arith.cmpi ne, %convert_element_type3A_184, %cond3A_185 : i32
      scf.if %cond3A_186 {
        %mul3A_300 = arith.constant 8 : i32
        %mul3A_301 = arith.muli %mul3A_300, %add3A_93 : i32
        %add3A_302 = arith.constant 2 : i32
        %add3A_303 = arith.addi %mul3A_301, %add3A_302 : i32
        %add3A_304 = arith.constant 6 : i32
        %add3A_305 = arith.addi %add3A_303, %add3A_304 : i32
        %mul3A_306 = arith.constant 80 : i32
        %mul3A_307 = arith.muli %add3A_305, %mul3A_306 : i32
        %add3A_308 = arith.addi %mul3A_4, %mul3A_307 : i32
        %multiple_of3A_309 = tpu.assume_multiple %add3A_308, 8 : i32
        %dma_start3A_310 = tpu.memref_slice %arg2[%multiple_of3A_309] : memref<327680xi32, #tpu.memory_space<hbm>> -> memref<80xi32, #tpu.memory_space<hbm>>
        %dma_start3A_311 = tpu.memref_slice %arg2[%multiple_of3A_309] : memref<327680xi32, #tpu.memory_space<hbm>> -> memref<80xi32, #tpu.memory_space<hbm>>
        tpu.enqueue_dma source(%dma_start3A_311 : memref<80xi32, #tpu.memory_space<hbm>>) target(%arg7 : memref<80xi32, #tpu.memory_space<vmem>>) target_semaphore(%arg28 : memref<!tpu.dma_semaphore, #tpu.memory_space<semaphore_mem>>)
        %dma_start3A_312 = tpu.memref_slice %arg3[%multiple_of3A_309] : memref<327680xi32, #tpu.memory_space<hbm>> -> memref<80xi32, #tpu.memory_space<hbm>>
        %dma_start3A_313 = tpu.memref_slice %arg3[%multiple_of3A_309] : memref<327680xi32, #tpu.memory_space<hbm>> -> memref<80xi32, #tpu.memory_space<hbm>>
        tpu.enqueue_dma source(%dma_start3A_313 : memref<80xi32, #tpu.memory_space<hbm>>) target(%arg15 : memref<80xi32, #tpu.memory_space<vmem>>) target_semaphore(%arg28 : memref<!tpu.dma_semaphore, #tpu.memory_space<semaphore_mem>>)
      } else {
      }
      %dma_wait3A_187 = arith.constant 0 : i32
      %dma_wait3A_188 = arith.constant 0 : i32
      %dma_wait3A_189 = tpu.memref_slice %arg4[%dma_wait3A_187, %dma_wait3A_188] : memref<10240x128xf32, #tpu.memory_space<hbm>> -> memref<10240x128xf32, #tpu.memory_space<hbm>>
      tpu.wait_indirect_dma semaphore(%arg39 : memref<!tpu.dma_semaphore, #tpu.memory_space<semaphore_mem>>) src(%dma_wait3A_189 : memref<10240x128xf32, #tpu.memory_space<hbm>>) dst(%arg26 : memref<80x128xf32, #tpu.memory_space<vmem>>)
      %dma_start3A_190 = arith.constant 0 : i32
      %dma_start3A_191 = arith.constant 0 : i32
      %dma_start3A_192 = tpu.memref_slice %arg27[%dma_start3A_190, %dma_start3A_191] : memref<10240x128xf32, #tpu.memory_space<vmem_shared>> -> memref<10240x128xf32, #tpu.memory_space<vmem_shared>>
      tpu.enqueue_indirect_dma source(%arg26 : memref<80x128xf32, #tpu.memory_space<vmem>>) target(%dma_start3A_192 : memref<10240x128xf32, #tpu.memory_space<vmem_shared>>) offsets(%arg18 : memref<80xi32, #tpu.memory_space<vmem>>) semaphore(%arg43 : memref<!tpu.dma_semaphore, #tpu.memory_space<semaphore_mem>>) {add = true}
      %lt3A_193 = arith.constant 15 : i32
      %lt3A_194 = arith.cmpi slt, %add3A_93, %lt3A_193 : i32
      %dma_wait3A_195 = arith.constant 0 : i32
      %dma_wait3A_196 = arith.constant 0 : i32
      %dma_wait3A_197 = tpu.memref_slice %arg27[%dma_wait3A_195, %dma_wait3A_196] : memref<10240x128xf32, #tpu.memory_space<vmem_shared>> -> memref<10240x128xf32, #tpu.memory_space<vmem_shared>>
      tpu.wait_indirect_dma semaphore(%arg41 : memref<!tpu.dma_semaphore, #tpu.memory_space<semaphore_mem>>) src(%arg24 : memref<80x128xf32, #tpu.memory_space<vmem>>) dst(%dma_wait3A_197 : memref<10240x128xf32, #tpu.memory_space<vmem_shared>>)
      %dma_wait3A_198 = arith.constant 0 : i32
      %dma_wait3A_199 = tpu.memref_slice %arg2[%dma_wait3A_198] : memref<327680xi32, #tpu.memory_space<hbm>> -> memref<80xi32, #tpu.memory_space<hbm>>
      %dma_wait3A_200 = arith.constant 0 : i32
      %dma_wait3A_201 = tpu.memref_slice %arg2[%dma_wait3A_200] : memref<327680xi32, #tpu.memory_space<hbm>> -> memref<80xi32, #tpu.memory_space<hbm>>
      tpu.wait_dma2 semaphore(%arg33 : memref<!tpu.dma_semaphore, #tpu.memory_space<semaphore_mem>>) src(%dma_wait3A_201 : memref<80xi32, #tpu.memory_space<hbm>>) dst(%arg12 : memref<80xi32, #tpu.memory_space<vmem>>)
      %dma_wait3A_202 = arith.constant 0 : i32
      %dma_wait3A_203 = tpu.memref_slice %arg3[%dma_wait3A_202] : memref<327680xi32, #tpu.memory_space<hbm>> -> memref<80xi32, #tpu.memory_space<hbm>>
      %dma_wait3A_204 = arith.constant 0 : i32
      %dma_wait3A_205 = tpu.memref_slice %arg3[%dma_wait3A_204] : memref<327680xi32, #tpu.memory_space<hbm>> -> memref<80xi32, #tpu.memory_space<hbm>>
      tpu.wait_dma2 semaphore(%arg33 : memref<!tpu.dma_semaphore, #tpu.memory_space<semaphore_mem>>) src(%dma_wait3A_205 : memref<80xi32, #tpu.memory_space<hbm>>) dst(%arg20 : memref<80xi32, #tpu.memory_space<vmem>>)
      %dma_start3A_206 = arith.constant 0 : i32
      %dma_start3A_207 = arith.constant 0 : i32
      %dma_start3A_208 = tpu.memref_slice %arg4[%dma_start3A_206, %dma_start3A_207] : memref<10240x128xf32, #tpu.memory_space<hbm>> -> memref<10240x128xf32, #tpu.memory_space<hbm>>
      tpu.enqueue_indirect_dma source(%dma_start3A_208 : memref<10240x128xf32, #tpu.memory_space<hbm>>) target(%arg24 : memref<80x128xf32, #tpu.memory_space<vmem>>) offsets(%arg12 : memref<80xi32, #tpu.memory_space<vmem>>) semaphore(%arg37 : memref<!tpu.dma_semaphore, #tpu.memory_space<semaphore_mem>>)
      %convert_element_type3A_209 = arith.extui %lt3A_194 : i1 to i32
      %cond3A_210 = arith.constant 0 : i32
      %cond3A_211 = arith.cmpi ne, %convert_element_type3A_209, %cond3A_210 : i32
      scf.if %cond3A_211 {
        %mul3A_300 = arith.constant 8 : i32
        %mul3A_301 = arith.muli %mul3A_300, %add3A_93 : i32
        %add3A_302 = arith.constant 3 : i32
        %add3A_303 = arith.addi %mul3A_301, %add3A_302 : i32
        %add3A_304 = arith.constant 6 : i32
        %add3A_305 = arith.addi %add3A_303, %add3A_304 : i32
        %mul3A_306 = arith.constant 80 : i32
        %mul3A_307 = arith.muli %add3A_305, %mul3A_306 : i32
        %add3A_308 = arith.addi %mul3A_4, %mul3A_307 : i32
        %multiple_of3A_309 = tpu.assume_multiple %add3A_308, 8 : i32
        %dma_start3A_310 = tpu.memref_slice %arg2[%multiple_of3A_309] : memref<327680xi32, #tpu.memory_space<hbm>> -> memref<80xi32, #tpu.memory_space<hbm>>
        %dma_start3A_311 = tpu.memref_slice %arg2[%multiple_of3A_309] : memref<327680xi32, #tpu.memory_space<hbm>> -> memref<80xi32, #tpu.memory_space<hbm>>
        tpu.enqueue_dma source(%dma_start3A_311 : memref<80xi32, #tpu.memory_space<hbm>>) target(%arg8 : memref<80xi32, #tpu.memory_space<vmem>>) target_semaphore(%arg29 : memref<!tpu.dma_semaphore, #tpu.memory_space<semaphore_mem>>)
        %dma_start3A_312 = tpu.memref_slice %arg3[%multiple_of3A_309] : memref<327680xi32, #tpu.memory_space<hbm>> -> memref<80xi32, #tpu.memory_space<hbm>>
        %dma_start3A_313 = tpu.memref_slice %arg3[%multiple_of3A_309] : memref<327680xi32, #tpu.memory_space<hbm>> -> memref<80xi32, #tpu.memory_space<hbm>>
        tpu.enqueue_dma source(%dma_start3A_313 : memref<80xi32, #tpu.memory_space<hbm>>) target(%arg16 : memref<80xi32, #tpu.memory_space<vmem>>) target_semaphore(%arg29 : memref<!tpu.dma_semaphore, #tpu.memory_space<semaphore_mem>>)
      } else {
      }
      %dma_wait3A_212 = arith.constant 0 : i32
      %dma_wait3A_213 = arith.constant 0 : i32
      %dma_wait3A_214 = tpu.memref_slice %arg4[%dma_wait3A_212, %dma_wait3A_213] : memref<10240x128xf32, #tpu.memory_space<hbm>> -> memref<10240x128xf32, #tpu.memory_space<hbm>>
      tpu.wait_indirect_dma semaphore(%arg36 : memref<!tpu.dma_semaphore, #tpu.memory_space<semaphore_mem>>) src(%dma_wait3A_214 : memref<10240x128xf32, #tpu.memory_space<hbm>>) dst(%arg23 : memref<80x128xf32, #tpu.memory_space<vmem>>)
      %dma_start3A_215 = arith.constant 0 : i32
      %dma_start3A_216 = arith.constant 0 : i32
      %dma_start3A_217 = tpu.memref_slice %arg27[%dma_start3A_215, %dma_start3A_216] : memref<10240x128xf32, #tpu.memory_space<vmem_shared>> -> memref<10240x128xf32, #tpu.memory_space<vmem_shared>>
      tpu.enqueue_indirect_dma source(%arg23 : memref<80x128xf32, #tpu.memory_space<vmem>>) target(%dma_start3A_217 : memref<10240x128xf32, #tpu.memory_space<vmem_shared>>) offsets(%arg19 : memref<80xi32, #tpu.memory_space<vmem>>) semaphore(%arg40 : memref<!tpu.dma_semaphore, #tpu.memory_space<semaphore_mem>>) {add = true}
      %lt3A_218 = arith.constant 15 : i32
      %lt3A_219 = arith.cmpi slt, %add3A_93, %lt3A_218 : i32
      %dma_wait3A_220 = arith.constant 0 : i32
      %dma_wait3A_221 = arith.constant 0 : i32
      %dma_wait3A_222 = tpu.memref_slice %arg27[%dma_wait3A_220, %dma_wait3A_221] : memref<10240x128xf32, #tpu.memory_space<vmem_shared>> -> memref<10240x128xf32, #tpu.memory_space<vmem_shared>>
      tpu.wait_indirect_dma semaphore(%arg42 : memref<!tpu.dma_semaphore, #tpu.memory_space<semaphore_mem>>) src(%arg25 : memref<80x128xf32, #tpu.memory_space<vmem>>) dst(%dma_wait3A_222 : memref<10240x128xf32, #tpu.memory_space<vmem_shared>>)
      %dma_wait3A_223 = arith.constant 0 : i32
      %dma_wait3A_224 = tpu.memref_slice %arg2[%dma_wait3A_223] : memref<327680xi32, #tpu.memory_space<hbm>> -> memref<80xi32, #tpu.memory_space<hbm>>
      %dma_wait3A_225 = arith.constant 0 : i32
      %dma_wait3A_226 = tpu.memref_slice %arg2[%dma_wait3A_225] : memref<327680xi32, #tpu.memory_space<hbm>> -> memref<80xi32, #tpu.memory_space<hbm>>
      tpu.wait_dma2 semaphore(%arg34 : memref<!tpu.dma_semaphore, #tpu.memory_space<semaphore_mem>>) src(%dma_wait3A_226 : memref<80xi32, #tpu.memory_space<hbm>>) dst(%arg13 : memref<80xi32, #tpu.memory_space<vmem>>)
      %dma_wait3A_227 = arith.constant 0 : i32
      %dma_wait3A_228 = tpu.memref_slice %arg3[%dma_wait3A_227] : memref<327680xi32, #tpu.memory_space<hbm>> -> memref<80xi32, #tpu.memory_space<hbm>>
      %dma_wait3A_229 = arith.constant 0 : i32
      %dma_wait3A_230 = tpu.memref_slice %arg3[%dma_wait3A_229] : memref<327680xi32, #tpu.memory_space<hbm>> -> memref<80xi32, #tpu.memory_space<hbm>>
      tpu.wait_dma2 semaphore(%arg34 : memref<!tpu.dma_semaphore, #tpu.memory_space<semaphore_mem>>) src(%dma_wait3A_230 : memref<80xi32, #tpu.memory_space<hbm>>) dst(%arg21 : memref<80xi32, #tpu.memory_space<vmem>>)
      %dma_start3A_231 = arith.constant 0 : i32
      %dma_start3A_232 = arith.constant 0 : i32
      %dma_start3A_233 = tpu.memref_slice %arg4[%dma_start3A_231, %dma_start3A_232] : memref<10240x128xf32, #tpu.memory_space<hbm>> -> memref<10240x128xf32, #tpu.memory_space<hbm>>
      tpu.enqueue_indirect_dma source(%dma_start3A_233 : memref<10240x128xf32, #tpu.memory_space<hbm>>) target(%arg25 : memref<80x128xf32, #tpu.memory_space<vmem>>) offsets(%arg13 : memref<80xi32, #tpu.memory_space<vmem>>) semaphore(%arg38 : memref<!tpu.dma_semaphore, #tpu.memory_space<semaphore_mem>>)
      %convert_element_type3A_234 = arith.extui %lt3A_219 : i1 to i32
      %cond3A_235 = arith.constant 0 : i32
      %cond3A_236 = arith.cmpi ne, %convert_element_type3A_234, %cond3A_235 : i32
      scf.if %cond3A_236 {
        %mul3A_300 = arith.constant 8 : i32
        %mul3A_301 = arith.muli %mul3A_300, %add3A_93 : i32
        %add3A_302 = arith.constant 4 : i32
        %add3A_303 = arith.addi %mul3A_301, %add3A_302 : i32
        %add3A_304 = arith.constant 6 : i32
        %add3A_305 = arith.addi %add3A_303, %add3A_304 : i32
        %mul3A_306 = arith.constant 80 : i32
        %mul3A_307 = arith.muli %add3A_305, %mul3A_306 : i32
        %add3A_308 = arith.addi %mul3A_4, %mul3A_307 : i32
        %multiple_of3A_309 = tpu.assume_multiple %add3A_308, 8 : i32
        %dma_start3A_310 = tpu.memref_slice %arg2[%multiple_of3A_309] : memref<327680xi32, #tpu.memory_space<hbm>> -> memref<80xi32, #tpu.memory_space<hbm>>
        %dma_start3A_311 = tpu.memref_slice %arg2[%multiple_of3A_309] : memref<327680xi32, #tpu.memory_space<hbm>> -> memref<80xi32, #tpu.memory_space<hbm>>
        tpu.enqueue_dma source(%dma_start3A_311 : memref<80xi32, #tpu.memory_space<hbm>>) target(%arg9 : memref<80xi32, #tpu.memory_space<vmem>>) target_semaphore(%arg30 : memref<!tpu.dma_semaphore, #tpu.memory_space<semaphore_mem>>)
        %dma_start3A_312 = tpu.memref_slice %arg3[%multiple_of3A_309] : memref<327680xi32, #tpu.memory_space<hbm>> -> memref<80xi32, #tpu.memory_space<hbm>>
        %dma_start3A_313 = tpu.memref_slice %arg3[%multiple_of3A_309] : memref<327680xi32, #tpu.memory_space<hbm>> -> memref<80xi32, #tpu.memory_space<hbm>>
        tpu.enqueue_dma source(%dma_start3A_313 : memref<80xi32, #tpu.memory_space<hbm>>) target(%arg17 : memref<80xi32, #tpu.memory_space<vmem>>) target_semaphore(%arg30 : memref<!tpu.dma_semaphore, #tpu.memory_space<semaphore_mem>>)
      } else {
      }
      %dma_wait3A_237 = arith.constant 0 : i32
      %dma_wait3A_238 = arith.constant 0 : i32
      %dma_wait3A_239 = tpu.memref_slice %arg4[%dma_wait3A_237, %dma_wait3A_238] : memref<10240x128xf32, #tpu.memory_space<hbm>> -> memref<10240x128xf32, #tpu.memory_space<hbm>>
      tpu.wait_indirect_dma semaphore(%arg37 : memref<!tpu.dma_semaphore, #tpu.memory_space<semaphore_mem>>) src(%dma_wait3A_239 : memref<10240x128xf32, #tpu.memory_space<hbm>>) dst(%arg24 : memref<80x128xf32, #tpu.memory_space<vmem>>)
      %dma_start3A_240 = arith.constant 0 : i32
      %dma_start3A_241 = arith.constant 0 : i32
      %dma_start3A_242 = tpu.memref_slice %arg27[%dma_start3A_240, %dma_start3A_241] : memref<10240x128xf32, #tpu.memory_space<vmem_shared>> -> memref<10240x128xf32, #tpu.memory_space<vmem_shared>>
      tpu.enqueue_indirect_dma source(%arg24 : memref<80x128xf32, #tpu.memory_space<vmem>>) target(%dma_start3A_242 : memref<10240x128xf32, #tpu.memory_space<vmem_shared>>) offsets(%arg20 : memref<80xi32, #tpu.memory_space<vmem>>) semaphore(%arg41 : memref<!tpu.dma_semaphore, #tpu.memory_space<semaphore_mem>>) {add = true}
      %lt3A_243 = arith.constant 15 : i32
      %lt3A_244 = arith.cmpi slt, %add3A_93, %lt3A_243 : i32
      %dma_wait3A_245 = arith.constant 0 : i32
      %dma_wait3A_246 = arith.constant 0 : i32
      %dma_wait3A_247 = tpu.memref_slice %arg27[%dma_wait3A_245, %dma_wait3A_246] : memref<10240x128xf32, #tpu.memory_space<vmem_shared>> -> memref<10240x128xf32, #tpu.memory_space<vmem_shared>>
      tpu.wait_indirect_dma semaphore(%arg43 : memref<!tpu.dma_semaphore, #tpu.memory_space<semaphore_mem>>) src(%arg26 : memref<80x128xf32, #tpu.memory_space<vmem>>) dst(%dma_wait3A_247 : memref<10240x128xf32, #tpu.memory_space<vmem_shared>>)
      %dma_wait3A_248 = arith.constant 0 : i32
      %dma_wait3A_249 = tpu.memref_slice %arg2[%dma_wait3A_248] : memref<327680xi32, #tpu.memory_space<hbm>> -> memref<80xi32, #tpu.memory_space<hbm>>
      %dma_wait3A_250 = arith.constant 0 : i32
      %dma_wait3A_251 = tpu.memref_slice %arg2[%dma_wait3A_250] : memref<327680xi32, #tpu.memory_space<hbm>> -> memref<80xi32, #tpu.memory_space<hbm>>
      tpu.wait_dma2 semaphore(%arg35 : memref<!tpu.dma_semaphore, #tpu.memory_space<semaphore_mem>>) src(%dma_wait3A_251 : memref<80xi32, #tpu.memory_space<hbm>>) dst(%arg14 : memref<80xi32, #tpu.memory_space<vmem>>)
      %dma_wait3A_252 = arith.constant 0 : i32
      %dma_wait3A_253 = tpu.memref_slice %arg3[%dma_wait3A_252] : memref<327680xi32, #tpu.memory_space<hbm>> -> memref<80xi32, #tpu.memory_space<hbm>>
      %dma_wait3A_254 = arith.constant 0 : i32
      %dma_wait3A_255 = tpu.memref_slice %arg3[%dma_wait3A_254] : memref<327680xi32, #tpu.memory_space<hbm>> -> memref<80xi32, #tpu.memory_space<hbm>>
      tpu.wait_dma2 semaphore(%arg35 : memref<!tpu.dma_semaphore, #tpu.memory_space<semaphore_mem>>) src(%dma_wait3A_255 : memref<80xi32, #tpu.memory_space<hbm>>) dst(%arg22 : memref<80xi32, #tpu.memory_space<vmem>>)
      %dma_start3A_256 = arith.constant 0 : i32
      %dma_start3A_257 = arith.constant 0 : i32
      %dma_start3A_258 = tpu.memref_slice %arg4[%dma_start3A_256, %dma_start3A_257] : memref<10240x128xf32, #tpu.memory_space<hbm>> -> memref<10240x128xf32, #tpu.memory_space<hbm>>
      tpu.enqueue_indirect_dma source(%dma_start3A_258 : memref<10240x128xf32, #tpu.memory_space<hbm>>) target(%arg26 : memref<80x128xf32, #tpu.memory_space<vmem>>) offsets(%arg14 : memref<80xi32, #tpu.memory_space<vmem>>) semaphore(%arg39 : memref<!tpu.dma_semaphore, #tpu.memory_space<semaphore_mem>>)
      %convert_element_type3A_259 = arith.extui %lt3A_244 : i1 to i32
      %cond3A_260 = arith.constant 0 : i32
      %cond3A_261 = arith.cmpi ne, %convert_element_type3A_259, %cond3A_260 : i32
      scf.if %cond3A_261 {
        %mul3A_300 = arith.constant 8 : i32
        %mul3A_301 = arith.muli %mul3A_300, %add3A_93 : i32
        %add3A_302 = arith.constant 5 : i32
        %add3A_303 = arith.addi %mul3A_301, %add3A_302 : i32
        %add3A_304 = arith.constant 6 : i32
        %add3A_305 = arith.addi %add3A_303, %add3A_304 : i32
        %mul3A_306 = arith.constant 80 : i32
        %mul3A_307 = arith.muli %add3A_305, %mul3A_306 : i32
        %add3A_308 = arith.addi %mul3A_4, %mul3A_307 : i32
        %multiple_of3A_309 = tpu.assume_multiple %add3A_308, 8 : i32
        %dma_start3A_310 = tpu.memref_slice %arg2[%multiple_of3A_309] : memref<327680xi32, #tpu.memory_space<hbm>> -> memref<80xi32, #tpu.memory_space<hbm>>
        %dma_start3A_311 = tpu.memref_slice %arg2[%multiple_of3A_309] : memref<327680xi32, #tpu.memory_space<hbm>> -> memref<80xi32, #tpu.memory_space<hbm>>
        tpu.enqueue_dma source(%dma_start3A_311 : memref<80xi32, #tpu.memory_space<hbm>>) target(%arg10 : memref<80xi32, #tpu.memory_space<vmem>>) target_semaphore(%arg31 : memref<!tpu.dma_semaphore, #tpu.memory_space<semaphore_mem>>)
        %dma_start3A_312 = tpu.memref_slice %arg3[%multiple_of3A_309] : memref<327680xi32, #tpu.memory_space<hbm>> -> memref<80xi32, #tpu.memory_space<hbm>>
        %dma_start3A_313 = tpu.memref_slice %arg3[%multiple_of3A_309] : memref<327680xi32, #tpu.memory_space<hbm>> -> memref<80xi32, #tpu.memory_space<hbm>>
        tpu.enqueue_dma source(%dma_start3A_313 : memref<80xi32, #tpu.memory_space<hbm>>) target(%arg18 : memref<80xi32, #tpu.memory_space<vmem>>) target_semaphore(%arg31 : memref<!tpu.dma_semaphore, #tpu.memory_space<semaphore_mem>>)
      } else {
      }
      %dma_wait3A_262 = arith.constant 0 : i32
      %dma_wait3A_263 = arith.constant 0 : i32
      %dma_wait3A_264 = tpu.memref_slice %arg4[%dma_wait3A_262, %dma_wait3A_263] : memref<10240x128xf32, #tpu.memory_space<hbm>> -> memref<10240x128xf32, #tpu.memory_space<hbm>>
      tpu.wait_indirect_dma semaphore(%arg38 : memref<!tpu.dma_semaphore, #tpu.memory_space<semaphore_mem>>) src(%dma_wait3A_264 : memref<10240x128xf32, #tpu.memory_space<hbm>>) dst(%arg25 : memref<80x128xf32, #tpu.memory_space<vmem>>)
      %dma_start3A_265 = arith.constant 0 : i32
      %dma_start3A_266 = arith.constant 0 : i32
      %dma_start3A_267 = tpu.memref_slice %arg27[%dma_start3A_265, %dma_start3A_266] : memref<10240x128xf32, #tpu.memory_space<vmem_shared>> -> memref<10240x128xf32, #tpu.memory_space<vmem_shared>>
      tpu.enqueue_indirect_dma source(%arg25 : memref<80x128xf32, #tpu.memory_space<vmem>>) target(%dma_start3A_267 : memref<10240x128xf32, #tpu.memory_space<vmem_shared>>) offsets(%arg21 : memref<80xi32, #tpu.memory_space<vmem>>) semaphore(%arg42 : memref<!tpu.dma_semaphore, #tpu.memory_space<semaphore_mem>>) {add = true}
      %lt3A_268 = arith.constant 15 : i32
      %lt3A_269 = arith.cmpi slt, %add3A_93, %lt3A_268 : i32
      %lt3A_270 = arith.constant 15 : i32
      %lt3A_271 = arith.cmpi slt, %add3A_93, %lt3A_270 : i32
      %dma_wait3A_272 = arith.constant 0 : i32
      %dma_wait3A_273 = arith.constant 0 : i32
      %dma_wait3A_274 = tpu.memref_slice %arg27[%dma_wait3A_272, %dma_wait3A_273] : memref<10240x128xf32, #tpu.memory_space<vmem_shared>> -> memref<10240x128xf32, #tpu.memory_space<vmem_shared>>
      tpu.wait_indirect_dma semaphore(%arg40 : memref<!tpu.dma_semaphore, #tpu.memory_space<semaphore_mem>>) src(%arg23 : memref<80x128xf32, #tpu.memory_space<vmem>>) dst(%dma_wait3A_274 : memref<10240x128xf32, #tpu.memory_space<vmem_shared>>)
      %convert_element_type3A_275 = arith.extui %lt3A_269 : i1 to i32
      %cond3A_276 = arith.constant 0 : i32
      %cond3A_277 = arith.cmpi ne, %convert_element_type3A_275, %cond3A_276 : i32
      scf.if %cond3A_277 {
        %dma_wait3A_300 = arith.constant 0 : i32
        %dma_wait3A_301 = tpu.memref_slice %arg2[%dma_wait3A_300] : memref<327680xi32, #tpu.memory_space<hbm>> -> memref<80xi32, #tpu.memory_space<hbm>>
        %dma_wait3A_302 = arith.constant 0 : i32
        %dma_wait3A_303 = tpu.memref_slice %arg2[%dma_wait3A_302] : memref<327680xi32, #tpu.memory_space<hbm>> -> memref<80xi32, #tpu.memory_space<hbm>>
        tpu.wait_dma2 semaphore(%arg28 : memref<!tpu.dma_semaphore, #tpu.memory_space<semaphore_mem>>) src(%dma_wait3A_303 : memref<80xi32, #tpu.memory_space<hbm>>) dst(%arg7 : memref<80xi32, #tpu.memory_space<vmem>>)
        %dma_wait3A_304 = arith.constant 0 : i32
        %dma_wait3A_305 = tpu.memref_slice %arg3[%dma_wait3A_304] : memref<327680xi32, #tpu.memory_space<hbm>> -> memref<80xi32, #tpu.memory_space<hbm>>
        %dma_wait3A_306 = arith.constant 0 : i32
        %dma_wait3A_307 = tpu.memref_slice %arg3[%dma_wait3A_306] : memref<327680xi32, #tpu.memory_space<hbm>> -> memref<80xi32, #tpu.memory_space<hbm>>
        tpu.wait_dma2 semaphore(%arg28 : memref<!tpu.dma_semaphore, #tpu.memory_space<semaphore_mem>>) src(%dma_wait3A_307 : memref<80xi32, #tpu.memory_space<hbm>>) dst(%arg15 : memref<80xi32, #tpu.memory_space<vmem>>)
        %dma_start3A_308 = arith.constant 0 : i32
        %dma_start3A_309 = arith.constant 0 : i32
        %dma_start3A_310 = tpu.memref_slice %arg4[%dma_start3A_308, %dma_start3A_309] : memref<10240x128xf32, #tpu.memory_space<hbm>> -> memref<10240x128xf32, #tpu.memory_space<hbm>>
        tpu.enqueue_indirect_dma source(%dma_start3A_310 : memref<10240x128xf32, #tpu.memory_space<hbm>>) target(%arg23 : memref<80x128xf32, #tpu.memory_space<vmem>>) offsets(%arg7 : memref<80xi32, #tpu.memory_space<vmem>>) semaphore(%arg36 : memref<!tpu.dma_semaphore, #tpu.memory_space<semaphore_mem>>)
      } else {
      }
      %convert_element_type3A_278 = arith.extui %lt3A_271 : i1 to i32
      %cond3A_279 = arith.constant 0 : i32
      %cond3A_280 = arith.cmpi ne, %convert_element_type3A_278, %cond3A_279 : i32
      scf.if %cond3A_280 {
        %mul3A_300 = arith.constant 8 : i32
        %mul3A_301 = arith.muli %mul3A_300, %add3A_93 : i32
        %add3A_302 = arith.constant 6 : i32
        %add3A_303 = arith.addi %mul3A_301, %add3A_302 : i32
        %add3A_304 = arith.constant 6 : i32
        %add3A_305 = arith.addi %add3A_303, %add3A_304 : i32
        %mul3A_306 = arith.constant 80 : i32
        %mul3A_307 = arith.muli %add3A_305, %mul3A_306 : i32
        %add3A_308 = arith.addi %mul3A_4, %mul3A_307 : i32
        %multiple_of3A_309 = tpu.assume_multiple %add3A_308, 8 : i32
        %dma_start3A_310 = tpu.memref_slice %arg2[%multiple_of3A_309] : memref<327680xi32, #tpu.memory_space<hbm>> -> memref<80xi32, #tpu.memory_space<hbm>>
        %dma_start3A_311 = tpu.memref_slice %arg2[%multiple_of3A_309] : memref<327680xi32, #tpu.memory_space<hbm>> -> memref<80xi32, #tpu.memory_space<hbm>>
        tpu.enqueue_dma source(%dma_start3A_311 : memref<80xi32, #tpu.memory_space<hbm>>) target(%arg11 : memref<80xi32, #tpu.memory_space<vmem>>) target_semaphore(%arg32 : memref<!tpu.dma_semaphore, #tpu.memory_space<semaphore_mem>>)
        %dma_start3A_312 = tpu.memref_slice %arg3[%multiple_of3A_309] : memref<327680xi32, #tpu.memory_space<hbm>> -> memref<80xi32, #tpu.memory_space<hbm>>
        %dma_start3A_313 = tpu.memref_slice %arg3[%multiple_of3A_309] : memref<327680xi32, #tpu.memory_space<hbm>> -> memref<80xi32, #tpu.memory_space<hbm>>
        tpu.enqueue_dma source(%dma_start3A_313 : memref<80xi32, #tpu.memory_space<hbm>>) target(%arg19 : memref<80xi32, #tpu.memory_space<vmem>>) target_semaphore(%arg32 : memref<!tpu.dma_semaphore, #tpu.memory_space<semaphore_mem>>)
      } else {
      }
      %dma_wait3A_281 = arith.constant 0 : i32
      %dma_wait3A_282 = arith.constant 0 : i32
      %dma_wait3A_283 = tpu.memref_slice %arg4[%dma_wait3A_281, %dma_wait3A_282] : memref<10240x128xf32, #tpu.memory_space<hbm>> -> memref<10240x128xf32, #tpu.memory_space<hbm>>
      tpu.wait_indirect_dma semaphore(%arg39 : memref<!tpu.dma_semaphore, #tpu.memory_space<semaphore_mem>>) src(%dma_wait3A_283 : memref<10240x128xf32, #tpu.memory_space<hbm>>) dst(%arg26 : memref<80x128xf32, #tpu.memory_space<vmem>>)
      %dma_start3A_284 = arith.constant 0 : i32
      %dma_start3A_285 = arith.constant 0 : i32
      %dma_start3A_286 = tpu.memref_slice %arg27[%dma_start3A_284, %dma_start3A_285] : memref<10240x128xf32, #tpu.memory_space<vmem_shared>> -> memref<10240x128xf32, #tpu.memory_space<vmem_shared>>
      tpu.enqueue_indirect_dma source(%arg26 : memref<80x128xf32, #tpu.memory_space<vmem>>) target(%dma_start3A_286 : memref<10240x128xf32, #tpu.memory_space<vmem_shared>>) offsets(%arg22 : memref<80xi32, #tpu.memory_space<vmem>>) semaphore(%arg43 : memref<!tpu.dma_semaphore, #tpu.memory_space<semaphore_mem>>) {add = true}
      %lt3A_287 = arith.constant 15 : i32
      %lt3A_288 = arith.cmpi slt, %add3A_93, %lt3A_287 : i32
      %lt3A_289 = arith.constant 15 : i32
      %lt3A_290 = arith.cmpi slt, %add3A_93, %lt3A_289 : i32
      %dma_wait3A_291 = arith.constant 0 : i32
      %dma_wait3A_292 = arith.constant 0 : i32
      %dma_wait3A_293 = tpu.memref_slice %arg27[%dma_wait3A_291, %dma_wait3A_292] : memref<10240x128xf32, #tpu.memory_space<vmem_shared>> -> memref<10240x128xf32, #tpu.memory_space<vmem_shared>>
      tpu.wait_indirect_dma semaphore(%arg41 : memref<!tpu.dma_semaphore, #tpu.memory_space<semaphore_mem>>) src(%arg24 : memref<80x128xf32, #tpu.memory_space<vmem>>) dst(%dma_wait3A_293 : memref<10240x128xf32, #tpu.memory_space<vmem_shared>>)
      %convert_element_type3A_294 = arith.extui %lt3A_288 : i1 to i32
      %cond3A_295 = arith.constant 0 : i32
      %cond3A_296 = arith.cmpi ne, %convert_element_type3A_294, %cond3A_295 : i32
      scf.if %cond3A_296 {
        %dma_wait3A_300 = arith.constant 0 : i32
        %dma_wait3A_301 = tpu.memref_slice %arg2[%dma_wait3A_300] : memref<327680xi32, #tpu.memory_space<hbm>> -> memref<80xi32, #tpu.memory_space<hbm>>
        %dma_wait3A_302 = arith.constant 0 : i32
        %dma_wait3A_303 = tpu.memref_slice %arg2[%dma_wait3A_302] : memref<327680xi32, #tpu.memory_space<hbm>> -> memref<80xi32, #tpu.memory_space<hbm>>
        tpu.wait_dma2 semaphore(%arg29 : memref<!tpu.dma_semaphore, #tpu.memory_space<semaphore_mem>>) src(%dma_wait3A_303 : memref<80xi32, #tpu.memory_space<hbm>>) dst(%arg8 : memref<80xi32, #tpu.memory_space<vmem>>)
        %dma_wait3A_304 = arith.constant 0 : i32
        %dma_wait3A_305 = tpu.memref_slice %arg3[%dma_wait3A_304] : memref<327680xi32, #tpu.memory_space<hbm>> -> memref<80xi32, #tpu.memory_space<hbm>>
        %dma_wait3A_306 = arith.constant 0 : i32
        %dma_wait3A_307 = tpu.memref_slice %arg3[%dma_wait3A_306] : memref<327680xi32, #tpu.memory_space<hbm>> -> memref<80xi32, #tpu.memory_space<hbm>>
        tpu.wait_dma2 semaphore(%arg29 : memref<!tpu.dma_semaphore, #tpu.memory_space<semaphore_mem>>) src(%dma_wait3A_307 : memref<80xi32, #tpu.memory_space<hbm>>) dst(%arg16 : memref<80xi32, #tpu.memory_space<vmem>>)
        %dma_start3A_308 = arith.constant 0 : i32
        %dma_start3A_309 = arith.constant 0 : i32
        %dma_start3A_310 = tpu.memref_slice %arg4[%dma_start3A_308, %dma_start3A_309] : memref<10240x128xf32, #tpu.memory_space<hbm>> -> memref<10240x128xf32, #tpu.memory_space<hbm>>
        tpu.enqueue_indirect_dma source(%dma_start3A_310 : memref<10240x128xf32, #tpu.memory_space<hbm>>) target(%arg24 : memref<80x128xf32, #tpu.memory_space<vmem>>) offsets(%arg8 : memref<80xi32, #tpu.memory_space<vmem>>) semaphore(%arg37 : memref<!tpu.dma_semaphore, #tpu.memory_space<semaphore_mem>>)
      } else {
      }
      %convert_element_type3A_297 = arith.extui %lt3A_290 : i1 to i32
      %cond3A_298 = arith.constant 0 : i32
      %cond3A_299 = arith.cmpi ne, %convert_element_type3A_297, %cond3A_298 : i32
      scf.if %cond3A_299 {
        %mul3A_300 = arith.constant 8 : i32
        %mul3A_301 = arith.muli %mul3A_300, %add3A_93 : i32
        %add3A_302 = arith.constant 7 : i32
        %add3A_303 = arith.addi %mul3A_301, %add3A_302 : i32
        %add3A_304 = arith.constant 6 : i32
        %add3A_305 = arith.addi %add3A_303, %add3A_304 : i32
        %mul3A_306 = arith.constant 80 : i32
        %mul3A_307 = arith.muli %add3A_305, %mul3A_306 : i32
        %add3A_308 = arith.addi %mul3A_4, %mul3A_307 : i32
        %multiple_of3A_309 = tpu.assume_multiple %add3A_308, 8 : i32
        %dma_start3A_310 = tpu.memref_slice %arg2[%multiple_of3A_309] : memref<327680xi32, #tpu.memory_space<hbm>> -> memref<80xi32, #tpu.memory_space<hbm>>
        %dma_start3A_311 = tpu.memref_slice %arg2[%multiple_of3A_309] : memref<327680xi32, #tpu.memory_space<hbm>> -> memref<80xi32, #tpu.memory_space<hbm>>
        tpu.enqueue_dma source(%dma_start3A_311 : memref<80xi32, #tpu.memory_space<hbm>>) target(%arg12 : memref<80xi32, #tpu.memory_space<vmem>>) target_semaphore(%arg33 : memref<!tpu.dma_semaphore, #tpu.memory_space<semaphore_mem>>)
        %dma_start3A_312 = tpu.memref_slice %arg3[%multiple_of3A_309] : memref<327680xi32, #tpu.memory_space<hbm>> -> memref<80xi32, #tpu.memory_space<hbm>>
        %dma_start3A_313 = tpu.memref_slice %arg3[%multiple_of3A_309] : memref<327680xi32, #tpu.memory_space<hbm>> -> memref<80xi32, #tpu.memory_space<hbm>>
        tpu.enqueue_dma source(%dma_start3A_313 : memref<80xi32, #tpu.memory_space<hbm>>) target(%arg20 : memref<80xi32, #tpu.memory_space<vmem>>) target_semaphore(%arg33 : memref<!tpu.dma_semaphore, #tpu.memory_space<semaphore_mem>>)
      } else {
      }
    }
    %scan3A_77 = arith.constant 16 : i32
    %dma_wait3A_78 = arith.constant 0 : i32
    %dma_wait3A_79 = arith.constant 0 : i32
    %dma_wait3A_80 = tpu.memref_slice %arg27[%dma_wait3A_78, %dma_wait3A_79] : memref<10240x128xf32, #tpu.memory_space<vmem_shared>> -> memref<10240x128xf32, #tpu.memory_space<vmem_shared>>
    tpu.wait_indirect_dma semaphore(%arg42 : memref<!tpu.dma_semaphore, #tpu.memory_space<semaphore_mem>>) src(%arg25 : memref<80x128xf32, #tpu.memory_space<vmem>>) dst(%dma_wait3A_80 : memref<10240x128xf32, #tpu.memory_space<vmem_shared>>)
    %dma_wait3A_81 = arith.constant 0 : i32
    %dma_wait3A_82 = arith.constant 0 : i32
    %dma_wait3A_83 = tpu.memref_slice %arg27[%dma_wait3A_81, %dma_wait3A_82] : memref<10240x128xf32, #tpu.memory_space<vmem_shared>> -> memref<10240x128xf32, #tpu.memory_space<vmem_shared>>
    tpu.wait_indirect_dma semaphore(%arg43 : memref<!tpu.dma_semaphore, #tpu.memory_space<semaphore_mem>>) src(%arg26 : memref<80x128xf32, #tpu.memory_space<vmem>>) dst(%dma_wait3A_83 : memref<10240x128xf32, #tpu.memory_space<vmem_shared>>)
    %barrier3A_84 = arith.constant 0 : index
    tpu.barrier barrier_id(%barrier3A_84)
    %mul3A_85 = arith.constant 640 : i32
    %mul3A_86 = arith.muli %arg1, %mul3A_85 : i32
    %mul3A_87 = arith.constant 640 : i32
    %mul3A_88 = arith.muli %arg1, %mul3A_87 : i32
    "tpu.region"() ({
      %run_scoped3A = tpu.sem_alloc : memref<!tpu.dma_semaphore, #tpu.memory_space<semaphore_mem>>
      %dma_start3A_89 = arith.constant 0 : i32
      %dma_start3A_90 = tpu.memref_slice %arg6[%arg0, %mul3A_88, %dma_start3A_89] : memref<2x10240x128xf32, #tpu.memory_space<hbm>> -> memref<1x640x128xf32, #tpu.memory_space<hbm>>
      %dma_start3A_91 = tpu.memref_squeeze %dma_start3A_90 : memref<1x640x128xf32, #tpu.memory_space<hbm>> -> memref<640x128xf32, #tpu.memory_space<hbm>>
      %dma_start3A_92 = arith.constant 0 : i32
      %dma_start3A_93 = tpu.memref_slice %arg27[%mul3A_86, %dma_start3A_92] : memref<10240x128xf32, #tpu.memory_space<vmem_shared>> -> memref<640x128xf32, #tpu.memory_space<vmem_shared>>
      tpu.enqueue_dma source(%dma_start3A_93 : memref<640x128xf32, #tpu.memory_space<vmem_shared>>) target(%dma_start3A_91 : memref<640x128xf32, #tpu.memory_space<hbm>>) target_semaphore(%run_scoped3A : memref<!tpu.dma_semaphore, #tpu.memory_space<semaphore_mem>>)
      %dma_wait3A_94 = arith.constant 0 : i32
      %dma_wait3A_95 = tpu.memref_slice %arg6[%arg0, %mul3A_88, %dma_wait3A_94] : memref<2x10240x128xf32, #tpu.memory_space<hbm>> -> memref<1x640x128xf32, #tpu.memory_space<hbm>>
      %dma_wait3A_96 = tpu.memref_squeeze %dma_wait3A_95 : memref<1x640x128xf32, #tpu.memory_space<hbm>> -> memref<640x128xf32, #tpu.memory_space<hbm>>
      %dma_wait3A_97 = arith.constant 0 : i32
      %dma_wait3A_98 = tpu.memref_slice %arg27[%mul3A_86, %dma_wait3A_97] : memref<10240x128xf32, #tpu.memory_space<vmem_shared>> -> memref<640x128xf32, #tpu.memory_space<vmem_shared>>
      tpu.wait_dma2 semaphore(%run_scoped3A : memref<!tpu.dma_semaphore, #tpu.memory_space<semaphore_mem>>) src(%dma_wait3A_98 : memref<640x128xf32, #tpu.memory_space<vmem_shared>>) dst(%dma_wait3A_96 : memref<640x128xf32, #tpu.memory_space<hbm>>)
      tpu.yield
    }) : () -> ()
    return
  }
}

module attributes {stable_mosaic.version = 14 : i64} {
  func.func @_mm_body(%arg0: i32, %arg1: memref<1024x128xf32, #tpu.memory_space<vmem>>, %arg2: memref<128x128xf32, #tpu.memory_space<vmem>>, %arg3: memref<1024x1xf32, #tpu.memory_space<vmem>>, %arg4: memref<1024x1xf32, #tpu.memory_space<vmem>>, %arg5: memref<1024x128xf32, #tpu.memory_space<vmem>>, %arg6: memref<1024x1xf32, #tpu.memory_space<vmem>>) attributes {dimension_semantics = [#tpu.dimension_semantics<arbitrary>], iteration_bounds = array<i64: 10>, scalar_prefetch = 0 : i64, scratch_operands = 0 : i64, tpu.core_type = #tpu.core_type<tc>, window_params = [{transform_indices = @transform_0, window_bounds = array<i64: 1024, 128>}, {pipeline_mode = #tpu.pipeline_mode<synchronous>, transform_indices = @transform_1, window_bounds = array<i64: 128, 128>}, {transform_indices = @transform_2, window_bounds = array<i64: 1024, 1>}, {transform_indices = @transform_3, window_bounds = array<i64: 1024, 1>}, {transform_indices = @transform_4, window_bounds = array<i64: 1024, 128>}, {transform_indices = @transform_5, window_bounds = array<i64: 1024, 1>}]} {
    %get3A = arith.constant 0 : index
    %get3A_0 = arith.constant 0 : index
    %get3A_1 = vector.load %arg3[%get3A, %get3A_0] : memref<1024x1xf32, #tpu.memory_space<vmem>>, vector<1024x1xf32>
    %get3A_2 = arith.constant 0 : index
    %get3A_3 = arith.constant 0 : index
    %get3A_4 = vector.load %arg4[%get3A_2, %get3A_3] : memref<1024x1xf32, #tpu.memory_space<vmem>>, vector<1024x1xf32>
    %add3A = arith.addf %get3A_1, %get3A_4 : vector<1024x1xf32>
    %add3A_5 = arith.constant 1.000000e+00 : f32
    %add3A_6 = vector.broadcast %add3A_5 : f32 to vector<1024x1xf32>
    %add3A_7 = arith.addf %add3A, %add3A_6 : vector<1024x1xf32>
    %rsqrt3A = math.rsqrt %add3A_7 : vector<1024x1xf32>
    %get3A_8 = arith.constant 0 : index
    %get3A_9 = arith.constant 0 : index
    %get3A_10 = vector.load %arg1[%get3A_8, %get3A_9] : memref<1024x128xf32, #tpu.memory_space<vmem>>, vector<1024x128xf32>
    %get3A_11 = arith.constant 0 : index
    %get3A_12 = arith.constant 0 : index
    %get3A_13 = vector.load %arg2[%get3A_11, %get3A_12] : memref<128x128xf32, #tpu.memory_space<vmem>>, vector<128x128xf32>
    %dot_general3A = arith.constant dense<0.000000e+00> : vector<1024x128xf32>
    %dot_general3A_14 = tpu.matmul %get3A_10, %get3A_13, %dot_general3A {dimension_numbers = #tpu.dot_dimension_numbers<[1], [0], [0], [1], [0, 0, 1, 1], [], []>, transpose_lhs_hint = false} : vector<1024x128xf32>, vector<128x128xf32>, vector<1024x128xf32> -> vector<1024x128xf32>
    %mul3A = vector.broadcast %rsqrt3A : vector<1024x1xf32> to vector<1024x128xf32>
    %mul3A_15 = arith.mulf %mul3A, %dot_general3A_14 : vector<1024x128xf32>
    %swap3A = arith.constant 0 : index
    %swap3A_16 = arith.constant 0 : index
    %swap3A_17 = vector.load %arg5[%swap3A, %swap3A_16] : memref<1024x128xf32, #tpu.memory_space<vmem>>, vector<1024x128xf32>
    tpu.vector_store %arg5[%swap3A, %swap3A_16], %mul3A_15 {strides = array<i32>} : memref<1024x128xf32, #tpu.memory_space<vmem>>, vector<1024x128xf32>,
    %swap3A_18 = arith.constant 0 : index
    %swap3A_19 = arith.constant 0 : index
    %swap3A_20 = vector.load %arg6[%swap3A_18, %swap3A_19] : memref<1024x1xf32, #tpu.memory_space<vmem>>, vector<1024x1xf32>
    tpu.vector_store %arg6[%swap3A_18, %swap3A_19], %rsqrt3A {strides = array<i32>} : memref<1024x1xf32, #tpu.memory_space<vmem>>, vector<1024x1xf32>,
    return
  }
  func.func @transform_0(%arg0: i32) -> (i32, i32) {
    %c0_i32 = arith.constant 0 : i32
    %c0_i32_0 = arith.constant 0 : i32
    return %arg0, %c0_i32 : i32, i32
  }
  func.func @transform_1(%arg0: i32) -> (i32, i32) {
    %c0_i32 = arith.constant 0 : i32
    %c0_i32_0 = arith.constant 0 : i32
    %c0_i32_1 = arith.constant 0 : i32
    return %c0_i32, %c0_i32_0 : i32, i32
  }
  func.func @transform_2(%arg0: i32) -> (i32, i32) {
    %c0_i32 = arith.constant 0 : i32
    %c0_i32_0 = arith.constant 0 : i32
    return %arg0, %c0_i32 : i32, i32
  }
  func.func @transform_3(%arg0: i32) -> (i32, i32) {
    %c0_i32 = arith.constant 0 : i32
    %c0_i32_0 = arith.constant 0 : i32
    return %arg0, %c0_i32 : i32, i32
  }
  func.func @transform_4(%arg0: i32) -> (i32, i32) {
    %c0_i32 = arith.constant 0 : i32
    %c0_i32_0 = arith.constant 0 : i32
    return %arg0, %c0_i32 : i32, i32
  }
  func.func @transform_5(%arg0: i32) -> (i32, i32) {
    %c0_i32 = arith.constant 0 : i32
    %c0_i32_0 = arith.constant 0 : i32
    return %arg0, %c0_i32 : i32, i32
  }
}

module attributes {stable_mosaic.version = 14 : i64} {
  func.func @_final_body(%arg0: i32, %arg1: memref<1024x128xf32, #tpu.memory_space<vmem>>, %arg2: memref<1024x128xf32, #tpu.memory_space<vmem>>, %arg3: memref<1024x128xf32, #tpu.memory_space<vmem>>, %arg4: memref<1024x1xf32, #tpu.memory_space<vmem>>, %arg5: memref<1x1024xf32, #tpu.memory_space<vmem>>, %arg6: memref<1x1024xi32, #tpu.memory_space<vmem>>, %arg7: memref<64x1024xf32, #tpu.memory_space<vmem>>, %arg8: memref<64x1024xf32, #tpu.memory_space<vmem>>, %arg9: memref<1x128xf32, #tpu.memory_space<vmem>>, %arg10: memref<64x32xf32, #tpu.memory_space<vmem>>, %arg11: memref<64x32xf32, #tpu.memory_space<vmem>>, %arg12: memref<1x32xf32, #tpu.memory_space<vmem>>, %arg13: memref<1x32xf32, #tpu.memory_space<vmem>>, %arg14: memref<1x1xf32, #tpu.memory_space<vmem>>, %arg15: memref<64x128xf32, #tpu.memory_space<vmem>>, %arg16: memref<64x1xf32, #tpu.memory_space<vmem>>) attributes {dimension_semantics = [#tpu.dimension_semantics<arbitrary>], iteration_bounds = array<i64: 10>, scalar_prefetch = 0 : i64, scratch_operands = 2 : i64, tpu.core_type = #tpu.core_type<tc>, window_params = [{transform_indices = @transform_0, window_bounds = array<i64: 1024, 128>}, {transform_indices = @transform_1, window_bounds = array<i64: 1024, 128>}, {transform_indices = @transform_2, window_bounds = array<i64: 1024, 128>}, {transform_indices = @transform_3, window_bounds = array<i64: 1024, 1>}, {transform_indices = @transform_4, window_bounds = array<i64: 1, 1024>}, {transform_indices = @transform_5, window_bounds = array<i64: 1, 1024>}, {transform_indices = @transform_6, window_bounds = array<i64: 64, 1024>}, {transform_indices = @transform_7, window_bounds = array<i64: 64, 1024>}, {pipeline_mode = #tpu.pipeline_mode<synchronous>, transform_indices = @transform_8, window_bounds = array<i64: 1, 128>}, {pipeline_mode = #tpu.pipeline_mode<synchronous>, transform_indices = @transform_9, window_bounds = array<i64: 64, 32>}, {pipeline_mode = #tpu.pipeline_mode<synchronous>, transform_indices = @transform_10, window_bounds = array<i64: 64, 32>}, {pipeline_mode = #tpu.pipeline_mode<synchronous>, transform_indices = @transform_11, window_bounds = array<i64: 1, 32>}, {pipeline_mode = #tpu.pipeline_mode<synchronous>, transform_indices = @transform_12, window_bounds = array<i64: 1, 32>}, {pipeline_mode = #tpu.pipeline_mode<synchronous>, transform_indices = @transform_13, window_bounds = array<i64: 1, 1>}]} {
    %eq3A = arith.constant 0 : i32
    %eq3A_0 = arith.cmpi eq, %arg0, %eq3A : i32
    %convert_element_type3A = arith.extui %eq3A_0 : i1 to i32
    %cond3A = arith.constant 0 : i32
    %cond3A_1 = arith.cmpi ne, %convert_element_type3A, %cond3A : i32
    scf.if %cond3A_1 {
      %broadcast_in_dim3A_65 = arith.constant 0.000000e+00 : f32
      %broadcast_in_dim3A_66 = vector.broadcast %broadcast_in_dim3A_65 : f32 to vector<64x128xf32>
      %swap3A_67 = arith.constant 0 : index
      %swap3A_68 = arith.constant 0 : index
      %swap3A_69 = vector.load %arg15[%swap3A_67, %swap3A_68] : memref<64x128xf32, #tpu.memory_space<vmem>>, vector<64x128xf32>
      tpu.vector_store %arg15[%swap3A_67, %swap3A_68], %broadcast_in_dim3A_66 {strides = array<i32>} : memref<64x128xf32, #tpu.memory_space<vmem>>, vector<64x128xf32>,
      %broadcast_in_dim3A_70 = arith.constant 0.000000e+00 : f32
      %broadcast_in_dim3A_71 = vector.broadcast %broadcast_in_dim3A_70 : f32 to vector<64x1xf32>
      %swap3A_72 = arith.constant 0 : index
      %swap3A_73 = arith.constant 0 : index
      %swap3A_74 = vector.load %arg16[%swap3A_72, %swap3A_73] : memref<64x1xf32, #tpu.memory_space<vmem>>, vector<64x1xf32>
      tpu.vector_store %arg16[%swap3A_72, %swap3A_73], %broadcast_in_dim3A_71 {strides = array<i32>} : memref<64x1xf32, #tpu.memory_space<vmem>>, vector<64x1xf32>,
    } else {
    }
    %get3A = arith.constant 0 : index
    %get3A_2 = arith.constant 0 : index
    %get3A_3 = vector.load %arg4[%get3A, %get3A_2] : memref<1024x1xf32, #tpu.memory_space<vmem>>, vector<1024x1xf32>
    %get3A_4 = arith.constant 0 : index
    %get3A_5 = arith.constant 0 : index
    %get3A_6 = vector.load %arg1[%get3A_4, %get3A_5] : memref<1024x128xf32, #tpu.memory_space<vmem>>, vector<1024x128xf32>
    %get3A_7 = arith.constant 0 : index
    %get3A_8 = arith.constant 0 : index
    %get3A_9 = vector.load %arg2[%get3A_7, %get3A_8] : memref<1024x128xf32, #tpu.memory_space<vmem>>, vector<1024x128xf32>
    %add3A = arith.addf %get3A_6, %get3A_9 : vector<1024x128xf32>
    %get3A_10 = arith.constant 0 : index
    %get3A_11 = arith.constant 0 : index
    %get3A_12 = vector.load %arg3[%get3A_10, %get3A_11] : memref<1024x128xf32, #tpu.memory_space<vmem>>, vector<1024x128xf32>
    %add3A_13 = arith.addf %add3A, %get3A_12 : vector<1024x128xf32>
    %mul3A = vector.broadcast %get3A_3 : vector<1024x1xf32> to vector<1024x128xf32>
    %mul3A_14 = arith.mulf %mul3A, %add3A_13 : vector<1024x128xf32>
    %get3A_15 = arith.constant 0 : index
    %get3A_16 = arith.constant 0 : index
    %get3A_17 = vector.load %arg9[%get3A_15, %get3A_16] : memref<1x128xf32, #tpu.memory_space<vmem>>, vector<1x128xf32>
    %add3A_18 = vector.broadcast %get3A_17 : vector<1x128xf32> to vector<1024x128xf32>
    %add3A_19 = arith.addf %mul3A_14, %add3A_18 : vector<1024x128xf32>
    %max3A = arith.constant 0.000000e+00 : f32
    %max3A_20 = vector.broadcast %max3A : f32 to vector<1024x128xf32>
    %max3A_21 = arith.maximumf %add3A_19, %max3A_20 : vector<1024x128xf32>
    %mul3A_22 = vector.broadcast %get3A_3 : vector<1024x1xf32> to vector<1024x128xf32>
    %mul3A_23 = arith.mulf %mul3A_22, %max3A_21 : vector<1024x128xf32>
    %iota3A = tpu.iota {dimensions = array<i32: 0>} : vector<64x1024xi32>
    %get3A_24 = arith.constant 0 : index
    %get3A_25 = arith.constant 0 : index
    %get3A_26 = vector.load %arg6[%get3A_24, %get3A_25] : memref<1x1024xi32, #tpu.memory_space<vmem>>, vector<1x1024xi32>
    %eq3A_27 = vector.broadcast %get3A_26 : vector<1x1024xi32> to vector<64x1024xi32>
    %eq3A_28 = arith.cmpi eq, %eq3A_27, %iota3A : vector<64x1024xi32>
    %get3A_29 = arith.constant 0 : index
    %get3A_30 = arith.constant 0 : index
    %get3A_31 = vector.load %arg7[%get3A_29, %get3A_30] : memref<64x1024xf32, #tpu.memory_space<vmem>>, vector<64x1024xf32>
    %get3A_32 = arith.constant 0 : index
    %get3A_33 = arith.constant 0 : index
    %get3A_34 = vector.load %arg8[%get3A_32, %get3A_33] : memref<64x1024xf32, #tpu.memory_space<vmem>>, vector<64x1024xf32>
    %add3A_35 = arith.addf %get3A_31, %get3A_34 : vector<64x1024xf32>
    %get3A_36 = arith.constant 0 : index
    %get3A_37 = arith.constant 0 : index
    %get3A_38 = vector.load %arg5[%get3A_36, %get3A_37] : memref<1x1024xf32, #tpu.memory_space<vmem>>, vector<1x1024xf32>
    %jit3A = arith.constant 0.000000e+00 : f32
    %broadcast_in_dim3A = vector.shape_cast %get3A_38 : vector<1x1024xf32> to vector<1x1024xf32>
    %broadcast_in_dim3A_39 = vector.broadcast %broadcast_in_dim3A : vector<1x1024xf32> to vector<64x1024xf32>
    %broadcast_in_dim3A_40 = vector.broadcast %jit3A : f32 to vector<64x1024xf32>
    %select_n3A = arith.select %eq3A_28, %broadcast_in_dim3A_39, %broadcast_in_dim3A_40 : vector<64x1024xi1>, vector<64x1024xf32>
    %add3A_41 = arith.addf %add3A_35, %select_n3A : vector<64x1024xf32>
    %get3A_42 = arith.constant 0 : index
    %get3A_43 = arith.constant 0 : index
    %get3A_44 = vector.load %arg15[%get3A_42, %get3A_43] : memref<64x128xf32, #tpu.memory_space<vmem>>, vector<64x128xf32>
    %dot_general3A = arith.constant dense<0.000000e+00> : vector<64x128xf32>
    %dot_general3A_45 = tpu.matmul %add3A_41, %mul3A_23, %dot_general3A {dimension_numbers = #tpu.dot_dimension_numbers<[1], [0], [0], [1], [0, 0, 1, 1], [], []>, transpose_lhs_hint = false} : vector<64x1024xf32>, vector<1024x128xf32>, vector<64x128xf32> -> vector<64x128xf32>
    %add3A_46 = arith.addf %get3A_44, %dot_general3A_45 : vector<64x128xf32>
    %swap3A = arith.constant 0 : index
    %swap3A_47 = arith.constant 0 : index
    %swap3A_48 = vector.load %arg15[%swap3A, %swap3A_47] : memref<64x128xf32, #tpu.memory_space<vmem>>, vector<64x128xf32>
    tpu.vector_store %arg15[%swap3A, %swap3A_47], %add3A_46 {strides = array<i32>} : memref<64x128xf32, #tpu.memory_space<vmem>>, vector<64x128xf32>,
    %get3A_49 = arith.constant 0 : index
    %get3A_50 = arith.constant 0 : index
    %get3A_51 = vector.load %arg16[%get3A_49, %get3A_50] : memref<64x1xf32, #tpu.memory_space<vmem>>, vector<64x1xf32>
    %convert_element_type3A_52 = arith.extui %eq3A_28 : vector<64x1024xi1> to vector<64x1024xi32>
    %convert_element_type3A_53 = arith.sitofp %convert_element_type3A_52 : vector<64x1024xi32> to vector<64x1024xf32>
    %reduce_sum3A = arith.constant dense<0.000000e+00> : vector<64xf32>
    %reduce_sum3A_54 = vector.multi_reduction <add>, %convert_element_type3A_53, %reduce_sum3A [1] : vector<64x1024xf32> to vector<64xf32>
    %broadcast_in_dim3A_55 = vector.shape_cast %reduce_sum3A_54 : vector<64xf32> to vector<64x1xf32>
    %add3A_56 = arith.addf %get3A_51, %broadcast_in_dim3A_55 : vector<64x1xf32>
    %swap3A_57 = arith.constant 0 : index
    %swap3A_58 = arith.constant 0 : index
    %swap3A_59 = vector.load %arg16[%swap3A_57, %swap3A_58] : memref<64x1xf32, #tpu.memory_space<vmem>>, vector<64x1xf32>
    tpu.vector_store %arg16[%swap3A_57, %swap3A_58], %add3A_56 {strides = array<i32>} : memref<64x1xf32, #tpu.memory_space<vmem>>, vector<64x1xf32>,
    %eq3A_60 = arith.constant 9 : i32
    %eq3A_61 = arith.cmpi eq, %arg0, %eq3A_60 : i32
    %convert_element_type3A_62 = arith.extui %eq3A_61 : i1 to i32
    %cond3A_63 = arith.constant 0 : i32
    %cond3A_64 = arith.cmpi ne, %convert_element_type3A_62, %cond3A_63 : i32
    scf.if %cond3A_64 {
      %get3A_65 = arith.constant 0 : index
      %get3A_66 = arith.constant 0 : index
      %get3A_67 = vector.load %arg16[%get3A_65, %get3A_66] : memref<64x1xf32, #tpu.memory_space<vmem>>, vector<64x1xf32>
      %max3A_68 = arith.constant 1.000000e+00 : f32
      %max3A_69 = vector.broadcast %max3A_68 : f32 to vector<64x1xf32>
      %max3A_70 = arith.maximumf %get3A_67, %max3A_69 : vector<64x1xf32>
      %div3A = arith.constant 1.000000e+00 : f32
      %div3A_71 = vector.broadcast %div3A : f32 to vector<64x1xf32>
      %div3A_72 = arith.divf %div3A_71, %max3A_70 : vector<64x1xf32>
      %gt3A = arith.constant 0.000000e+00 : f32
      %gt3A_73 = vector.broadcast %gt3A : f32 to vector<64x1xf32>
      %gt3A_74 = arith.cmpf ogt, %get3A_67, %gt3A_73 : vector<64x1xf32>
      %jit3A_75 = arith.constant 1.000000e+00 : f32
      %jit3A_76 = arith.constant 0.000000e+00 : f32
      %broadcast_in_dim3A_77 = vector.broadcast %jit3A_75 : f32 to vector<64x1xf32>
      %broadcast_in_dim3A_78 = vector.broadcast %jit3A_76 : f32 to vector<64x1xf32>
      %select_n3A_79 = arith.select %gt3A_74, %broadcast_in_dim3A_77, %broadcast_in_dim3A_78 : vector<64x1xi1>, vector<64x1xf32>
      %get3A_80 = arith.constant 0 : index
      %get3A_81 = arith.constant 0 : index
      %get3A_82 = vector.load %arg15[%get3A_80, %get3A_81] : memref<64x128xf32, #tpu.memory_space<vmem>>, vector<64x128xf32>
      %mul3A_83 = vector.broadcast %div3A_72 : vector<64x1xf32> to vector<64x128xf32>
      %mul3A_84 = arith.mulf %get3A_82, %mul3A_83 : vector<64x128xf32>
      %slice3A = vector.extract_strided_slice %mul3A_84 {offsets = [0, 0], sizes = [64, 64], strides = [1, 1]} : vector<64x128xf32> to vector<64x64xf32>
      %get3A_85 = arith.constant 0 : index
      %get3A_86 = arith.constant 0 : index
      %get3A_87 = vector.load %arg10[%get3A_85, %get3A_86] : memref<64x32xf32, #tpu.memory_space<vmem>>, vector<64x32xf32>
      %dot_general3A_88 = arith.constant dense<0.000000e+00> : vector<64x32xf32>
      %dot_general3A_89 = tpu.matmul %slice3A, %get3A_87, %dot_general3A_88 {dimension_numbers = #tpu.dot_dimension_numbers<[1], [0], [0], [1], [0, 0, 1, 1], [], []>, transpose_lhs_hint = false} : vector<64x64xf32>, vector<64x32xf32>, vector<64x32xf32> -> vector<64x32xf32>
      %get3A_90 = arith.constant 0 : index
      %get3A_91 = arith.constant 0 : index
      %get3A_92 = vector.load %arg12[%get3A_90, %get3A_91] : memref<1x32xf32, #tpu.memory_space<vmem>>, vector<1x32xf32>
      %mul3A_93 = vector.broadcast %get3A_92 : vector<1x32xf32> to vector<64x32xf32>
      %mul3A_94 = vector.broadcast %select_n3A_79 : vector<64x1xf32> to vector<64x32xf32>
      %mul3A_95 = arith.mulf %mul3A_93, %mul3A_94 : vector<64x32xf32>
      %add3A_96 = arith.addf %dot_general3A_89, %mul3A_95 : vector<64x32xf32>
      %slice3A_97 = vector.extract_strided_slice %mul3A_84 {offsets = [0, 64], sizes = [64, 64], strides = [1, 1]} : vector<64x128xf32> to vector<64x64xf32>
      %get3A_98 = arith.constant 0 : index
      %get3A_99 = arith.constant 0 : index
      %get3A_100 = vector.load %arg11[%get3A_98, %get3A_99] : memref<64x32xf32, #tpu.memory_space<vmem>>, vector<64x32xf32>
      %dot_general3A_101 = arith.constant dense<0.000000e+00> : vector<64x32xf32>
      %dot_general3A_102 = tpu.matmul %slice3A_97, %get3A_100, %dot_general3A_101 {dimension_numbers = #tpu.dot_dimension_numbers<[1], [0], [0], [1], [0, 0, 1, 1], [], []>, transpose_lhs_hint = false} : vector<64x64xf32>, vector<64x32xf32>, vector<64x32xf32> -> vector<64x32xf32>
      %get3A_103 = arith.constant 0 : index
      %get3A_104 = arith.constant 0 : index
      %get3A_105 = vector.load %arg13[%get3A_103, %get3A_104] : memref<1x32xf32, #tpu.memory_space<vmem>>, vector<1x32xf32>
      %mul3A_106 = vector.broadcast %get3A_105 : vector<1x32xf32> to vector<64x32xf32>
      %mul3A_107 = vector.broadcast %select_n3A_79 : vector<64x1xf32> to vector<64x32xf32>
      %mul3A_108 = arith.mulf %mul3A_106, %mul3A_107 : vector<64x32xf32>
      %add3A_109 = arith.addf %dot_general3A_102, %mul3A_108 : vector<64x32xf32>
      %sub3A = arith.subf %add3A_109, %add3A_96 : vector<64x32xf32>
      %add3A_110 = arith.constant 9.99999997E-7 : f32
      %add3A_111 = vector.broadcast %add3A_110 : f32 to vector<64x32xf32>
      %add3A_112 = arith.addf %sub3A, %add3A_111 : vector<64x32xf32>
      %mul3A_113 = arith.mulf %add3A_112, %add3A_112 : vector<64x32xf32>
      %reduce_sum3A_114 = arith.constant dense<0.000000e+00> : vector<64xf32>
      %reduce_sum3A_115 = vector.multi_reduction <add>, %mul3A_113, %reduce_sum3A_114 [1] : vector<64x32xf32> to vector<64xf32>
      %broadcast_in_dim3A_116 = vector.shape_cast %reduce_sum3A_115 : vector<64xf32> to vector<64x1xf32>
      %sqrt3A = math.sqrt %broadcast_in_dim3A_116 : vector<64x1xf32>
      %reduce_sum3A_117 = vector.shape_cast %sqrt3A : vector<64x1xf32> to vector<1x64x1xf32>
      %reduce_sum3A_118 = arith.constant dense<0.000000e+00> : vector<1xf32>
      %reduce_sum3A_119 = vector.multi_reduction <add>, %reduce_sum3A_117, %reduce_sum3A_118 [1, 2] : vector<1x64x1xf32> to vector<1xf32>
      %reduce_sum3A_120 = vector.shape_cast %reduce_sum3A_119 : vector<1xf32> to vector<1x1x1xf32>
      %reduce_sum3A_121 = vector.extract %reduce_sum3A_120[0, 0, 0] : f32 from vector<1x1x1xf32>
      %reshape3A = vector.broadcast %reduce_sum3A_121 : f32 to vector<1x1xf32>
      %div3A_122 = arith.constant 6.400000e+01 : f32
      %div3A_123 = vector.broadcast %div3A_122 : f32 to vector<1x1xf32>
      %div3A_124 = arith.divf %reshape3A, %div3A_123 : vector<1x1xf32>
      %swap3A_125 = arith.constant 0 : index
      %swap3A_126 = arith.constant 0 : index
      %swap3A_127 = vector.load %arg14[%swap3A_125, %swap3A_126] : memref<1x1xf32, #tpu.memory_space<vmem>>, vector<1x1xf32>
      tpu.vector_store %arg14[%swap3A_125, %swap3A_126], %div3A_124 {strides = array<i32>} : memref<1x1xf32, #tpu.memory_space<vmem>>, vector<1x1xf32>,
    } else {
    }
    return
  }
  func.func @transform_0(%arg0: i32) -> (i32, i32) {
    %c0_i32 = arith.constant 0 : i32
    %c0_i32_0 = arith.constant 0 : i32
    return %arg0, %c0_i32 : i32, i32
  }
  func.func @transform_1(%arg0: i32) -> (i32, i32) {
    %c0_i32 = arith.constant 0 : i32
    %c0_i32_0 = arith.constant 0 : i32
    return %arg0, %c0_i32 : i32, i32
  }
  func.func @transform_2(%arg0: i32) -> (i32, i32) {
    %c0_i32 = arith.constant 0 : i32
    %c0_i32_0 = arith.constant 0 : i32
    return %arg0, %c0_i32 : i32, i32
  }
  func.func @transform_3(%arg0: i32) -> (i32, i32) {
    %c0_i32 = arith.constant 0 : i32
    %c0_i32_0 = arith.constant 0 : i32
    return %arg0, %c0_i32 : i32, i32
  }
  func.func @transform_4(%arg0: i32) -> (i32, i32) {
    %c0_i32 = arith.constant 0 : i32
    %c0_i32_0 = arith.constant 0 : i32
    return %c0_i32, %arg0 : i32, i32
  }
  func.func @transform_5(%arg0: i32) -> (i32, i32) {
    %c0_i32 = arith.constant 0 : i32
    %c0_i32_0 = arith.constant 0 : i32
    return %c0_i32, %arg0 : i32, i32
  }
  func.func @transform_6(%arg0: i32) -> (i32, i32) {
    %c0_i32 = arith.constant 0 : i32
    %c0_i32_0 = arith.constant 0 : i32
    return %c0_i32, %arg0 : i32, i32
  }
  func.func @transform_7(%arg0: i32) -> (i32, i32) {
    %c0_i32 = arith.constant 0 : i32
    %c0_i32_0 = arith.constant 0 : i32
    return %c0_i32, %arg0 : i32, i32
  }
  func.func @transform_8(%arg0: i32) -> (i32, i32) {
    %c0_i32 = arith.constant 0 : i32
    %c0_i32_0 = arith.constant 0 : i32
    %c0_i32_1 = arith.constant 0 : i32
    return %c0_i32, %c0_i32_0 : i32, i32
  }
  func.func @transform_9(%arg0: i32) -> (i32, i32) {
    %c0_i32 = arith.constant 0 : i32
    %c0_i32_0 = arith.constant 0 : i32
    %c0_i32_1 = arith.constant 0 : i32
    return %c0_i32, %c0_i32_0 : i32, i32
  }
  func.func @transform_10(%arg0: i32) -> (i32, i32) {
    %c0_i32 = arith.constant 0 : i32
    %c0_i32_0 = arith.constant 0 : i32
    %c0_i32_1 = arith.constant 0 : i32
    return %c0_i32, %c0_i32_0 : i32, i32
  }
  func.func @transform_11(%arg0: i32) -> (i32, i32) {
    %c0_i32 = arith.constant 0 : i32
    %c0_i32_0 = arith.constant 0 : i32
    %c0_i32_1 = arith.constant 0 : i32
    return %c0_i32, %c0_i32_0 : i32, i32
  }
  func.func @transform_12(%arg0: i32) -> (i32, i32) {
    %c0_i32 = arith.constant 0 : i32
    %c0_i32_0 = arith.constant 0 : i32
    %c0_i32_1 = arith.constant 0 : i32
    return %c0_i32, %c0_i32_0 : i32, i32
  }
  func.func @transform_13(%arg0: i32) -> (i32, i32) {
    %c0_i32 = arith.constant 0 : i32
    %c0_i32_0 = arith.constant 0 : i32
    %c0_i32_1 = arith.constant 0 : i32
    return %c0_i32, %c0_i32_0 : i32, i32
  }
}

</mosaic_0001>

<sc_bundles>
// kernel: kernel.10.cloned.1.call-start
scs
__scs_entry_jumppad:
0x0: {  	(pc) =	sbr.rel $0x88, $3  }
0x1: {  	(tag) =	ssettag $0x0;
	lr =	simm.s32 $0x1  }
0x2: {  	[smem:$0x3F96] =	sst lr;
	_ =	strace $0xD0000000  }
0x3: {  	_ = 	snop  }
0x4: {  	_ = 	snop  }
0x5: {  	_ = 	snop  }
0x6: {  	_ = 	snop  }
0x7: {  	_ = 	snop  }
__scs_overlays_trampoline_lowered:
0x8: {  	[smem:$0x3FA5] =	sst s0  }
0x9: {  	[smem:$0x3FA6] =	sst s1  }
0xa: {  	[smem:$0x3FA7] =	sst s2  }
0xb: {  	[smem:$0x3FA8] =	sst s3  }
0xc: {  	[smem:$0x3FA9] =	sst s4  }
0xd: {  	[smem:$0x3FAA] =	sst s5  }
0xe: {  	[smem:$0x3FAB] =	sst s6  }
0xf: {  	[smem:$0x3FAC] =	sst s7  }
0x10: {  	[smem:$0x3FAD] =	sst s8  }
0x11: {  	[smem:$0x3FAE] =	sst s9;
	s0 =	simm.s32 @!p0 $0x0  }
0x12: {  	s1 =	sld [smem:$0x3F94];
	s0 =	simm.s32 @p0 $0x1  }
0x13: {  	[smem:$0x3FAF] =	sst s0;
	s0 =	simm.s32 @!p1 $0x0  }
0x14: {  	s2 =	sld [smem:$0x3F93];
	s0 =	simm.s32 @p1 $0x1  }
0x15: {  	[smem:$0x3FB0] =	sst s0;
	s0 =	simm.s32 @!p2 $0x0  }
0x16: {  	s3 =	sld [smem:$0x3FDB];
	s0 =	simm.s32 @p2 $0x1  }
0x17: {  	s4 =	simm.s32 $0x1BF5;
	[smem:$0x3FB2] =	sst s0  }
0x18: {  	s0 =	sld [smem:$0x3F95];
	_ =	swait.ge [sflag:s4], $0x0  }
0x19: {  	s7 =	sld [smem:$0x3F96]  }
0x1a: {  	s8 =	sadd.s32 $0xFFFFE003, lr  }
0x1b: {  	s9 =	sadd.s32 $0xFFFFFEF7, lr;
	s5 =	simm.s32 $0xFFFFFFFF;
	p2 =	slt.u32 s8, $0xFFFFF086  }
0x1c: {  	p1 =	slt.u32 s9, $0xF7A;
	s5 =	simm.s32 @!p2 $0x0  }
0x1d: {  	s5 =	simm.s32 @p1 $0x1;
	p0 =	seq.s32 s7, s2  }
0x1e: {  	s7 =	smul.u32 @!p0 $0xF7A, s2;
	p2 =	seq.s32 @!p0 s5, $0x0  }
0x1f: {  	s9 =	smul.u32 $0xF7A, s1;
	s8 =	simm.s32 @!p0 $0x1BF5;
	p2 =	por !p2, p0  }
0x20: {  	[sflag:s8] =	ssyncset.s32 @!p0 $0xFFFFF086;
	s6 =	sadd.s32 @!p0 s3, s7;
	s7 =	simm.s32 @!p0 $0x108  }
0x21: {  	s3 =	sadd.s32 s3, s9;
	s6 =	sadd.s32 @!p0 $0x88, s6;
	s7 =	simm.s32 @p2 $0x1082  }
0x22: {  	[simem:s7], [sflag:s8] =	dma.local @!p0 [hbm:s6], $0xF7A  }
0x23: {  	s9 =	sor.u32 $0xD0000000, s2;
	s6 =	simm.s32 $0x108;
	_ =	swait.ge @!p0 [sflag:s8], $0x0  }
0x24: {  	s3 =	sadd.s32 $0x88, s3;
	s6 =	simm.s32 @!p1 $0x1082;
	[sflag:s4] =	ssyncset.s32 $0xFFFFF086  }
0x25: {  	[simem:s6], [sflag:s4] =	dma.local [hbm:s3], $0xF7A  }
0x26: {  	[smem:$0x3F96] =	sst s1;
	(tag) =	ssettag s2;
	_ =	strace s9  }
0x27: {  	s1 =	sld [smem:$0x3FA6]  }
0x28: {  	s2 =	sld [smem:$0x3FA7]  }
0x29: {  	s4 =	sld [smem:$0x3FA9]  }
0x2a: {  	p0 =	seq.s32 s5, $0x0;
	s5 =	sld [smem:$0x3FAA]  }
0x2b: {  	s6 =	sld [smem:$0x3FAB]  }
0x2c: {  	s7 =	sld [smem:$0x3FAC]  }
0x2d: {  	s3 =	simm.s32 $0x108;
	s8 =	sld [smem:$0x3FAD]  }
0x2e: {  	s3 =	simm.s32 @!p0 $0x1082;
	s9 =	sld [smem:$0x3FAE]  }
0x2f: {  	lr =	sadd.s32 s0, s3;
	s0 =	sld [smem:$0x3FA5]  }
0x30: {  	s3 =	sld [smem:$0x3FA8]  }
0x31: {  	[smem:$0x3FB1] =	sst s10  }
0x32: {  	s10 =	sld [smem:$0x3FAF];
	_ =	sdelay $0x3  }
0x33: {  	p0 =	seq.s32 s10, $0x1;
	s10 =	sld [smem:$0x3FB1];
	_ =	sdelay $0x3  }
0x34: {  	[smem:$0x3FB1] =	sst s10  }
0x35: {  	s10 =	sld [smem:$0x3FB0];
	_ =	sdelay $0x3  }
0x36: {  	p1 =	seq.s32 s10, $0x1;
	s10 =	sld [smem:$0x3FB1];
	_ =	sdelay $0x3  }
0x37: {  	[smem:$0x3FB1] =	sst s10  }
0x38: {  	s10 =	sld [smem:$0x3FB2]  }
0x39: {  	_ = 	snop;
	(pc) =	sbr.ind lr, $3  }
0x3a: {  	_ = 	snop  }
0x3b: {  	_ = 	snop  }
0x3c: {  	p2 =	seq.s32 s10, $0x1;
	s10 =	sld [smem:$0x3FB1]  }
0x3d: {  	_ =	shalt  }
0x3e: {  	_ =	shalt  }
0x3f: {  	_ =	shalt  }
0x40: {  	_ =	shalt  }
0x41: {  	_ =	shalt  }
0x42: {  	_ =	shalt  }
0x43: {  	_ =	shalt  }
0x44: {  	_ =	shalt  }
0x45: {  	_ =	shalt  }
0x46: {  	_ =	shalt  }
0x47: {  	_ =	shalt  }
0x48: {  	_ =	shalt  }
0x49: {  	_ =	shalt  }
0x4a: {  	_ =	shalt  }
0x4b: {  	_ =	shalt  }
0x4c: {  	_ =	shalt  }
0x4d: {  	_ =	shalt  }
0x4e: {  	_ =	shalt  }
0x4f: {  	_ =	shalt  }
0x50: {  	_ =	shalt  }
0x51: {  	_ =	shalt  }
0x52: {  	_ =	shalt  }
0x53: {  	_ =	shalt  }
0x54: {  	_ =	shalt  }
0x55: {  	_ =	shalt  }
0x56: {  	_ =	shalt  }
0x57: {  	_ =	shalt  }
0x58: {  	_ =	shalt  }
0x59: {  	_ =	shalt  }
0x5a: {  	_ =	shalt  }
0x5b: {  	_ =	shalt  }
0x5c: {  	_ =	shalt  }
0x5d: {  	_ =	shalt  }
0x5e: {  	_ =	shalt  }
0x5f: {  	_ =	shalt  }
0x60: {  	_ =	shalt  }
0x61: {  	_ =	shalt  }
0x62: {  	_ =	shalt  }
0x63: {  	_ =	shalt  }
0x64: {  	_ =	shalt  }
0x65: {  	_ =	shalt  }
0x66: {  	_ =	shalt  }
0x67: {  	_ =	shalt  }
0x68: {  	_ =	shalt  }
0x69: {  	_ =	shalt  }
0x6a: {  	_ =	shalt  }
0x6b: {  	_ =	shalt  }
0x6c: {  	_ =	shalt  }
0x6d: {  	_ =	shalt  }
0x6e: {  	_ =	shalt  }
0x6f: {  	_ =	shalt  }
0x70: {  	_ =	shalt  }
0x71: {  	_ =	shalt  }
0x72: {  	_ =	shalt  }
0x73: {  	_ =	shalt  }
0x74: {  	_ =	shalt  }
0x75: {  	_ =	shalt  }
0x76: {  	_ =	shalt  }
0x77: {  	_ =	shalt  }
0x78: {  	_ =	shalt  }
0x79: {  	_ =	shalt  }
0x7a: {  	_ =	shalt  }
0x7b: {  	_ =	shalt  }
0x7c: {  	_ =	shalt  }
0x7d: {  	_ =	shalt  }
0x7e: {  	_ =	shalt  }
0x7f: {  	_ =	shalt  }
0x80: {  	_ =	shalt  }
0x81: {  	_ =	shalt  }
0x82: {  	_ =	shalt  }
0x83: {  	_ =	shalt  }
0x84: {  	_ =	shalt  }
0x85: {  	_ =	shalt  }
0x86: {  	_ =	shalt  }
0x87: {  	_ =	shalt  }
.Lfunc_end0:
.L_simem_size_0:
called_computation.1_lowered:
.L_overlay_start_0:
0x88: {  	s2 =	sld [smem:$0x3FD9]  }
0x89: {  	s3 =	sld [smem:$0x3FFE];
	_ =	sdelay $0x1  }
0x8a: {  	s1 =	srdreg.scid  }
0x8b: {  	s0 =	sand.u32 $0x1, s1  }
0x8c: {  	s17 =	sshll.u32 s0, $0xA;
	s2 =	sadd.s32 s3, s2  }
0x8d: {  	s2 =	sadd.s32 s2, s17  }
0x8e: {  	[smem:$0x3FBD] =	sst s2  }
0x8f: {  	_ = 	snop  }
0x90: {  	(tm) =	ssettm $0x1  }
0x91: {  	s18 =	sld [smem:$0x3FFB];
	_ =	sdelay $0x3  }
0x92: {  	_ =	strace s18  }
0x93: {  	s2 =	sld [smem:$0x3FFC];
	_ =	sdelay $0x3  }
0x94: {  	_ =	strace s2  }
0x95: {  	s2 =	sld [smem:$0x3FFD];
	_ =	sdelay $0x3  }
0x96: {  	_ =	strace s2  }
0x97: {  	_ =	strace $0x8FFFFFFF  }
0x98: {  	s19 =	sld [smem:$0x3FDB];
	_ =	sdelay $0x1  }
0x99: {  	s20 =	simm.s32 $_scs_section_size  }
0x9a: {  	s4 =	simm.s32 $_size__tile_overlayer_lowered;
	s5 =	simm.s32 $_tile_overlayer_lowered  }
0x9b: {  	s6 =	simm.s32 $0x1BFF;
	s21 =	sshll.u32 s5, $0x1;
	s3 =	sadd.s32 s20, s19  }
0x9c: {  	s22 =	simm.s32 $0x0;
	s4 =	sshll.u32 s4, $0x1;
	s5 =	sadd.s32 s21, s3  }
0x9d: {  	[timem:s22], [sflag:s6] =	dma.local [hbm:s5], s4  }
0x9e: {  	_ =	swait.ge [sflag:s6], s4  }
0x9f: {  	s4 =	ssub.s32 $0x0, s4;
	[sflag:s6] =	ssyncset.done $0x0  }
0xa0: {  	[sflag:s6] =	ssyncadd.s32 s4;
	_ =	sdelay $0x1  }
0xa1: {  	s23 =	simm.s32 $0x1B8B  }
0xa2: {  	_ =	swait.ge [sflag:s23], $0x1  }
0xa3: {  	[sflag:s23] =	ssyncset.done $0x0  }
0xa4: {  	[sflag:s23] =	ssyncadd.s32 $0xFFFFFFFF  }
0xa5: {  	s4 =	sld [smem:$0x0]  }
0xa6: {  	s5 =	sand.u32 $0xFFFFFFFE, s1  }
0xa7: {  	p0 =	sne.s32 s1, s5  }
0xa8: {  	s5 =	sshll.u32 @p0 s5, $0xE  }
0xa9: {  	s5 =	sadd.s32 @p0 $0x11B8D, s5;
	s6 =	sshll.u32 @p0 s4, $0x11  }
0xaa: {  	s5 =	sor.u32 @p0 s6, s5  }
0xab: {  	[sflag:s5] =	ssyncadd.remote.s32 @p0 $0x1;
	_ =	sdelay $0x1  }
0xac: {  	s5 =	simm.s32 @p0 $0x1B8D  }
0xad: {  	_ =	swait.eq @p0 [sflag:s5], $0x1  }
0xae: {  	[sflag:s5] =	ssyncadd.s32 @p0 $0xFFFFFFFF  }
0xaf: {  	s6 =	sshll.u32 @!p0 s1, $0xE  }
0xb0: {  	s6 =	sor.u32 @!p0 $0x4000, s6;
	s5 =	simm.s32 @!p0 $0x1B8D  }
0xb1: {  	s4 =	sshll.u32 @!p0 s4, $0x11;
	s6 =	sadd.s32 @!p0 $0x11B8D, s6;
	_ =	swait.eq @!p0 [sflag:s5], $0x1  }
0xb2: {  	s4 =	sor.u32 @!p0 s4, s6;
	[sflag:s5] =	ssyncadd.s32 @!p0 $0xFFFFFFFF  }
0xb3: {  	s25 =	simm.s32 $0x1B8E;
	s24 =	sld [smem:$0x3FFE];
	[sflag:s4] =	ssyncadd.remote.s32 @!p0 $0x1  }
0xb4: {  	s26 =	simm.s32 $execute0_lowered;
	[smem:$0x3FD2] =	sst s25  }
0xb5: {  	s5 =	sshll.u32 s26, $0x1;
	_ =	strace $0x8000004C;
	[dreg:$0x1] =	wrdreg $0xFFFFFFFF  }
0xb6: {  	s28 =	simm.s32 $_size_execute0_lowered;
	s3 =	sadd.s32 s3, s5;
	[dreg:$0x0] =	wrdreg $0x0  }
0xb7: {  	s5 =	sshll.u32 s28, $0x1;
	[dreg:$0x2] =	wrdreg s3  }
0xb8: {  	[dreg:$0x3] =	wrdreg s5  }
0xb9: {  	[dreg:$0x4] =	wrdreg $0xC0  }
0xba: {  	_ =	task [dreg:s22], $0x5FFFF  }
0xbb: {  	[dreg:$0x1] =	wrdreg $0xFFFFFFFF  }
0xbc: {  	[dreg:$0x0] =	wrdreg $0x60  }
0xbd: {  	[dreg:$0x2] =	wrdreg s24  }
0xbe: {  	[dreg:$0x3] =	wrdreg $0xA8000  }
0xbf: {  	[dreg:$0x4] =	wrdreg $0x9  }
0xc0: {  	_ =	task.clear_ibuf [dreg:s22], $0x5FFFF;
	_ =	strace $0x9000004C  }
0xc1: {  	s29 =	simm.s32 $0x9;
	_ =	strace $0x8000004E  }
0xc2: {  	_ =	swait.ge [sflag:s29], $0x1  }
0xc3: {  	[sflag:s29] =	ssyncadd.s32 $0xFFFFFFFF  }
0xc4: {  	_ =	strace $0x9000004E  }
0xc5: {  	_ =	sfence  }
0xc6: {  	s30 =	sld [smem:$0x0];
	_ =	sdelay $0x2  }
0xc7: {  	s31 =	sshll.u32 s1, $0xD;
	s1 =	sshrl.u32 s1, $0x2  }
0xc8: {  	s4 =	sand.u32 $0x4000, s31;
	s1 =	sadd.s32 s1, s30  }
0xc9: {  	s0 =	sor.u32 s4, s0;
	s1 =	sshll.u32 s1, $0x11  }
0xca: {  	s0 =	sor.u32 s1, s0  }
0xcb: {  	s0 =	sadd.s32 $0x8F2B, s0  }
0xcc: {  	[sflag:s0] =	ssyncadd.remote.s32 $0x1  }
0xcd: {  	_ =	sfence.sel $0xFFFF  }
0xce: {  	[dreg:$0x0] =	wrdreg $0xFFFFFFFF;
	(pc) =	sbr.abs _section_cstart, $3  }
0xcf: {  	[dreg:$0x1] =	wrdreg $0xFFFFFFFF  }
0xd0: {  	_ =	task.clear_ibuf [dreg:s22], $0x2FFFF;
	_ =	strace $0x9FFFFFFF  }
0xd1: {  	(tm) =	ssettm $0x7FFFFFFF  }
tec
execute0_lowered:
.L_overlay_start_1:
0x0: {  	(tag) =	ssettag $0x1  }
0x1: {  	s0 =	srdreg.scid;
	s10 =	stileid.u32  }
0x2: {  	s2 =	rddreg [dreg:$0x0];
	s5 =	smul.u32 $0x14000, s10  }
0x3: {  	s1 =	simm.s32 $0x0;
	s0 =	sand.u32 $0x1, s0;
	s20 =	smul.u32 $0x2800, s10  }
0x4: {  	s31 =	rddreg [dreg:$0x1];
	s3 =	smul.u32 $0x140000, s0;
	s4 =	sshll.u32 s0, $0x4  }
0x5: {  	s8 =	ssub.s32 $0x2, s0;
	s0 =	smul.u32 $0x28000, s0;
	s4 =	sor.u32 s10, s4  }
0x6: {  	[smem:$0x7FF] =	sst s1;
	s6 =	sadd.s32 $0xC600, s2;
	s4 =	smul.u32 $0x2800, s4  }
0x7: {  	s7 =	sadd.s32 $0x2600, s2;
	s12 =	sshrl.u32 s8, $0x1;
	s5 =	sadd.s32 s5, s3  }
0x8: {  	s3 =	ssub.s32 s8, s12;
	s0 =	sadd.s32 s20, s0;
	s4 =	sshrl.u32 s4, $0x3  }
0x9: {  	s24 =	sor.u32 $0x410, s0;
	s26 =	sor.u32 $0x3C0, s0;
	s13 =	sadd.s32 s6, s4  }
0xa: {  	s25 =	sshrl.u32 s24, $0x3;
	s9 =	sadd.s32 s7, s4;
	[dreg:$0x3] =	wrdreg s13  }
0xb: {  	s14 =	sor.u32 $0xA, s4;
	s28 =	sadd.s32 s25, s7;
	[dreg:$0x4] =	wrdreg s9  }
0xc: {  	s29 =	sor.u32 $0x370, s0;
	s15 =	sadd.s32 s6, s14;
	[dreg:$0xf] =	wrdreg s28  }
0xd: {  	s16 =	sor.u32 $0x14, s4;
	s8 =	sadd.s32 s7, s14;
	[dreg:$0x5] =	wrdreg s15  }
0xe: {  	s24 =	smul.u32 $0x50000, s10;
	s17 =	sadd.s32 s6, s16;
	[dreg:$0x6] =	wrdreg s8  }
0xf: {  	s19 =	sor.u32 $0x1E, s4;
	s18 =	sadd.s32 s7, s16;
	[dreg:$0x7] =	wrdreg s17  }
0x10: {  	s21 =	sor.u32 $0x28, s4;
	s11 =	sadd.s32 s6, s19;
	[dreg:$0x8] =	wrdreg s18  }
0x11: {  	s4 =	sor.u32 $0x32, s4;
	s22 =	sadd.s32 s6, s21;
	[dreg:$0x9] =	wrdreg s11  }
0x12: {  	s23 =	sadd.s32 s6, s4;
	s4 =	sadd.s32 s7, s4;
	[dreg:$0xb] =	wrdreg s22  }
0x13: {  	s13 =	sor.u32 $0x320, s0;
	s9 =	simm.s32 $0x780;
	[dreg:$0xd] =	wrdreg s23  }
0x14: {  	s8 =	sadd.s32 s7, s19;
	[dreg:$0xe] =	wrdreg s4;
	s4 =	sadd.s32 s25, s6  }
0x15: {  	s11 =	sshrl.u32 s29, $0x3;
	s14 =	sshrl.u32 s13, $0x3;
	s15 =	sor.u32 $0x2D0, s0  }
0x16: {  	s17 =	sor.u32 $0x280, s0;
	s25 =	sshrl.u32 s5, $0x3;
	s29 =	smax.u32 s3, $0x1  }
0x17: {  	s13 =	simm.s32 $0x3;
	[dreg:$0xa] =	wrdreg s8;
	s8 =	sadd.s32 s7, s21  }
0x18: {  	[dreg:$0x10] =	wrdreg s4;
	s12 =	sadd.s32 s11, s7;
	s4 =	sadd.s32 s11, s6  }
0x19: {  	s16 =	sadd.s32 s14, s7;
	s18 =	sshrl.u32 s17, $0x3;
	s21 =	sor.u32 $0x230, s0  }
0x1a: {  	s0 =	sor.u32 $0x1E0, s0;
	s5 =	sadd.s32 s25, s2;
	[dreg:$0xc] =	wrdreg s8  }
0x1b: {  	s11 =	simm.s32 $0x3000;
	s25 =	simm.s32 $0x10;
	[dreg:$0x13] =	wrdreg s12  }
0x1c: {  	s17 =	simm.s32 $0x380;
	s8 =	sshrl.u32 s26, $0x3;
	[dreg:$0x14] =	wrdreg s4  }
0x1d: {  	[dreg:$0x15] =	wrdreg s16;
	s4 =	sadd.s32 s14, s6;
	s20 =	sadd.s32 s18, s7  }
0x1e: {  	s22 =	sshrl.u32 s21, $0x3;
	s0 =	sshrl.u32 s0, $0x3;
	s28 =	sadd.s32 $0x93400, s5  }
0x1f: {  	s12 =	simm.s32 $0x9;
	s14 =	simm.s32 $0x4;
	[dreg:$0x16] =	wrdreg s4  }
0x20: {  	s21 =	simm.s32 $0xE;
	s30 =	sadd.s32 s8, s7;
	[dreg:$0x19] =	wrdreg s20  }
0x21: {  	s8 =	sadd.s32 s8, s6;
	s4 =	sadd.s32 s18, s6;
	[dreg:$0x11] =	wrdreg s30  }
0x22: {  	s23 =	sadd.s32 s0, s7;
	s0 =	sadd.s32 s0, s6;
	[dreg:$0x12] =	wrdreg s8  }
0x23: {  	s20 =	simm.s32 $0xC;
	s18 =	simm.s32 $0x5800;
	[dreg:$0x1a] =	wrdreg s4  }
0x24: {  	s8 =	sshrl.u32 s15, $0x3;
	s4 =	sadd.s32 s22, s6;
	[dreg:$0x1d] =	wrdreg s23  }
0x25: {  	[dreg:$0x1e] =	wrdreg s0;
	s0 =	sadd.s32 $0x17800, s2;
	s2 =	sadd.s32 $0x90C00, s2  }
0x26: {  	s30 =	sshll.u32 s10, $0x6;
	s19 =	sadd.s32 s8, s7;
	[dreg:$0x1c] =	wrdreg s4  }
0x27: {  	s10 =	simm.s32 $0x2;
	s8 =	sadd.s32 s8, s6;
	[dreg:$0x17] =	wrdreg s19  }
0x28: {  	s15 =	simm.s32 $0x8000;
	[dreg:$0x18] =	wrdreg s8;
	s8 =	sadd.s32 s22, s7  }
0x29: {  	s23 =	simm.s32 $0xF;
	s4 =	sshrl.u32 s24, $0x2;
	[dreg:$0x1b] =	wrdreg s8  }
0x2a: {  	s26 =	sadd.s32 s4, s31;
	_ =	strace $0x8000004D;
	[dreg:$0x1f] =	wrdreg s2  }
.Ltmp0:
0x2b: {  	s24 =	simm.s32 $0x7;
	[smem:$0x7F9] =	sst s26;
	(pc) =	sbr.rel .LBB2_1-.Ltmp0, $4  }
0x2c: {  	s6 =	simm.s32 $0x0;
	s4 =	simm.s32 $0xA;
	[smem:$0x7FA] =	sst s28  }
0x2d: {  	s19 =	simm.s32 $0x5;
	s22 =	simm.s32 $0x6;
	[smem:$0x7FB] =	sst s29  }
0x2e: {  	s8 =	simm.s32 $0x50;
	[smem:$0x7FC] =	sst s30;
	s2 =	sor.u32 $0x1C0D, s30  }
0x2f: {  	s26 =	simm.s32 $0x8;
	[smem:$0x7FD] =	sst s2;
	s2 =	simm.s32 $0x800  }
.LBB2_4:
0x30: {  	_ =	swait.ge [sflag:s23], $0x2800  }
0x31: {  	[sflag:s23] =	ssyncset.done $0x0  }
0x32: {  	[sflag:s23] =	ssyncadd.s32 $0xFFFFD800  }
0x33: {  	_ =	swait.ge [sflag:s25], $0x2800  }
0x34: {  	[sflag:s25] =	ssyncset.done $0x0  }
0x35: {  	[sflag:s25] =	ssyncadd.s32 $0xFFFFD800  }
0x36: {  	[bflag:$0x0] =	sbarrier.arrive $0xFFFF  }
0x37: {  	s5 =	sld [smem:$0x7FC]  }
0x38: {  	s7 =	sld [smem:$0x7FA]  }
0x39: {  	s3 =	sld [smem:$0x7F8];
	_ =	sdelay $0x1  }
0x3a: {  	s29 =	simm.s32 $0x11;
	s5 =	sor.u32 $0x1C11, s5  }
0x3b: {  	[hbm:s7], [sflag:s5] =	dma.local [spmem:s3], $0x2800  }
0x3c: {  	_ =	swait.ge [sflag:s29], $0x2800  }
0x3d: {  	s6 =	sld [smem:$0x7F7]  }
0x3e: {  	s30 =	sld [smem:$0x7FB];
	_ =	sdelay $0x1  }
0x3f: {  	s6 =	sadd.s32 $0x1, s6  }
0x40: {  	p0 =	sne.s32 s6, s30  }
.Ltmp1:
0x41: {  	_ = 	snop;
	(pc) =	sbr.rel @!p0 .LBB2_5-.Ltmp1, $3  }
0x42: {  	_ =	sdelay $0x1  }
0x43: {  	[sflag:s29] =	ssyncset.done $0x0  }
0x44: {  	[sflag:s29] =	ssyncadd.s32 $0xFFFFD800  }
.LBB2_1:
0x45: {  	s5 =	sld [smem:$0x7F9]  }
0x46: {  	[smem:$0x7F7] =	sst s6  }
0x47: {  	s7 =	sld [smem:$0x7FD]  }
0x48: {  	s30 =	rddreg [dreg:$0x1f];
	s3 =	sshrl.u32 s5, $0x3  }
0x49: {  	[smem:$0x7F8] =	sst s3  }
0x4a: {  	[spmem:s3], [sflag:s7] =	dma.local [hbm:s30], $0x2800  }
0x4b: {  	s5 =	rddreg [dreg:$0x3]  }
0x4c: {  	[tilespmem:s1], [sflag:$0x1] =	stream.linear.gather [hbm4b:s5+s1], $0x50, $0x38;
	[tilespmem:$0x1E800] =	vst v63  }
0x4d: {  	s6 =	simm.s32 $0x400;
	s3 =	rddreg [dreg:$0x4]  }
0x4e: {  	[tilespmem:s6], [sflag:$0x1] =	stream.linear.gather [hbm4b:s3+s1], $0x50, $0x38;
	[tilespmem:$0x1E800] =	vst v63  }
0x4f: {  	s7 =	simm.s32 $0x80;
	s16 =	rddreg [dreg:$0x5]  }
0x50: {  	[tilespmem:s7], [sflag:$0x2] =	stream.linear.gather [hbm4b:s16+s1], $0x50, $0x38;
	[tilespmem:$0x1E800] =	vst v63  }
0x51: {  	s28 =	simm.s32 $0x480;
	s29 =	rddreg [dreg:$0x6]  }
0x52: {  	[tilespmem:s28], [sflag:$0x2] =	stream.linear.gather [hbm4b:s29+s1], $0x50, $0x38;
	[tilespmem:$0x1E800] =	vst v63  }
0x53: {  	s30 =	rddreg [dreg:$0x7];
	s28 =	simm.s32 $0x100  }
0x54: {  	[tilespmem:s28], [sflag:$0x3] =	stream.linear.gather [hbm4b:s30+s1], $0x50, $0x38;
	[tilespmem:$0x1E800] =	vst v63  }
0x55: {  	s3 =	rddreg [dreg:$0x8];
	s28 =	simm.s32 $0x500  }
0x56: {  	[tilespmem:s28], [sflag:$0x3] =	stream.linear.gather [hbm4b:s3+s1], $0x50, $0x38;
	[tilespmem:$0x1E800] =	vst v63  }
0x57: {  	s6 =	rddreg [dreg:$0x9];
	s28 =	simm.s32 $0x180  }
0x58: {  	[tilespmem:s28], [sflag:$0x4] =	stream.linear.gather [hbm4b:s6+s1], $0x50, $0x38;
	[tilespmem:$0x1E800] =	vst v63  }
0x59: {  	s16 =	rddreg [dreg:$0xa];
	s28 =	simm.s32 $0x580  }
0x5a: {  	[tilespmem:s28], [sflag:$0x4] =	stream.linear.gather [hbm4b:s16+s1], $0x50, $0x38;
	[tilespmem:$0x1E800] =	vst v63  }
0x5b: {  	s29 =	rddreg [dreg:$0xb];
	s28 =	simm.s32 $0x200  }
0x5c: {  	[tilespmem:s28], [sflag:$0x5] =	stream.linear.gather [hbm4b:s29+s1], $0x50, $0x38;
	[tilespmem:$0x1E800] =	vst v63  }
0x5d: {  	s30 =	rddreg [dreg:$0xc];
	s28 =	simm.s32 $0x600  }
0x5e: {  	[tilespmem:s28], [sflag:$0x5] =	stream.linear.gather [hbm4b:s30+s1], $0x50, $0x38;
	[tilespmem:$0x1E800] =	vst v63  }
0x5f: {  	s3 =	rddreg [dreg:$0xd];
	s6 =	simm.s32 $0x280  }
0x60: {  	[tilespmem:s6], [sflag:$0x6] =	stream.linear.gather [hbm4b:s3+s1], $0x50, $0x38;
	[tilespmem:$0x1E800] =	vst v63  }
0x61: {  	s16 =	rddreg [dreg:$0xe];
	s29 =	simm.s32 $0xD;
	s3 =	simm.s32 $0x680  }
0x62: {  	[tilespmem:s3], [sflag:$0x6] =	stream.linear.gather [hbm4b:s16+s1], $0x50, $0x38;
	[tilespmem:$0x1E800] =	vst v63  }
0x63: {  	_ =	swait.ge [sflag:s29], $0x2800  }
0x64: {  	[sflag:s29] =	ssyncset.done $0x0  }
0x65: {  	[sflag:s29] =	ssyncadd.s32 $0xFFFFD800  }
0x66: {  	s30 =	simm.s32 $0x1;
	[bflag:$0x0] =	sbarrier.arrive $0xFFFF  }
0x67: {  	_ =	swait.ge [sflag:s30], $0x50  }
0x68: {  	[sflag:s30] =	ssyncset.done $0x0  }
0x69: {  	[sflag:s30] =	ssyncadd.s32 $0xFFFFFFB0  }
0x6a: {  	_ =	swait.ge [sflag:s30], $0x50  }
0x6b: {  	[sflag:s30] =	ssyncset.done $0x0  }
0x6c: {  	[sflag:s30] =	ssyncadd.s32 $0xFFFFFFB0  }
0x6d: {  	[tilespmem:s2], [sflag:$0x9] =	stream.indirect.gather [hbm4b:s0+s8], $0x80, s1, s8, $0xb8;
	[tilespmem:$0x1E800] =	vst v63  }
0x6e: {  	_ =	swait.ge [sflag:s10], $0x50  }
0x6f: {  	[sflag:s10] =	ssyncset.done $0x0  }
0x70: {  	[sflag:s10] =	ssyncadd.s32 $0xFFFFFFB0  }
0x71: {  	_ =	swait.ge [sflag:s10], $0x50  }
0x72: {  	[sflag:s10] =	ssyncset.done $0x0  }
0x73: {  	[sflag:s10] =	ssyncadd.s32 $0xFFFFFFB0  }
0x74: {  	[tilespmem:s11], [sflag:$0xA] =	stream.indirect.gather [hbm4b:s0+s8], $0x80, s7, s8, $0xb8;
	[tilespmem:$0x1E800] =	vst v63  }
0x75: {  	s28 =	simm.s32 $0x0;
	s7 =	simm.s32 $0x280  }
.LBB2_2:
0x76: {  	_ =	swait.ge [sflag:s12], $0x2800  }
0x77: {  	s5 =	simm.s32 $0x400;
	p0 =	seq.s32 s28, $0x0;
	[sflag:s12] =	ssyncset.done $0x0  }
0x78: {  	s6 =	simm.s32 $0x800;
	s30 =	simm.s32 @!p0 $0xF;
	[sflag:s12] =	ssyncadd.s32 $0xFFFFD800  }
0x79: {  	[spmem:s31] =	stream.indirect.scatter.add.f32 [tilespmem:s6], [sflag:$0xD], $0x80, s5, s8, $0xb8;
	[tilespmem:$0x1E800] =	vst v63  }
0x7a: {  	_ =	swait.ge @!p0 [sflag:s30], $0x2800  }
0x7b: {  	[sflag:s30] =	ssyncset.done @!p0 $0x0  }
0x7c: {  	[sflag:s30] =	ssyncadd.s32 @!p0 $0xFFFFD800  }
0x7d: {  	_ =	swait.ge [sflag:s13], $0x50  }
0x7e: {  	[sflag:s13] =	ssyncset.done $0x0  }
0x7f: {  	[sflag:s13] =	ssyncadd.s32 $0xFFFFFFB0  }
0x80: {  	_ =	swait.ge [sflag:s13], $0x50  }
0x81: {  	[sflag:s13] =	ssyncset.done $0x0  }
0x82: {  	s2 =	simm.s32 $0x100;
	s16 =	rddreg [dreg:$0x1e];
	[sflag:s13] =	ssyncadd.s32 $0xFFFFFFB0  }
0x83: {  	[tilespmem:s18], [sflag:$0xB] =	stream.indirect.gather [hbm4b:s0+s8], $0x80, s2, s8, $0xb8;
	[tilespmem:$0x1E800] =	vst v63  }
0x84: {  	s29 =	sadd.s32 s28, s16;
	s16 =	simm.s32 $0x300;
	s2 =	rddreg [dreg:$0x1d]  }
0x85: {  	[tilespmem:s16], [sflag:$0x7] =	stream.linear.gather [hbm4b:s29+s1], $0x50, $0x38;
	[tilespmem:$0x1E800] =	vst v63  }
0x86: {  	s29 =	sadd.s32 s28, s2;
	s2 =	simm.s32 $0x700  }
0x87: {  	[tilespmem:s2], [sflag:$0x7] =	stream.linear.gather [hbm4b:s29+s1], $0x50, $0x38;
	[tilespmem:$0x1E800] =	vst v63  }
0x88: {  	_ =	swait.ge [sflag:s4], $0x2800  }
0x89: {  	[sflag:s4] =	ssyncset.done $0x0  }
0x8a: {  	s30 =	simm.s32 @!p0 $0x10;
	s29 =	simm.s32 $0x480;
	[sflag:s4] =	ssyncadd.s32 $0xFFFFD800  }
0x8b: {  	[spmem:s31] =	stream.indirect.scatter.add.f32 [tilespmem:s11], [sflag:$0xE], $0x80, s29, s8, $0xb8;
	[tilespmem:$0x1E800] =	vst v63  }
0x8c: {  	_ =	swait.ge @!p0 [sflag:s30], $0x2800  }
0x8d: {  	[sflag:s30] =	ssyncset.done @!p0 $0x0  }
0x8e: {  	[sflag:s30] =	ssyncadd.s32 @!p0 $0xFFFFD800  }
0x8f: {  	_ =	swait.ge [sflag:s14], $0x50  }
0x90: {  	[sflag:s14] =	ssyncset.done $0x0  }
0x91: {  	[sflag:s14] =	ssyncadd.s32 $0xFFFFFFB0  }
0x92: {  	_ =	swait.ge [sflag:s14], $0x50  }
0x93: {  	[sflag:s14] =	ssyncset.done $0x0  }
0x94: {  	s30 =	simm.s32 $0x180;
	s2 =	rddreg [dreg:$0x1c];
	[sflag:s14] =	ssyncadd.s32 $0xFFFFFFB0  }
0x95: {  	[tilespmem:s15], [sflag:$0xC] =	stream.indirect.gather [hbm4b:s0+s8], $0x80, s30, s8, $0xb8;
	[tilespmem:$0x1E800] =	vst v63  }
0x96: {  	s29 =	sadd.s32 s28, s2;
	s2 =	rddreg [dreg:$0x1b]  }
0x97: {  	[tilespmem:s17], [sflag:$0x8] =	stream.linear.gather [hbm4b:s29+s1], $0x50, $0x38;
	[tilespmem:$0x1E800] =	vst v63  }
0x98: {  	s29 =	sadd.s32 s28, s2;
	s2 =	simm.s32 $0xB  }
0x99: {  	[tilespmem:s9], [sflag:$0x8] =	stream.linear.gather [hbm4b:s29+s1], $0x50, $0x38;
	[tilespmem:$0x1E800] =	vst v63  }
0x9a: {  	_ =	swait.ge [sflag:s2], $0x2800  }
0x9b: {  	[sflag:s2] =	ssyncset.done $0x0  }
0x9c: {  	s29 =	simm.s32 $0xD;
	[sflag:s2] =	ssyncadd.s32 $0xFFFFD800;
	s2 =	simm.s32 $0x500  }
0x9d: {  	[spmem:s31] =	stream.indirect.scatter.add.f32 [tilespmem:s18], [sflag:$0xF], $0x80, s2, s8, $0xb8;
	[tilespmem:$0x1E800] =	vst v63  }
0x9e: {  	_ =	swait.ge [sflag:s29], $0x2800  }
0x9f: {  	[sflag:s29] =	ssyncset.done $0x0  }
0xa0: {  	[sflag:s29] =	ssyncadd.s32 $0xFFFFD800  }
0xa1: {  	_ =	swait.ge [sflag:s19], $0x50  }
0xa2: {  	[sflag:s19] =	ssyncset.done $0x0  }
0xa3: {  	[sflag:s19] =	ssyncadd.s32 $0xFFFFFFB0  }
0xa4: {  	_ =	swait.ge [sflag:s19], $0x50  }
0xa5: {  	p0 =	seq.s32 s28, $0x4B0;
	[sflag:s19] =	ssyncset.done $0x0  }
0xa6: {  	s30 =	simm.s32 $0x200;
	s5 =	rddreg [dreg:$0x1a];
	[sflag:s19] =	ssyncadd.s32 $0xFFFFFFB0  }
0xa7: {  	[tilespmem:s6], [sflag:$0x9] =	stream.indirect.gather [hbm4b:s0+s8], $0x80, s30, s8, $0xb8;
	[tilespmem:$0x1E800] =	vst v63  }
0xa8: {  	s29 =	sadd.s32 @!p0 s28, s5;
	s5 =	rddreg [dreg:$0x19];
	s30 =	simm.s32 @!p0 $0x0  }
0xa9: {  	[tilespmem:s30], [sflag:$0x1] =	stream.linear.gather @!p0 [hbm4b:s29+s30], $0x50, $0x38;
	[tilespmem:$0x1E800] =	vst v63  }
0xaa: {  	s29 =	sadd.s32 @!p0 s28, s5;
	s5 =	simm.s32 @!p0 $0x400  }
0xab: {  	[tilespmem:s5], [sflag:$0x1] =	stream.linear.gather @!p0 [hbm4b:s29+s30], $0x50, $0x38;
	[tilespmem:$0x1E800] =	vst v63  }
0xac: {  	_ =	swait.ge [sflag:s20], $0x2800  }
0xad: {  	[sflag:s20] =	ssyncset.done $0x0  }
0xae: {  	s2 =	simm.s32 $0x580;
	[sflag:s20] =	ssyncadd.s32 $0xFFFFD800  }
0xaf: {  	[spmem:s31] =	stream.indirect.scatter.add.f32 [tilespmem:s15], [sflag:$0x10], $0x80, s2, s8, $0xb8;
	[tilespmem:$0x1E800] =	vst v63  }
0xb0: {  	_ =	swait.ge [sflag:s21], $0x2800  }
0xb1: {  	[sflag:s21] =	ssyncset.done $0x0  }
0xb2: {  	[sflag:s21] =	ssyncadd.s32 $0xFFFFD800  }
0xb3: {  	_ =	swait.ge [sflag:s22], $0x50  }
0xb4: {  	[sflag:s22] =	ssyncset.done $0x0  }
0xb5: {  	[sflag:s22] =	ssyncadd.s32 $0xFFFFFFB0  }
0xb6: {  	_ =	swait.ge [sflag:s22], $0x50  }
0xb7: {  	[sflag:s22] =	ssyncset.done $0x0  }
0xb8: {  	s5 =	rddreg [dreg:$0x18];
	[sflag:s22] =	ssyncadd.s32 $0xFFFFFFB0  }
0xb9: {  	[tilespmem:s11], [sflag:$0xA] =	stream.indirect.gather [hbm4b:s0+s8], $0x80, s7, s8, $0xb8;
	[tilespmem:$0x1E800] =	vst v63  }
0xba: {  	s29 =	simm.s32 @!p0 $0x80;
	s5 =	sadd.s32 @!p0 s28, s5  }
0xbb: {  	[tilespmem:s29], [sflag:$0x2] =	stream.linear.gather @!p0 [hbm4b:s5+s30], $0x50, $0x38;
	[tilespmem:$0x1E800] =	vst v63  }
0xbc: {  	s5 =	rddreg [dreg:$0x17]  }
0xbd: {  	s29 =	simm.s32 @!p0 $0x480;
	s5 =	sadd.s32 @!p0 s28, s5  }
0xbe: {  	[tilespmem:s29], [sflag:$0x2] =	stream.linear.gather @!p0 [hbm4b:s5+s30], $0x50, $0x38;
	[tilespmem:$0x1E800] =	vst v63  }
0xbf: {  	_ =	swait.ge [sflag:s12], $0x2800  }
0xc0: {  	[sflag:s12] =	ssyncset.done $0x0  }
0xc1: {  	s29 =	simm.s32 $0x600;
	[sflag:s12] =	ssyncadd.s32 $0xFFFFD800  }
0xc2: {  	[spmem:s31] =	stream.indirect.scatter.add.f32 [tilespmem:s6], [sflag:$0xD], $0x80, s29, s8, $0xb8;
	[tilespmem:$0x1E800] =	vst v63  }
0xc3: {  	_ =	swait.ge [sflag:s23], $0x2800  }
0xc4: {  	[sflag:s23] =	ssyncset.done $0x0  }
0xc5: {  	[sflag:s23] =	ssyncadd.s32 $0xFFFFD800  }
0xc6: {  	_ =	swait.ge [sflag:s24], $0x50  }
0xc7: {  	[sflag:s24] =	ssyncset.done $0x0  }
0xc8: {  	[sflag:s24] =	ssyncadd.s32 $0xFFFFFFB0  }
0xc9: {  	_ =	swait.ge [sflag:s24], $0x50  }
0xca: {  	[sflag:s24] =	ssyncset.done $0x0  }
0xcb: {  	s5 =	rddreg [dreg:$0x16];
	[sflag:s24] =	ssyncadd.s32 $0xFFFFFFB0  }
0xcc: {  	[tilespmem:s18], [sflag:$0xB] =	stream.indirect.gather [hbm4b:s0+s8], $0x80, s16, s8, $0xb8;
	[tilespmem:$0x1E800] =	vst v63  }
0xcd: {  	s29 =	simm.s32 @!p0 $0x100;
	s5 =	sadd.s32 @!p0 s28, s5  }
0xce: {  	[tilespmem:s29], [sflag:$0x3] =	stream.linear.gather @!p0 [hbm4b:s5+s30], $0x50, $0x38;
	[tilespmem:$0x1E800] =	vst v63  }
0xcf: {  	s5 =	rddreg [dreg:$0x15]  }
0xd0: {  	s29 =	simm.s32 @!p0 $0x500;
	s5 =	sadd.s32 @!p0 s28, s5  }
0xd1: {  	[tilespmem:s29], [sflag:$0x3] =	stream.linear.gather @!p0 [hbm4b:s5+s30], $0x50, $0x38;
	[tilespmem:$0x1E800] =	vst v63  }
0xd2: {  	_ =	swait.ge [sflag:s4], $0x2800  }
0xd3: {  	[sflag:s4] =	ssyncset.done $0x0  }
0xd4: {  	[sflag:s4] =	ssyncadd.s32 $0xFFFFD800  }
0xd5: {  	[spmem:s31] =	stream.indirect.scatter.add.f32 [tilespmem:s11], [sflag:$0xE], $0x80, s3, s8, $0xb8;
	[tilespmem:$0x1E800] =	vst v63  }
0xd6: {  	_ =	swait.ge [sflag:s25], $0x2800  }
0xd7: {  	[sflag:s25] =	ssyncset.done $0x0  }
0xd8: {  	[sflag:s25] =	ssyncadd.s32 $0xFFFFD800  }
0xd9: {  	_ =	swait.ge [sflag:s26], $0x50  }
0xda: {  	[sflag:s26] =	ssyncset.done $0x0  }
0xdb: {  	[sflag:s26] =	ssyncadd.s32 $0xFFFFFFB0  }
0xdc: {  	_ =	swait.ge [sflag:s26], $0x50  }
0xdd: {  	[sflag:s26] =	ssyncset.done $0x0  }
0xde: {  	s5 =	simm.s32 @p0 $0xB;
	[sflag:s26] =	ssyncadd.s32 $0xFFFFFFB0  }
0xdf: {  	[tilespmem:s15], [sflag:$0xC] =	stream.indirect.gather [hbm4b:s0+s8], $0x80, s17, s8, $0xb8;
	[tilespmem:$0x1E800] =	vst v63  }
0xe0: {  	_ =	swait.ge @p0 [sflag:s5], $0x2800  }
0xe1: {  	s7 =	simm.s32 @p0 $0x5800;
	[sflag:s5] =	ssyncset.done @p0 $0x0  }
0xe2: {  	s29 =	simm.s32 @p0 $0x700;
	[sflag:s5] =	ssyncadd.s32 @p0 $0xFFFFD800;
	s5 =	simm.s32 @p0 $0x50  }
0xe3: {  	[spmem:s31] =	stream.indirect.scatter.add.f32 @p0 [tilespmem:s7], [sflag:$0xF], $0x80, s29, s5, $0xb8;
	[tilespmem:$0x1E800] =	vst v63  }
0xe4: {  	s5 =	simm.s32 @p0 $0xD  }
0xe5: {  	_ =	swait.ge @p0 [sflag:s5], $0x2800  }
0xe6: {  	[sflag:s5] =	ssyncset.done @p0 $0x0  }
0xe7: {  	[sflag:s5] =	ssyncadd.s32 @p0 $0xFFFFD800;
	s5 =	rddreg [dreg:$0x14]  }
0xe8: {  	s7 =	simm.s32 @!p0 $0x180;
	s5 =	sadd.s32 @!p0 s28, s5  }
0xe9: {  	[tilespmem:s7], [sflag:$0x4] =	stream.linear.gather @!p0 [hbm4b:s5+s30], $0x50, $0x38;
	[tilespmem:$0x1E800] =	vst v63  }
0xea: {  	s5 =	rddreg [dreg:$0x13]  }
0xeb: {  	s7 =	simm.s32 @!p0 $0x580;
	s5 =	sadd.s32 @!p0 s28, s5  }
0xec: {  	[tilespmem:s7], [sflag:$0x4] =	stream.linear.gather @!p0 [hbm4b:s5+s30], $0x50, $0x38;
	[tilespmem:$0x1E800] =	vst v63  }
0xed: {  	s5 =	simm.s32 @!p0 $0xB  }
0xee: {  	_ =	swait.ge @!p0 [sflag:s5], $0x2800  }
0xef: {  	s29 =	simm.s32 @!p0 $0x5800;
	[sflag:s5] =	ssyncset.done @!p0 $0x0  }
0xf0: {  	s7 =	simm.s32 @!p0 $0x700;
	[sflag:s5] =	ssyncadd.s32 @!p0 $0xFFFFD800;
	s5 =	simm.s32 @!p0 $0x50  }
0xf1: {  	[spmem:s31] =	stream.indirect.scatter.add.f32 @!p0 [tilespmem:s29], [sflag:$0xF], $0x80, s7, s5, $0xb8;
	[tilespmem:$0x1E800] =	vst v63  }
0xf2: {  	s7 =	simm.s32 @!p0 $0xD  }
0xf3: {  	_ =	swait.ge @!p0 [sflag:s7], $0x2800  }
0xf4: {  	[sflag:s7] =	ssyncset.done @!p0 $0x0  }
0xf5: {  	[sflag:s7] =	ssyncadd.s32 @!p0 $0xFFFFD800;
	s7 =	simm.s32 @!p0 $0x1  }
0xf6: {  	_ =	swait.ge @!p0 [sflag:s7], $0x50  }
0xf7: {  	[sflag:s7] =	ssyncset.done @!p0 $0x0  }
0xf8: {  	[sflag:s7] =	ssyncadd.s32 @!p0 $0xFFFFFFB0  }
0xf9: {  	_ =	swait.ge @!p0 [sflag:s7], $0x50  }
0xfa: {  	[sflag:s7] =	ssyncset.done @!p0 $0x0  }
0xfb: {  	[sflag:s7] =	ssyncadd.s32 @!p0 $0xFFFFFFB0;
	s7 =	simm.s32 @!p0 $0x800  }
0xfc: {  	[tilespmem:s7], [sflag:$0x9] =	stream.indirect.gather @!p0 [hbm4b:s0+s5], $0x80, s30, s5, $0xb8;
	[tilespmem:$0x1E800] =	vst v63  }
0xfd: {  	s5 =	rddreg [dreg:$0x12]  }
0xfe: {  	s7 =	simm.s32 @!p0 $0x200;
	s5 =	sadd.s32 @!p0 s28, s5  }
0xff: {  	[tilespmem:s7], [sflag:$0x5] =	stream.linear.gather @!p0 [hbm4b:s5+s30], $0x50, $0x38;
	[tilespmem:$0x1E800] =	vst v63  }
0x100: {  	s5 =	rddreg [dreg:$0x11]  }
0x101: {  	s7 =	simm.s32 @!p0 $0x600;
	s5 =	sadd.s32 @!p0 s28, s5  }
0x102: {  	[tilespmem:s7], [sflag:$0x5] =	stream.linear.gather @!p0 [hbm4b:s5+s30], $0x50, $0x38;
	[tilespmem:$0x1E800] =	vst v63  }
0x103: {  	_ =	swait.ge [sflag:s20], $0x2800  }
0x104: {  	[sflag:s20] =	ssyncset.done $0x0  }
.Ltmp2:
0x105: {  	[sflag:s20] =	ssyncadd.s32 $0xFFFFD800;
	(pc) =	sbr.rel @p0 .LBB2_4-.Ltmp2, $4  }
0x106: {  	[spmem:s31] =	stream.indirect.scatter.add.f32 [tilespmem:s15], [sflag:$0x10], $0x80, s9, s8, $0xb8;
	[tilespmem:$0x1E800] =	vst v63  }
0x107: {  	_ =	swait.ge [sflag:s21], $0x2800  }
0x108: {  	s2 =	simm.s32 $0x800;
	[sflag:s21] =	ssyncset.done $0x0  }
0x109: {  	s16 =	simm.s32 $0x680;
	s3 =	simm.s32 $0x280;
	[sflag:s21] =	ssyncadd.s32 $0xFFFFD800  }
0x10a: {  	_ =	swait.ge [sflag:s10], $0x50  }
0x10b: {  	[sflag:s10] =	ssyncset.done $0x0  }
0x10c: {  	[sflag:s10] =	ssyncadd.s32 $0xFFFFFFB0  }
0x10d: {  	_ =	swait.ge [sflag:s10], $0x50  }
0x10e: {  	[sflag:s10] =	ssyncset.done $0x0  }
0x10f: {  	s5 =	simm.s32 $0x80;
	[sflag:s10] =	ssyncadd.s32 $0xFFFFFFB0  }
0x110: {  	[tilespmem:s11], [sflag:$0xA] =	stream.indirect.gather [hbm4b:s0+s8], $0x80, s5, s8, $0xb8;
	[tilespmem:$0x1E800] =	vst v63  }
.Ltmp3:
0x111: {  	s29 =	rddreg [dreg:$0x10];
	(pc) =	sbr.rel .LBB2_2-.Ltmp3, $4  }
0x112: {  	s7 =	simm.s32 $0x280;
	s30 =	rddreg [dreg:$0xf];
	s5 =	sadd.s32 s28, s29  }
0x113: {  	[tilespmem:s3], [sflag:$0x6] =	stream.linear.gather [hbm4b:s5+s1], $0x50, $0x38;
	[tilespmem:$0x1E800] =	vst v63  }
0x114: {  	s5 =	sadd.s32 s28, s30;
	s28 =	sadd.s32 $0x50, s28;
	s3 =	simm.s32 $0x680  }
0x115: {  	[tilespmem:s16], [sflag:$0x6] =	stream.linear.gather [hbm4b:s5+s1], $0x50, $0x38;
	[tilespmem:$0x1E800] =	vst v63  }
.LBB2_5:
0x116: {  	_ =	sfence.sel $0x180000  }
0x117: {  	[bflag:$0x0] =	sbarrier.arrive $0xFFFF  }
0x118: {  	_ =	strace $0x9000004D  }
0x119: {  	s0 =	stileid.u32;
	[bflag:$0x2] =	sbarrier.arrive $0xFFFF  }
0x11a: {  	p0 =	sne.s32 s0, $0x0;
	s0 =	rddreg [dreg:$0x2]  }
0x11b: {  	s0 =	sadd.s32 @!p0 $0x100000, s0  }
0x11c: {  	[sflag:s0] =	ssyncadd.tile.s32 @!p0 $0x1;
	_ =	shalt  }
.Lfunc_end2:
_tile_overlayer_lowered:
.L_overlay_start_2:
0x11d: {  	(tag) =	ssettag $0x2  }
0x11e: {  	s0 =	rddreg [dreg:$0x0];
	s2 =	stileid.u32  }
0x11f: {  	s1 =	rddreg [dreg:$0x1];
	p0 =	sne.s32 s2, $0x0  }
0x120: {  	s3 =	rddreg [dreg:$0x2];
	[bflag:$0x3] =	sbarrier.arrive $0xFFFF;
	s2 =	simm.s32 @!p0 $0x1C11  }
0x121: {  	[timem:s3], [sflag:s2] =	dma.local @!p0 [hbm:s0], s1  }
0x122: {  	s0 =	simm.s32 @!p0 $0x11  }
0x123: {  	_ =	swait.ge @!p0 [sflag:s0], s1  }
0x124: {  	s1 =	ssub.s32 @!p0 $0x0, s1;
	[sflag:s0] =	ssyncset.done @!p0 $0x0  }
0x125: {  	[sflag:s0] =	ssyncadd.s32 @!p0 s1  }
0x126: {  	[bflag:$0x3] =	sbarrier.arrive $0xFFFF  }
0x127: {  	_ =	shalt  }

// kernel: kernel.13.cloned.1.call-start
scs
__scs_entry_jumppad:
0x0: {  	(pc) =	sbr.rel $0x88, $3  }
0x1: {  	(tag) =	ssettag $0x0;
	lr =	simm.s32 $0x1  }
0x2: {  	[smem:$0x3F96] =	sst lr;
	_ =	strace $0xD0000000  }
0x3: {  	_ = 	snop  }
0x4: {  	_ = 	snop  }
0x5: {  	_ = 	snop  }
0x6: {  	_ = 	snop  }
0x7: {  	_ = 	snop  }
__scs_overlays_trampoline_lowered:
0x8: {  	[smem:$0x3FA5] =	sst s0  }
0x9: {  	[smem:$0x3FA6] =	sst s1  }
0xa: {  	[smem:$0x3FA7] =	sst s2  }
0xb: {  	[smem:$0x3FA8] =	sst s3  }
0xc: {  	[smem:$0x3FA9] =	sst s4  }
0xd: {  	[smem:$0x3FAA] =	sst s5  }
0xe: {  	[smem:$0x3FAB] =	sst s6  }
0xf: {  	[smem:$0x3FAC] =	sst s7  }
0x10: {  	[smem:$0x3FAD] =	sst s8  }
0x11: {  	[smem:$0x3FAE] =	sst s9;
	s0 =	simm.s32 @!p0 $0x0  }
0x12: {  	s1 =	sld [smem:$0x3F94];
	s0 =	simm.s32 @p0 $0x1  }
0x13: {  	[smem:$0x3FAF] =	sst s0;
	s0 =	simm.s32 @!p1 $0x0  }
0x14: {  	s2 =	sld [smem:$0x3F93];
	s0 =	simm.s32 @p1 $0x1  }
0x15: {  	[smem:$0x3FB0] =	sst s0;
	s0 =	simm.s32 @!p2 $0x0  }
0x16: {  	s3 =	sld [smem:$0x3FDB];
	s0 =	simm.s32 @p2 $0x1  }
0x17: {  	s4 =	simm.s32 $0x1BF5;
	[smem:$0x3FB2] =	sst s0  }
0x18: {  	s0 =	sld [smem:$0x3F95];
	_ =	swait.ge [sflag:s4], $0x0  }
0x19: {  	s7 =	sld [smem:$0x3F96]  }
0x1a: {  	s8 =	sadd.s32 $0xFFFFE003, lr  }
0x1b: {  	s9 =	sadd.s32 $0xFFFFFEF7, lr;
	s5 =	simm.s32 $0xFFFFFFFF;
	p2 =	slt.u32 s8, $0xFFFFF086  }
0x1c: {  	p1 =	slt.u32 s9, $0xF7A;
	s5 =	simm.s32 @!p2 $0x0  }
0x1d: {  	s5 =	simm.s32 @p1 $0x1;
	p0 =	seq.s32 s7, s2  }
0x1e: {  	s7 =	smul.u32 @!p0 $0xF7A, s2;
	p2 =	seq.s32 @!p0 s5, $0x0  }
0x1f: {  	s9 =	smul.u32 $0xF7A, s1;
	s8 =	simm.s32 @!p0 $0x1BF5;
	p2 =	por !p2, p0  }
0x20: {  	[sflag:s8] =	ssyncset.s32 @!p0 $0xFFFFF086;
	s6 =	sadd.s32 @!p0 s3, s7;
	s7 =	simm.s32 @!p0 $0x108  }
0x21: {  	s3 =	sadd.s32 s3, s9;
	s6 =	sadd.s32 @!p0 $0x88, s6;
	s7 =	simm.s32 @p2 $0x1082  }
0x22: {  	[simem:s7], [sflag:s8] =	dma.local @!p0 [hbm:s6], $0xF7A  }
0x23: {  	s9 =	sor.u32 $0xD0000000, s2;
	s6 =	simm.s32 $0x108;
	_ =	swait.ge @!p0 [sflag:s8], $0x0  }
0x24: {  	s3 =	sadd.s32 $0x88, s3;
	s6 =	simm.s32 @!p1 $0x1082;
	[sflag:s4] =	ssyncset.s32 $0xFFFFF086  }
0x25: {  	[simem:s6], [sflag:s4] =	dma.local [hbm:s3], $0xF7A  }
0x26: {  	[smem:$0x3F96] =	sst s1;
	(tag) =	ssettag s2;
	_ =	strace s9  }
0x27: {  	s1 =	sld [smem:$0x3FA6]  }
0x28: {  	s2 =	sld [smem:$0x3FA7]  }
0x29: {  	s4 =	sld [smem:$0x3FA9]  }
0x2a: {  	p0 =	seq.s32 s5, $0x0;
	s5 =	sld [smem:$0x3FAA]  }
0x2b: {  	s6 =	sld [smem:$0x3FAB]  }
0x2c: {  	s7 =	sld [smem:$0x3FAC]  }
0x2d: {  	s3 =	simm.s32 $0x108;
	s8 =	sld [smem:$0x3FAD]  }
0x2e: {  	s3 =	simm.s32 @!p0 $0x1082;
	s9 =	sld [smem:$0x3FAE]  }
0x2f: {  	lr =	sadd.s32 s0, s3;
	s0 =	sld [smem:$0x3FA5]  }
0x30: {  	s3 =	sld [smem:$0x3FA8]  }
0x31: {  	[smem:$0x3FB1] =	sst s10  }
0x32: {  	s10 =	sld [smem:$0x3FAF];
	_ =	sdelay $0x3  }
0x33: {  	p0 =	seq.s32 s10, $0x1;
	s10 =	sld [smem:$0x3FB1];
	_ =	sdelay $0x3  }
0x34: {  	[smem:$0x3FB1] =	sst s10  }
0x35: {  	s10 =	sld [smem:$0x3FB0];
	_ =	sdelay $0x3  }
0x36: {  	p1 =	seq.s32 s10, $0x1;
	s10 =	sld [smem:$0x3FB1];
	_ =	sdelay $0x3  }
0x37: {  	[smem:$0x3FB1] =	sst s10  }
0x38: {  	s10 =	sld [smem:$0x3FB2]  }
0x39: {  	_ = 	snop;
	(pc) =	sbr.ind lr, $3  }
0x3a: {  	_ = 	snop  }
0x3b: {  	_ = 	snop  }
0x3c: {  	p2 =	seq.s32 s10, $0x1;
	s10 =	sld [smem:$0x3FB1]  }
0x3d: {  	_ =	shalt  }
0x3e: {  	_ =	shalt  }
0x3f: {  	_ =	shalt  }
0x40: {  	_ =	shalt  }
0x41: {  	_ =	shalt  }
0x42: {  	_ =	shalt  }
0x43: {  	_ =	shalt  }
0x44: {  	_ =	shalt  }
0x45: {  	_ =	shalt  }
0x46: {  	_ =	shalt  }
0x47: {  	_ =	shalt  }
0x48: {  	_ =	shalt  }
0x49: {  	_ =	shalt  }
0x4a: {  	_ =	shalt  }
0x4b: {  	_ =	shalt  }
0x4c: {  	_ =	shalt  }
0x4d: {  	_ =	shalt  }
0x4e: {  	_ =	shalt  }
0x4f: {  	_ =	shalt  }
0x50: {  	_ =	shalt  }
0x51: {  	_ =	shalt  }
0x52: {  	_ =	shalt  }
0x53: {  	_ =	shalt  }
0x54: {  	_ =	shalt  }
0x55: {  	_ =	shalt  }
0x56: {  	_ =	shalt  }
0x57: {  	_ =	shalt  }
0x58: {  	_ =	shalt  }
0x59: {  	_ =	shalt  }
0x5a: {  	_ =	shalt  }
0x5b: {  	_ =	shalt  }
0x5c: {  	_ =	shalt  }
0x5d: {  	_ =	shalt  }
0x5e: {  	_ =	shalt  }
0x5f: {  	_ =	shalt  }
0x60: {  	_ =	shalt  }
0x61: {  	_ =	shalt  }
0x62: {  	_ =	shalt  }
0x63: {  	_ =	shalt  }
0x64: {  	_ =	shalt  }
0x65: {  	_ =	shalt  }
0x66: {  	_ =	shalt  }
0x67: {  	_ =	shalt  }
0x68: {  	_ =	shalt  }
0x69: {  	_ =	shalt  }
0x6a: {  	_ =	shalt  }
0x6b: {  	_ =	shalt  }
0x6c: {  	_ =	shalt  }
0x6d: {  	_ =	shalt  }
0x6e: {  	_ =	shalt  }
0x6f: {  	_ =	shalt  }
0x70: {  	_ =	shalt  }
0x71: {  	_ =	shalt  }
0x72: {  	_ =	shalt  }
0x73: {  	_ =	shalt  }
0x74: {  	_ =	shalt  }
0x75: {  	_ =	shalt  }
0x76: {  	_ =	shalt  }
0x77: {  	_ =	shalt  }
0x78: {  	_ =	shalt  }
0x79: {  	_ =	shalt  }
0x7a: {  	_ =	shalt  }
0x7b: {  	_ =	shalt  }
0x7c: {  	_ =	shalt  }
0x7d: {  	_ =	shalt  }
0x7e: {  	_ =	shalt  }
0x7f: {  	_ =	shalt  }
0x80: {  	_ =	shalt  }
0x81: {  	_ =	shalt  }
0x82: {  	_ =	shalt  }
0x83: {  	_ =	shalt  }
0x84: {  	_ =	shalt  }
0x85: {  	_ =	shalt  }
0x86: {  	_ =	shalt  }
0x87: {  	_ =	shalt  }
.Lfunc_end0:
.L_simem_size_0:
called_computation.2_lowered:
.L_overlay_start_0:
0x88: {  	s2 =	sld [smem:$0x3FD9]  }
0x89: {  	s3 =	sld [smem:$0x3FFE];
	_ =	sdelay $0x1  }
0x8a: {  	s1 =	srdreg.scid  }
0x8b: {  	s0 =	sand.u32 $0x1, s1  }
0x8c: {  	s16 =	sshll.u32 s0, $0xA;
	s2 =	sadd.s32 s3, s2  }
0x8d: {  	s2 =	sadd.s32 s2, s16  }
0x8e: {  	[smem:$0x3FBD] =	sst s2  }
0x8f: {  	_ = 	snop  }
0x90: {  	(tm) =	ssettm $0x1  }
0x91: {  	s17 =	sld [smem:$0x3FFB];
	_ =	sdelay $0x3  }
0x92: {  	_ =	strace s17  }
0x93: {  	s2 =	sld [smem:$0x3FFC];
	_ =	sdelay $0x3  }
0x94: {  	_ =	strace s2  }
0x95: {  	s2 =	sld [smem:$0x3FFD];
	_ =	sdelay $0x3  }
0x96: {  	_ =	strace s2  }
0x97: {  	_ =	strace $0x8FFFFFFF  }
0x98: {  	s18 =	sld [smem:$0x3FDB];
	_ =	sdelay $0x1  }
0x99: {  	s19 =	simm.s32 $_scs_section_size  }
0x9a: {  	s4 =	simm.s32 $_size__tile_overlayer_lowered;
	s5 =	simm.s32 $_tile_overlayer_lowered  }
0x9b: {  	s22 =	simm.s32 $0x1BFF;
	s21 =	sshll.u32 s5, $0x1;
	s2 =	sadd.s32 s19, s18  }
0x9c: {  	s6 =	simm.s32 $0x0;
	s20 =	sshll.u32 s4, $0x1;
	s4 =	sadd.s32 s21, s2  }
0x9d: {  	[timem:s6], [sflag:s22] =	dma.local [hbm:s4], s20  }
0x9e: {  	_ =	swait.ge [sflag:s22], s20  }
0x9f: {  	s3 =	ssub.s32 $0x0, s20;
	[sflag:s22] =	ssyncset.done $0x0  }
0xa0: {  	[sflag:s22] =	ssyncadd.s32 s3;
	_ =	sdelay $0x1  }
0xa1: {  	s23 =	simm.s32 $0x1B8B  }
0xa2: {  	_ =	swait.ge [sflag:s23], $0x1  }
0xa3: {  	[sflag:s23] =	ssyncset.done $0x0  }
0xa4: {  	s25 =	simm.s32 $0x1B8E;
	s24 =	sld [smem:$0x3FFE];
	[sflag:s23] =	ssyncadd.s32 $0xFFFFFFFF  }
0xa5: {  	s26 =	simm.s32 $execute0_lowered;
	[smem:$0x3FD2] =	sst s25  }
0xa6: {  	s4 =	sshll.u32 s26, $0x1;
	_ =	strace $0x80000049;
	[dreg:$0x1] =	wrdreg $0xFFFFFFFF  }
0xa7: {  	s28 =	simm.s32 $_size_execute0_lowered;
	s2 =	sadd.s32 s2, s4;
	[dreg:$0x0] =	wrdreg $0x0  }
0xa8: {  	s4 =	sshll.u32 s28, $0x1;
	[dreg:$0x2] =	wrdreg s2  }
0xa9: {  	[dreg:$0x3] =	wrdreg s4  }
0xaa: {  	[dreg:$0x4] =	wrdreg $0xC0  }
0xab: {  	_ =	task [dreg:s6], $0x5FFFF  }
0xac: {  	[dreg:$0x1] =	wrdreg $0xFFFFFFFF  }
0xad: {  	[dreg:$0x0] =	wrdreg $0x60  }
0xae: {  	[dreg:$0x2] =	wrdreg s24  }
0xaf: {  	[dreg:$0x3] =	wrdreg $0xF0000  }
0xb0: {  	[dreg:$0x4] =	wrdreg $0xA  }
0xb1: {  	_ =	task.clear_ibuf [dreg:s6], $0x5FFFF;
	_ =	strace $0x90000049  }
0xb2: {  	s29 =	simm.s32 $0xA;
	_ =	strace $0x8000004B  }
0xb3: {  	_ =	swait.ge [sflag:s29], $0x1  }
0xb4: {  	[sflag:s29] =	ssyncadd.s32 $0xFFFFFFFF  }
0xb5: {  	_ =	strace $0x9000004B  }
0xb6: {  	_ =	sfence  }
0xb7: {  	s30 =	sld [smem:$0x0];
	_ =	sdelay $0x2  }
0xb8: {  	s31 =	sshll.u32 s1, $0xD;
	s1 =	sshrl.u32 s1, $0x2  }
0xb9: {  	s3 =	sand.u32 $0x4000, s31;
	s1 =	sadd.s32 s1, s30  }
0xba: {  	s0 =	sor.u32 s3, s0;
	s1 =	sshll.u32 s1, $0x11  }
0xbb: {  	s0 =	sor.u32 s1, s0  }
0xbc: {  	s0 =	sadd.s32 $0x8F2B, s0  }
0xbd: {  	[sflag:s0] =	ssyncadd.remote.s32 $0x1  }
0xbe: {  	_ =	sfence.sel $0xFFFF  }
0xbf: {  	[dreg:$0x0] =	wrdreg $0xFFFFFFFF;
	(pc) =	sbr.abs _section_cstart, $3  }
0xc0: {  	[dreg:$0x1] =	wrdreg $0xFFFFFFFF  }
0xc1: {  	_ =	task.clear_ibuf [dreg:s6], $0x2FFFF;
	_ =	strace $0x9FFFFFFF  }
0xc2: {  	(tm) =	ssettm $0x7FFFFFFF  }
0xc3: {  	_ =	shalt  }
tec
execute0_lowered:
.L_overlay_start_1:
0x0: {  	(tag) =	ssettag $0x1  }
0x1: {  	s0 =	srdreg.scid;
	s8 =	rddreg [dreg:$0x0]  }
0x2: {  	s2 =	rddreg [dreg:$0x1];
	s3 =	simm.s32 $0x0;
	s14 =	simm.s32 $0xC800  }
0x3: {  	s15 =	simm.s32 $0x2800;
	s16 =	simm.s32 $0x1;
	s17 =	simm.s32 $0x80  }
0x4: {  	s19 =	simm.s32 $0x20;
	s20 =	simm.s32 $0x10;
	s21 =	simm.s32 $0x2  }
0x5: {  	s22 =	simm.s32 $0x0;
	s7 =	sand.u32 $0x1, s0;
	s0 =	stileid.u32  }
0x6: {  	[smem:$0x7FF] =	sst s3;
	s1 =	sshll.u32 s7, $0x4;
	s5 =	smul.u32 $0x14000, s0  }
0x7: {  	s6 =	sshll.u32 s7, $0x7;
	s11 =	smul.u32 $0x28000, s0;
	s7 =	ssub.s32 $0x2, s7  }
0x8: {  	s18 =	sshll.u32 s0, $0x6;
	s4 =	sor.u32 s0, s1;
	s1 =	rddreg [dreg:$0x2]  }
0x9: {  	_ =	strace $0x8000004A;
	s31 =	sshrl.u32 s7, $0x1;
	s4 =	smul.u32 $0x500, s4  }
0xa: {  	s6 =	sor.u32 s6, s5;
	s5 =	sadd.s32 $0x17200, s8;
	s11 =	sshrl.u32 s11, $0x2  }
0xb: {  	s12 =	ssub.s32 s7, s31;
	s7 =	sor.u32 $0x1C01, s18;
	s18 =	sor.u32 $0x1C02, s18  }
0xc: {  	s10 =	sshrl.u32 s6, $0x3;
	s6 =	sadd.s32 $0x67800, s8;
	s13 =	sadd.s32 s11, s2  }
0xd: {  	s11 =	smax.u32 s12, $0x1;
	s9 =	sadd.s32 s4, s8;
	s4 =	sadd.s32 $0x16600, s8  }
0xe: {  	s10 =	sadd.s32 s10, s8;
	s12 =	sshrl.u32 s13, $0x3;
	s13 =	simm.s32 $0xA000  }
0xf: {  	v0 =	vimm.f32 $0.0e+00;
	v1 =	vimm.s32 $0x0;
	s8 =	sadd.s32 $0xC600, s9;
	s9 =	sadd.s32 $0x2600, s9;
	s10 =	sadd.s32 $0x68C00, s10  }
.LBB2_1:
0x10: {  	[spmem:s12], [sflag:s7] =	dma.local [hbm:s6], $0x1400  }
0x11: {  	[tilespmem:s13], [sflag:$0x1] =	stream.linear.gather [hbm4b:s4+s3], $0x2800, $0x38;
	[tilespmem:$0x19000] =	vst v63  }
0x12: {  	_ = 	snop  }
0x13: {  	[tilespmem:s14], [sflag:$0x1] =	stream.linear.gather [hbm4b:s5+s3], $0x2800, $0x38;
	[tilespmem:$0x19000] =	vst v63  }
0x14: {  	_ = 	snop  }
0x15: {  	[tilespmem:s3], [sflag:$0x1] =	stream.linear.gather [hbm4b:s8+s3], $0x2800, $0x38;
	[tilespmem:$0x19000] =	vst v63  }
0x16: {  	_ = 	snop  }
0x17: {  	[tilespmem:s15], [sflag:$0x1] =	stream.linear.gather [hbm4b:s9+s3], $0x2800, $0x38;
	[tilespmem:$0x19000] =	vst v63  }
0x18: {  	_ =	swait.ge [sflag:s16], $0x1400  }
0x19: {  	[sflag:s16] =	ssyncset.done $0x0  }
0x1a: {  	[sflag:s16] =	ssyncadd.s32 $0xFFFFEC00  }
0x1b: {  	_ =	swait.ge [sflag:s16], $0x2800  }
0x1c: {  	[sflag:s16] =	ssyncset.done $0x0  }
0x1d: {  	[sflag:s16] =	ssyncadd.s32 $0xFFFFD800  }
0x1e: {  	_ =	swait.ge [sflag:s16], $0x2800  }
0x1f: {  	[sflag:s16] =	ssyncset.done $0x0  }
0x20: {  	[sflag:s16] =	ssyncadd.s32 $0xFFFFD800  }
0x21: {  	_ =	swait.ge [sflag:s16], $0x2800  }
0x22: {  	[sflag:s16] =	ssyncset.done $0x0  }
0x23: {  	[sflag:s16] =	ssyncadd.s32 $0xFFFFD800  }
0x24: {  	_ =	swait.ge [sflag:s16], $0x2800  }
0x25: {  	[sflag:s16] =	ssyncset.done $0x0  }
0x26: {  	[sflag:s16] =	ssyncadd.s32 $0xFFFFD800  }
0x27: {  	[tilespmem:$0xC710] =	vst v0  }
0x28: {  	[tilespmem:$0xEF10] =	vst v1  }
0x29: {  	[tilespmem:$0xC720] =	vst v0  }
0x2a: {  	[tilespmem:$0xEF20] =	vst v1  }
0x2b: {  	[tilespmem:$0xC730] =	vst v0  }
0x2c: {  	[tilespmem:$0xEF30] =	vst v1  }
0x2d: {  	[tilespmem:$0xC740] =	vst v0  }
0x2e: {  	[tilespmem:$0xEF40] =	vst v1  }
0x2f: {  	[tilespmem:$0xC750] =	vst v0  }
0x30: {  	[tilespmem:$0xEF50] =	vst v1  }
0x31: {  	[tilespmem:$0xC760] =	vst v0  }
0x32: {  	[tilespmem:$0xEF60] =	vst v1  }
0x33: {  	[tilespmem:$0xC770] =	vst v0  }
0x34: {  	[tilespmem:$0xEF70] =	vst v1  }
0x35: {  	[tilespmem:$0xC780] =	vst v0  }
0x36: {  	[tilespmem:$0xEF80] =	vst v1  }
0x37: {  	[tilespmem:$0xC790] =	vst v0  }
0x38: {  	[tilespmem:$0xEF90] =	vst v1  }
0x39: {  	[tilespmem:$0xC7A0] =	vst v0  }
0x3a: {  	[tilespmem:$0xEFA0] =	vst v1  }
0x3b: {  	[tilespmem:$0xC7B0] =	vst v0  }
0x3c: {  	[tilespmem:$0xEFB0] =	vst v1  }
0x3d: {  	[tilespmem:$0xC7C0] =	vst v0  }
0x3e: {  	[tilespmem:$0xEFC0] =	vst v1  }
0x3f: {  	[tilespmem:$0xC7D0] =	vst v0  }
0x40: {  	[tilespmem:$0xEFD0] =	vst v1  }
0x41: {  	[tilespmem:$0xC7E0] =	vst v0  }
0x42: {  	[tilespmem:$0xEFE0] =	vst v1  }
0x43: {  	[tilespmem:$0xC7F0] =	vst v0  }
0x44: {  	[tilespmem:$0xEFF0] =	vst v1  }
0x45: {  	s25 =	simm.s32 $0x0;
	[bflag:$0x0] =	sbarrier.arrive $0xFFFF  }
0x46: {  	v2 =	vld [tilespmem:s25+$0x2800];
	_ =	sdelay $0x7  }
0x47: {  	v3 =	vld.idx.msk [tilespmem:v2+s13+$0x0], $0xffff;
	_ =	sdelay $0x4  }
0x48: {  	[tilespmem:s25+$0x5000] =	vst v3  }
0x49: {  	v2 =	vld.idx.msk [tilespmem:v2+s14+$0x0], $0xffff  }
0x4a: {  	v3 =	vld [tilespmem:s25+$0x2810]  }
0x4b: {  	v4 =	vld [tilespmem:s25+$0x0];
	_ =	sdelay $0x2  }
0x4c: {  	v2 =	vmul.u32 $0x2800, v2;
	_ =	sdelay $0x1  }
0x4d: {  	v2 =	vadd.s32 v4, v2  }
0x4e: {  	[tilespmem:s25+$0x7800] =	vst v2  }
0x4f: {  	v2 =	vld.idx.msk [tilespmem:v3+s13+$0x0], $0xffff;
	_ =	sdelay $0x4  }
0x50: {  	[tilespmem:s25+$0x5010] =	vst v2  }
0x51: {  	v2 =	vld.idx.msk [tilespmem:v3+s14+$0x0], $0xffff  }
0x52: {  	v3 =	vld [tilespmem:s25+$0x2820]  }
0x53: {  	v58 =	vld [tilespmem:s25+$0x10];
	_ =	sdelay $0x2  }
0x54: {  	v2 =	vmul.u32 $0x2800, v2;
	_ =	sdelay $0x1  }
0x55: {  	v2 =	vadd.s32 v58, v2  }
0x56: {  	[tilespmem:s25+$0x7810] =	vst v2  }
0x57: {  	v2 =	vld.idx.msk [tilespmem:v3+s13+$0x0], $0xffff;
	_ =	sdelay $0x4  }
0x58: {  	[tilespmem:s25+$0x5020] =	vst v2  }
0x59: {  	v2 =	vld.idx.msk [tilespmem:v3+s14+$0x0], $0xffff  }
0x5a: {  	v3 =	vld [tilespmem:s25+$0x2830]  }
0x5b: {  	v59 =	vld [tilespmem:s25+$0x20];
	_ =	sdelay $0x2  }
0x5c: {  	v2 =	vmul.u32 $0x2800, v2;
	_ =	sdelay $0x1  }
0x5d: {  	v2 =	vadd.s32 v59, v2  }
0x5e: {  	[tilespmem:s25+$0x7820] =	vst v2  }
0x5f: {  	v2 =	vld.idx.msk [tilespmem:v3+s13+$0x0], $0xffff;
	_ =	sdelay $0x4  }
0x60: {  	[tilespmem:s25+$0x5030] =	vst v2  }
0x61: {  	v2 =	vld.idx.msk [tilespmem:v3+s14+$0x0], $0xffff  }
0x62: {  	v3 =	vld [tilespmem:s25+$0x2840]  }
0x63: {  	v60 =	vld [tilespmem:s25+$0x30];
	_ =	sdelay $0x2  }
0x64: {  	v2 =	vmul.u32 $0x2800, v2;
	_ =	sdelay $0x1  }
0x65: {  	v2 =	vadd.s32 v60, v2  }
0x66: {  	[tilespmem:s25+$0x7830] =	vst v2  }
0x67: {  	v2 =	vld.idx.msk [tilespmem:v3+s13+$0x0], $0xffff;
	_ =	sdelay $0x4  }
0x68: {  	[tilespmem:s25+$0x5040] =	vst v2  }
0x69: {  	v2 =	vld.idx.msk [tilespmem:v3+s14+$0x0], $0xffff  }
0x6a: {  	v3 =	vld [tilespmem:s25+$0x2850]  }
0x6b: {  	v61 =	vld [tilespmem:s25+$0x40];
	_ =	sdelay $0x2  }
0x6c: {  	v2 =	vmul.u32 $0x2800, v2;
	_ =	sdelay $0x1  }
0x6d: {  	v2 =	vadd.s32 v61, v2  }
0x6e: {  	[tilespmem:s25+$0x7840] =	vst v2  }
0x6f: {  	v2 =	vld.idx.msk [tilespmem:v3+s13+$0x0], $0xffff;
	_ =	sdelay $0x4  }
0x70: {  	[tilespmem:s25+$0x5050] =	vst v2  }
0x71: {  	v2 =	vld.idx.msk [tilespmem:v3+s14+$0x0], $0xffff  }
0x72: {  	v3 =	vld [tilespmem:s25+$0x2860]  }
0x73: {  	v62 =	vld [tilespmem:s25+$0x50];
	_ =	sdelay $0x2  }
0x74: {  	v2 =	vmul.u32 $0x2800, v2;
	_ =	sdelay $0x1  }
0x75: {  	v2 =	vadd.s32 v62, v2  }
0x76: {  	[tilespmem:s25+$0x7850] =	vst v2  }
0x77: {  	v2 =	vld.idx.msk [tilespmem:v3+s13+$0x0], $0xffff;
	_ =	sdelay $0x4  }
0x78: {  	[tilespmem:s25+$0x5060] =	vst v2  }
0x79: {  	v2 =	vld.idx.msk [tilespmem:v3+s14+$0x0], $0xffff  }
0x7a: {  	v3 =	vld [tilespmem:s25+$0x2870]  }
0x7b: {  	v63 =	vld [tilespmem:s25+$0x60];
	_ =	sdelay $0x2  }
0x7c: {  	v2 =	vmul.u32 $0x2800, v2;
	_ =	sdelay $0x1  }
0x7d: {  	v2 =	vadd.s32 v63, v2  }
0x7e: {  	[tilespmem:s25+$0x7860] =	vst v2  }
0x7f: {  	v2 =	vld.idx.msk [tilespmem:v3+s13+$0x0], $0xffff;
	_ =	sdelay $0x4  }
0x80: {  	[tilespmem:s25+$0x5070] =	vst v2  }
0x81: {  	v2 =	vld.idx.msk [tilespmem:v3+s14+$0x0], $0xffff;
	_ =	sdelay $0x1  }
0x82: {  	v3 =	vld [tilespmem:s25+$0x70];
	_ =	sdelay $0x2  }
0x83: {  	v2 =	vmul.u32 $0x2800, v2;
	_ =	sdelay $0x1  }
0x84: {  	s23 =	simm.s32 $0x80;
	v2 =	vadd.s32 v3, v2  }
0x85: {  	s24 =	simm.s32 $0x400;
	s26 =	simm.s32 $0x5000;
	s28 =	simm.s32 $0x7800;
	[tilespmem:s25+$0x7870] =	vst v2  }
.LBB2_2:
0x86: {  	[spmem:s2] =	stream.indirect.scatter.add.f32 [tilespmem:s26], [sflag:$0x1], $0x1, s28, s17, $0xb8;
	[tilespmem:$0x19000] =	vst v63  }
0x87: {  	s25 =	sshra.s32 s24, $0x2;
	p0 =	sne.s32 s24, $0x9E00;
	s24 =	sadd.s32 $0x200, s24;
	v2 =	vld [tilespmem:s23+$0x2800]  }
0x88: {  	_ =	sdelay $0x6  }
0x89: {  	v3 =	vld.idx.msk [tilespmem:v2+s13+$0x0], $0xffff;
	_ =	sdelay $0x5  }
0x8a: {  	[tilespmem:s23+$0x5000] =	vst v3  }
0x8b: {  	v2 =	vld.idx.msk [tilespmem:v2+s14+$0x0], $0xffff;
	_ =	sdelay $0x1  }
0x8c: {  	v3 =	vld [tilespmem:s23+$0x2810]  }
0x8d: {  	v4 =	vld [tilespmem:s23+$0x0];
	_ =	sdelay $0x2  }
0x8e: {  	v2 =	vmul.u32 $0x2800, v2;
	_ =	sdelay $0x1  }
0x8f: {  	v2 =	vadd.s32 v4, v2  }
0x90: {  	[tilespmem:s23+$0x7800] =	vst v2  }
0x91: {  	v2 =	vld.idx.msk [tilespmem:v3+s13+$0x0], $0xffff;
	_ =	sdelay $0x5  }
0x92: {  	[tilespmem:s23+$0x5010] =	vst v2  }
0x93: {  	v2 =	vld.idx.msk [tilespmem:v3+s14+$0x0], $0xffff;
	_ =	sdelay $0x1  }
0x94: {  	v3 =	vld [tilespmem:s23+$0x2820]  }
0x95: {  	v4 =	vld [tilespmem:s23+$0x10];
	_ =	sdelay $0x2  }
0x96: {  	v2 =	vmul.u32 $0x2800, v2;
	_ =	sdelay $0x1  }
0x97: {  	v2 =	vadd.s32 v4, v2  }
0x98: {  	[tilespmem:s23+$0x7810] =	vst v2  }
0x99: {  	v2 =	vld.idx.msk [tilespmem:v3+s13+$0x0], $0xffff;
	_ =	sdelay $0x5  }
0x9a: {  	[tilespmem:s23+$0x5020] =	vst v2  }
0x9b: {  	v2 =	vld.idx.msk [tilespmem:v3+s14+$0x0], $0xffff;
	_ =	sdelay $0x1  }
0x9c: {  	v3 =	vld [tilespmem:s23+$0x2830]  }
0x9d: {  	v4 =	vld [tilespmem:s23+$0x20];
	_ =	sdelay $0x2  }
0x9e: {  	v2 =	vmul.u32 $0x2800, v2;
	_ =	sdelay $0x1  }
0x9f: {  	v2 =	vadd.s32 v4, v2  }
0xa0: {  	[tilespmem:s23+$0x7820] =	vst v2  }
0xa1: {  	v2 =	vld.idx.msk [tilespmem:v3+s13+$0x0], $0xffff;
	_ =	sdelay $0x5  }
0xa2: {  	[tilespmem:s23+$0x5030] =	vst v2  }
0xa3: {  	v2 =	vld.idx.msk [tilespmem:v3+s14+$0x0], $0xffff;
	_ =	sdelay $0x1  }
0xa4: {  	v3 =	vld [tilespmem:s23+$0x2840]  }
0xa5: {  	v4 =	vld [tilespmem:s23+$0x30];
	_ =	sdelay $0x2  }
0xa6: {  	v2 =	vmul.u32 $0x2800, v2;
	_ =	sdelay $0x1  }
0xa7: {  	v2 =	vadd.s32 v4, v2  }
0xa8: {  	[tilespmem:s23+$0x7830] =	vst v2  }
0xa9: {  	v2 =	vld.idx.msk [tilespmem:v3+s13+$0x0], $0xffff;
	_ =	sdelay $0x5  }
0xaa: {  	[tilespmem:s23+$0x5040] =	vst v2  }
0xab: {  	v2 =	vld.idx.msk [tilespmem:v3+s14+$0x0], $0xffff;
	_ =	sdelay $0x1  }
0xac: {  	v3 =	vld [tilespmem:s23+$0x2850]  }
0xad: {  	v4 =	vld [tilespmem:s23+$0x40];
	_ =	sdelay $0x2  }
0xae: {  	v2 =	vmul.u32 $0x2800, v2;
	_ =	sdelay $0x1  }
0xaf: {  	v2 =	vadd.s32 v4, v2  }
0xb0: {  	[tilespmem:s23+$0x7840] =	vst v2  }
0xb1: {  	v2 =	vld.idx.msk [tilespmem:v3+s13+$0x0], $0xffff;
	_ =	sdelay $0x5  }
0xb2: {  	[tilespmem:s23+$0x5050] =	vst v2  }
0xb3: {  	v2 =	vld.idx.msk [tilespmem:v3+s14+$0x0], $0xffff;
	_ =	sdelay $0x1  }
0xb4: {  	v3 =	vld [tilespmem:s23+$0x2860]  }
0xb5: {  	v4 =	vld [tilespmem:s23+$0x50];
	_ =	sdelay $0x2  }
0xb6: {  	v2 =	vmul.u32 $0x2800, v2;
	_ =	sdelay $0x1  }
0xb7: {  	v2 =	vadd.s32 v4, v2  }
0xb8: {  	[tilespmem:s23+$0x7850] =	vst v2  }
0xb9: {  	v2 =	vld.idx.msk [tilespmem:v3+s13+$0x0], $0xffff;
	_ =	sdelay $0x5  }
0xba: {  	[tilespmem:s23+$0x5060] =	vst v2  }
0xbb: {  	v2 =	vld.idx.msk [tilespmem:v3+s14+$0x0], $0xffff;
	_ =	sdelay $0x1  }
0xbc: {  	v3 =	vld [tilespmem:s23+$0x2870]  }
0xbd: {  	v4 =	vld [tilespmem:s23+$0x60];
	_ =	sdelay $0x2  }
0xbe: {  	v2 =	vmul.u32 $0x2800, v2;
	_ =	sdelay $0x1  }
0xbf: {  	v2 =	vadd.s32 v4, v2  }
0xc0: {  	[tilespmem:s23+$0x7860] =	vst v2  }
0xc1: {  	v2 =	vld.idx.msk [tilespmem:v3+s13+$0x0], $0xffff;
	_ =	sdelay $0x5  }
0xc2: {  	[tilespmem:s23+$0x5070] =	vst v2  }
0xc3: {  	v2 =	vld.idx.msk [tilespmem:v3+s14+$0x0], $0xffff;
	_ =	sdelay $0x2  }
0xc4: {  	v3 =	vld [tilespmem:s23+$0x70];
	_ =	sdelay $0x1  }
.Ltmp0:
0xc5: {  	(pc) =	sbr.rel @p0 .LBB2_2-.Ltmp0, $3  }
0xc6: {  	v2 =	vmul.u32 $0x2800, v2;
	_ =	sdelay $0x1  }
0xc7: {  	v2 =	vadd.s32 v3, v2  }
0xc8: {  	s26 =	sadd.s32 $0x5000, s23;
	s28 =	sadd.s32 $0x7800, s23;
	[tilespmem:s23+$0x7870] =	vst v2;
	s23 =	smov.u32 s25  }
0xc9: {  	[spmem:s2] =	stream.indirect.scatter.add.f32 [tilespmem:s26], [sflag:$0x1], $0x1, s28, s17, $0xb8;
	[tilespmem:$0x19000] =	vst v63  }
0xca: {  	v2 =	vld [tilespmem:s23+$0x2800];
	_ =	sdelay $0x7  }
0xcb: {  	v3 =	vld.idx.msk [tilespmem:v2+s13+$0x0], $0xffff;
	_ =	sdelay $0x4  }
0xcc: {  	[tilespmem:s23+$0x5000] =	vst v3  }
0xcd: {  	v2 =	vld.idx.msk [tilespmem:v2+s14+$0x0], $0xffff  }
0xce: {  	v3 =	vld [tilespmem:s23+$0x2810]  }
0xcf: {  	v4 =	vld [tilespmem:s23+$0x0];
	_ =	sdelay $0x2  }
0xd0: {  	v2 =	vmul.u32 $0x2800, v2;
	_ =	sdelay $0x1  }
0xd1: {  	v2 =	vadd.s32 v4, v2  }
0xd2: {  	[tilespmem:s23+$0x7800] =	vst v2  }
0xd3: {  	v2 =	vld.idx.msk [tilespmem:v3+s13+$0x0], $0xffff;
	_ =	sdelay $0x4  }
0xd4: {  	[tilespmem:s23+$0x5010] =	vst v2  }
0xd5: {  	v2 =	vld.idx.msk [tilespmem:v3+s14+$0x0], $0xffff  }
0xd6: {  	v3 =	vld [tilespmem:s23+$0x2820]  }
0xd7: {  	v58 =	vld [tilespmem:s23+$0x10];
	_ =	sdelay $0x2  }
0xd8: {  	v2 =	vmul.u32 $0x2800, v2;
	_ =	sdelay $0x1  }
0xd9: {  	v2 =	vadd.s32 v58, v2  }
0xda: {  	[tilespmem:s23+$0x7810] =	vst v2  }
0xdb: {  	v2 =	vld.idx.msk [tilespmem:v3+s13+$0x0], $0xffff;
	_ =	sdelay $0x4  }
0xdc: {  	[tilespmem:s23+$0x5020] =	vst v2  }
0xdd: {  	v2 =	vld.idx.msk [tilespmem:v3+s14+$0x0], $0xffff  }
0xde: {  	v3 =	vld [tilespmem:s23+$0x2830]  }
0xdf: {  	v59 =	vld [tilespmem:s23+$0x20];
	_ =	sdelay $0x2  }
0xe0: {  	v2 =	vmul.u32 $0x2800, v2;
	_ =	sdelay $0x1  }
0xe1: {  	v2 =	vadd.s32 v59, v2  }
0xe2: {  	[tilespmem:s23+$0x7820] =	vst v2  }
0xe3: {  	v2 =	vld.idx.msk [tilespmem:v3+s13+$0x0], $0xffff;
	_ =	sdelay $0x4  }
0xe4: {  	[tilespmem:s23+$0x5030] =	vst v2  }
0xe5: {  	v2 =	vld.idx.msk [tilespmem:v3+s14+$0x0], $0xffff  }
0xe6: {  	v3 =	vld [tilespmem:s23+$0x2840]  }
0xe7: {  	v60 =	vld [tilespmem:s23+$0x30];
	_ =	sdelay $0x2  }
0xe8: {  	v2 =	vmul.u32 $0x2800, v2;
	_ =	sdelay $0x1  }
0xe9: {  	v2 =	vadd.s32 v60, v2  }
0xea: {  	[tilespmem:s23+$0x7830] =	vst v2  }
0xeb: {  	v2 =	vld.idx.msk [tilespmem:v3+s13+$0x0], $0xffff;
	_ =	sdelay $0x4  }
0xec: {  	[tilespmem:s23+$0x5040] =	vst v2  }
0xed: {  	v2 =	vld.idx.msk [tilespmem:v3+s14+$0x0], $0xffff  }
0xee: {  	v3 =	vld [tilespmem:s23+$0x2850]  }
0xef: {  	v61 =	vld [tilespmem:s23+$0x40];
	_ =	sdelay $0x2  }
0xf0: {  	v2 =	vmul.u32 $0x2800, v2;
	_ =	sdelay $0x1  }
0xf1: {  	v2 =	vadd.s32 v61, v2  }
0xf2: {  	[tilespmem:s23+$0x7840] =	vst v2  }
0xf3: {  	v2 =	vld.idx.msk [tilespmem:v3+s13+$0x0], $0xffff;
	_ =	sdelay $0x4  }
0xf4: {  	[tilespmem:s23+$0x5050] =	vst v2  }
0xf5: {  	v2 =	vld.idx.msk [tilespmem:v3+s14+$0x0], $0xffff  }
0xf6: {  	v3 =	vld [tilespmem:s23+$0x2860]  }
0xf7: {  	v62 =	vld [tilespmem:s23+$0x50];
	_ =	sdelay $0x2  }
0xf8: {  	v2 =	vmul.u32 $0x2800, v2;
	_ =	sdelay $0x1  }
0xf9: {  	v2 =	vadd.s32 v62, v2  }
0xfa: {  	[tilespmem:s23+$0x7850] =	vst v2  }
0xfb: {  	v2 =	vld.idx.msk [tilespmem:v3+s13+$0x0], $0xffff;
	_ =	sdelay $0x4  }
0xfc: {  	[tilespmem:s23+$0x5060] =	vst v2  }
0xfd: {  	v2 =	vld.idx.msk [tilespmem:v3+s14+$0x0], $0xffff  }
0xfe: {  	v3 =	vld [tilespmem:s23+$0x2870]  }
0xff: {  	v63 =	vld [tilespmem:s23+$0x60];
	_ =	sdelay $0x2  }
0x100: {  	v2 =	vmul.u32 $0x2800, v2;
	_ =	sdelay $0x1  }
0x101: {  	v2 =	vadd.s32 v63, v2  }
0x102: {  	[tilespmem:s23+$0x7860] =	vst v2  }
0x103: {  	v2 =	vld.idx.msk [tilespmem:v3+s13+$0x0], $0xffff;
	_ =	sdelay $0x4  }
0x104: {  	[tilespmem:s23+$0x5070] =	vst v2  }
0x105: {  	v2 =	vld.idx.msk [tilespmem:v3+s14+$0x0], $0xffff;
	_ =	sdelay $0x1  }
0x106: {  	v3 =	vld [tilespmem:s23+$0x70];
	_ =	sdelay $0x2  }
0x107: {  	v2 =	vmul.u32 $0x2800, v2;
	_ =	sdelay $0x1  }
0x108: {  	v2 =	vadd.s32 v3, v2  }
0x109: {  	s24 =	sadd.s32 $0x5000, s23;
	s25 =	sadd.s32 $0x7800, s23;
	[tilespmem:s23+$0x7870] =	vst v2  }
0x10a: {  	[spmem:s2] =	stream.indirect.scatter.add.f32 [tilespmem:s24], [sflag:$0x1], $0x1, s25, s17, $0xb8;
	[tilespmem:$0x19000] =	vst v63  }
0x10b: {  	_ =	swait.ge [sflag:s16], $0x80  }
0x10c: {  	s23 =	simm.s32 $0x4F;
	[sflag:s16] =	ssyncset.done $0x0  }
.LBB2_4:
0x10d: {  	p0 =	sne.s32 s23, $0x1;
	s23 =	sadd.s32 $0xFFFFFFFF, s23;
	[sflag:s16] =	ssyncadd.s32 $0xFFFFFF80  }
.Ltmp1:
0x10e: {  	(pc) =	sbr.rel @p0 .LBB2_4-.Ltmp1, $3  }
0x10f: {  	_ =	sdelay $0x1  }
0x110: {  	_ =	swait.ge [sflag:s16], $0x80  }
0x111: {  	[sflag:s16] =	ssyncset.done $0x0  }
0x112: {  	s22 =	sadd.s32 $0x1, s22  }
0x113: {  	[sflag:s16] =	ssyncadd.s32 $0xFFFFFF80;
	p0 =	sne.s32 s22, s11  }
.Ltmp2:
0x114: {  	[bflag:$0x0] =	sbarrier.arrive $0xFFFF;
	(pc) =	sbr.rel @p0 .LBB2_1-.Ltmp2, $4  }
0x115: {  	[hbm:s10@s19], [sflag:s18] =	dma.strided [spmem:s12@s20], $0x1400, s16, $0x10   }
0x116: {  	_ =	swait.ge [sflag:s21], $0x1400  }
0x117: {  	[sflag:s21] =	ssyncset.done $0x0  }
0x118: {  	[sflag:s21] =	ssyncadd.s32 $0xFFFFEC00  }
0x119: {  	_ =	sfence.sel $0x180000  }
0x11a: {  	[bflag:$0x0] =	sbarrier.arrive $0xFFFF  }
0x11b: {  	p0 =	sne.s32 s0, $0x0;
	_ =	strace $0x9000004A  }
0x11c: {  	s0 =	sadd.s32 @!p0 $0x100000, s1;
	[bflag:$0x2] =	sbarrier.arrive $0xFFFF  }
0x11d: {  	[sflag:s0] =	ssyncadd.tile.s32 @!p0 $0x1;
	_ =	shalt  }
.Lfunc_end2:
_tile_overlayer_lowered:
.L_overlay_start_2:
0x11e: {  	(tag) =	ssettag $0x2  }
0x11f: {  	s0 =	rddreg [dreg:$0x0];
	s2 =	stileid.u32  }
0x120: {  	s1 =	rddreg [dreg:$0x1];
	p0 =	sne.s32 s2, $0x0  }
0x121: {  	s3 =	rddreg [dreg:$0x2];
	[bflag:$0x3] =	sbarrier.arrive $0xFFFF;
	s2 =	simm.s32 @!p0 $0x1C02  }
0x122: {  	[timem:s3], [sflag:s2] =	dma.local @!p0 [hbm:s0], s1  }
0x123: {  	s0 =	simm.s32 @!p0 $0x2  }
0x124: {  	_ =	swait.ge @!p0 [sflag:s0], s1  }
0x125: {  	s1 =	ssub.s32 @!p0 $0x0, s1;
	[sflag:s0] =	ssyncset.done @!p0 $0x0  }
0x126: {  	[sflag:s0] =	ssyncadd.s32 @!p0 s1  }
0x127: {  	[bflag:$0x3] =	sbarrier.arrive $0xFFFF  }
0x128: {  	_ =	shalt  }

// kernel: kernel.7.cloned.1.call-start
scs
__scs_entry_jumppad:
0x0: {  	(pc) =	sbr.rel $0x88, $3  }
0x1: {  	(tag) =	ssettag $0x0;
	lr =	simm.s32 $0x1  }
0x2: {  	[smem:$0x3F96] =	sst lr;
	_ =	strace $0xD0000000  }
0x3: {  	_ = 	snop  }
0x4: {  	_ = 	snop  }
0x5: {  	_ = 	snop  }
0x6: {  	_ = 	snop  }
0x7: {  	_ = 	snop  }
__scs_overlays_trampoline_lowered:
0x8: {  	[smem:$0x3FA5] =	sst s0  }
0x9: {  	[smem:$0x3FA6] =	sst s1  }
0xa: {  	[smem:$0x3FA7] =	sst s2  }
0xb: {  	[smem:$0x3FA8] =	sst s3  }
0xc: {  	[smem:$0x3FA9] =	sst s4  }
0xd: {  	[smem:$0x3FAA] =	sst s5  }
0xe: {  	[smem:$0x3FAB] =	sst s6  }
0xf: {  	[smem:$0x3FAC] =	sst s7  }
0x10: {  	[smem:$0x3FAD] =	sst s8  }
0x11: {  	[smem:$0x3FAE] =	sst s9;
	s0 =	simm.s32 @!p0 $0x0  }
0x12: {  	s1 =	sld [smem:$0x3F94];
	s0 =	simm.s32 @p0 $0x1  }
0x13: {  	[smem:$0x3FAF] =	sst s0;
	s0 =	simm.s32 @!p1 $0x0  }
0x14: {  	s2 =	sld [smem:$0x3F93];
	s0 =	simm.s32 @p1 $0x1  }
0x15: {  	[smem:$0x3FB0] =	sst s0;
	s0 =	simm.s32 @!p2 $0x0  }
0x16: {  	s3 =	sld [smem:$0x3FDB];
	s0 =	simm.s32 @p2 $0x1  }
0x17: {  	s4 =	simm.s32 $0x1BF5;
	[smem:$0x3FB2] =	sst s0  }
0x18: {  	s0 =	sld [smem:$0x3F95];
	_ =	swait.ge [sflag:s4], $0x0  }
0x19: {  	s7 =	sld [smem:$0x3F96]  }
0x1a: {  	s8 =	sadd.s32 $0xFFFFE003, lr  }
0x1b: {  	s9 =	sadd.s32 $0xFFFFFEF7, lr;
	s5 =	simm.s32 $0xFFFFFFFF;
	p2 =	slt.u32 s8, $0xFFFFF086  }
0x1c: {  	p1 =	slt.u32 s9, $0xF7A;
	s5 =	simm.s32 @!p2 $0x0  }
0x1d: {  	s5 =	simm.s32 @p1 $0x1;
	p0 =	seq.s32 s7, s2  }
0x1e: {  	s7 =	smul.u32 @!p0 $0xF7A, s2;
	p2 =	seq.s32 @!p0 s5, $0x0  }
0x1f: {  	s9 =	smul.u32 $0xF7A, s1;
	s8 =	simm.s32 @!p0 $0x1BF5;
	p2 =	por !p2, p0  }
0x20: {  	[sflag:s8] =	ssyncset.s32 @!p0 $0xFFFFF086;
	s6 =	sadd.s32 @!p0 s3, s7;
	s7 =	simm.s32 @!p0 $0x108  }
0x21: {  	s3 =	sadd.s32 s3, s9;
	s6 =	sadd.s32 @!p0 $0x88, s6;
	s7 =	simm.s32 @p2 $0x1082  }
0x22: {  	[simem:s7], [sflag:s8] =	dma.local @!p0 [hbm:s6], $0xF7A  }
0x23: {  	s9 =	sor.u32 $0xD0000000, s2;
	s6 =	simm.s32 $0x108;
	_ =	swait.ge @!p0 [sflag:s8], $0x0  }
0x24: {  	s3 =	sadd.s32 $0x88, s3;
	s6 =	simm.s32 @!p1 $0x1082;
	[sflag:s4] =	ssyncset.s32 $0xFFFFF086  }
0x25: {  	[simem:s6], [sflag:s4] =	dma.local [hbm:s3], $0xF7A  }
0x26: {  	[smem:$0x3F96] =	sst s1;
	(tag) =	ssettag s2;
	_ =	strace s9  }
0x27: {  	s1 =	sld [smem:$0x3FA6]  }
0x28: {  	s2 =	sld [smem:$0x3FA7]  }
0x29: {  	s4 =	sld [smem:$0x3FA9]  }
0x2a: {  	p0 =	seq.s32 s5, $0x0;
	s5 =	sld [smem:$0x3FAA]  }
0x2b: {  	s6 =	sld [smem:$0x3FAB]  }
0x2c: {  	s7 =	sld [smem:$0x3FAC]  }
0x2d: {  	s3 =	simm.s32 $0x108;
	s8 =	sld [smem:$0x3FAD]  }
0x2e: {  	s3 =	simm.s32 @!p0 $0x1082;
	s9 =	sld [smem:$0x3FAE]  }
0x2f: {  	lr =	sadd.s32 s0, s3;
	s0 =	sld [smem:$0x3FA5]  }
0x30: {  	s3 =	sld [smem:$0x3FA8]  }
0x31: {  	[smem:$0x3FB1] =	sst s10  }
0x32: {  	s10 =	sld [smem:$0x3FAF];
	_ =	sdelay $0x3  }
0x33: {  	p0 =	seq.s32 s10, $0x1;
	s10 =	sld [smem:$0x3FB1];
	_ =	sdelay $0x3  }
0x34: {  	[smem:$0x3FB1] =	sst s10  }
0x35: {  	s10 =	sld [smem:$0x3FB0];
	_ =	sdelay $0x3  }
0x36: {  	p1 =	seq.s32 s10, $0x1;
	s10 =	sld [smem:$0x3FB1];
	_ =	sdelay $0x3  }
0x37: {  	[smem:$0x3FB1] =	sst s10  }
0x38: {  	s10 =	sld [smem:$0x3FB2]  }
0x39: {  	_ = 	snop;
	(pc) =	sbr.ind lr, $3  }
0x3a: {  	_ = 	snop  }
0x3b: {  	_ = 	snop  }
0x3c: {  	p2 =	seq.s32 s10, $0x1;
	s10 =	sld [smem:$0x3FB1]  }
0x3d: {  	_ =	shalt  }
0x3e: {  	_ =	shalt  }
0x3f: {  	_ =	shalt  }
0x40: {  	_ =	shalt  }
0x41: {  	_ =	shalt  }
0x42: {  	_ =	shalt  }
0x43: {  	_ =	shalt  }
0x44: {  	_ =	shalt  }
0x45: {  	_ =	shalt  }
0x46: {  	_ =	shalt  }
0x47: {  	_ =	shalt  }
0x48: {  	_ =	shalt  }
0x49: {  	_ =	shalt  }
0x4a: {  	_ =	shalt  }
0x4b: {  	_ =	shalt  }
0x4c: {  	_ =	shalt  }
0x4d: {  	_ =	shalt  }
0x4e: {  	_ =	shalt  }
0x4f: {  	_ =	shalt  }
0x50: {  	_ =	shalt  }
0x51: {  	_ =	shalt  }
0x52: {  	_ =	shalt  }
0x53: {  	_ =	shalt  }
0x54: {  	_ =	shalt  }
0x55: {  	_ =	shalt  }
0x56: {  	_ =	shalt  }
0x57: {  	_ =	shalt  }
0x58: {  	_ =	shalt  }
0x59: {  	_ =	shalt  }
0x5a: {  	_ =	shalt  }
0x5b: {  	_ =	shalt  }
0x5c: {  	_ =	shalt  }
0x5d: {  	_ =	shalt  }
0x5e: {  	_ =	shalt  }
0x5f: {  	_ =	shalt  }
0x60: {  	_ =	shalt  }
0x61: {  	_ =	shalt  }
0x62: {  	_ =	shalt  }
0x63: {  	_ =	shalt  }
0x64: {  	_ =	shalt  }
0x65: {  	_ =	shalt  }
0x66: {  	_ =	shalt  }
0x67: {  	_ =	shalt  }
0x68: {  	_ =	shalt  }
0x69: {  	_ =	shalt  }
0x6a: {  	_ =	shalt  }
0x6b: {  	_ =	shalt  }
0x6c: {  	_ =	shalt  }
0x6d: {  	_ =	shalt  }
0x6e: {  	_ =	shalt  }
0x6f: {  	_ =	shalt  }
0x70: {  	_ =	shalt  }
0x71: {  	_ =	shalt  }
0x72: {  	_ =	shalt  }
0x73: {  	_ =	shalt  }
0x74: {  	_ =	shalt  }
0x75: {  	_ =	shalt  }
0x76: {  	_ =	shalt  }
0x77: {  	_ =	shalt  }
0x78: {  	_ =	shalt  }
0x79: {  	_ =	shalt  }
0x7a: {  	_ =	shalt  }
0x7b: {  	_ =	shalt  }
0x7c: {  	_ =	shalt  }
0x7d: {  	_ =	shalt  }
0x7e: {  	_ =	shalt  }
0x7f: {  	_ =	shalt  }
0x80: {  	_ =	shalt  }
0x81: {  	_ =	shalt  }
0x82: {  	_ =	shalt  }
0x83: {  	_ =	shalt  }
0x84: {  	_ =	shalt  }
0x85: {  	_ =	shalt  }
0x86: {  	_ =	shalt  }
0x87: {  	_ =	shalt  }
.Lfunc_end0:
.L_simem_size_0:
called_computation_lowered:
.L_overlay_start_0:
0x88: {  	s2 =	sld [smem:$0x3FD9]  }
0x89: {  	s3 =	sld [smem:$0x3FFE];
	_ =	sdelay $0x1  }
0x8a: {  	s1 =	srdreg.scid  }
0x8b: {  	s0 =	sand.u32 $0x1, s1  }
0x8c: {  	s17 =	sshll.u32 s0, $0xA;
	s2 =	sadd.s32 s3, s2  }
0x8d: {  	s2 =	sadd.s32 s2, s17  }
0x8e: {  	[smem:$0x3FBD] =	sst s2  }
0x8f: {  	_ = 	snop  }
0x90: {  	s2 =	sld [smem:$0x3FD0];
	(tm) =	ssettm $0x1  }
0x91: {  	s18 =	sld [smem:$0x3FFB];
	_ =	sdelay $0x3  }
0x92: {  	_ =	strace s18  }
0x93: {  	s3 =	sld [smem:$0x3FFC];
	_ =	sdelay $0x3  }
0x94: {  	_ =	strace s3  }
0x95: {  	s3 =	sld [smem:$0x3FFD];
	_ =	sdelay $0x3  }
0x96: {  	_ =	strace s3  }
0x97: {  	_ =	strace $0x8FFFFFFF  }
0x98: {  	s19 =	sld [smem:$0x3FDB];
	_ =	sdelay $0x1  }
0x99: {  	s4 =	simm.s32 $_scs_section_size  }
0x9a: {  	s5 =	simm.s32 $_size__tile_overlayer_lowered;
	s6 =	simm.s32 $_tile_overlayer_lowered  }
0x9b: {  	s22 =	simm.s32 $0x1BFF;
	s21 =	sshll.u32 s6, $0x1;
	s3 =	sadd.s32 s4, s19  }
0x9c: {  	s7 =	simm.s32 $0x0;
	s20 =	sshll.u32 s5, $0x1;
	s5 =	sadd.s32 s21, s3  }
0x9d: {  	[timem:s7], [sflag:s22] =	dma.local [hbm:s5], s20  }
0x9e: {  	_ =	swait.ge [sflag:s22], s20  }
0x9f: {  	s4 =	ssub.s32 $0x0, s20;
	[sflag:s22] =	ssyncset.done $0x0  }
0xa0: {  	[sflag:s22] =	ssyncadd.s32 s4;
	_ =	sdelay $0x1  }
0xa1: {  	s23 =	simm.s32 $0x1B8B  }
0xa2: {  	_ =	swait.ge [sflag:s23], $0x1  }
0xa3: {  	[sflag:s23] =	ssyncset.done $0x0  }
0xa4: {  	s25 =	simm.s32 $0x1B8E;
	s24 =	sld [smem:$0x3FFE];
	[sflag:s23] =	ssyncadd.s32 $0xFFFFFFFF  }
0xa5: {  	s26 =	simm.s32 $execute0_lowered;
	[smem:$0x3FD2] =	sst s25  }
0xa6: {  	s5 =	sshll.u32 s26, $0x1;
	_ =	strace $0x80000046;
	[dreg:$0x1] =	wrdreg $0xFFFFFFFF  }
0xa7: {  	s28 =	simm.s32 $_size_execute0_lowered;
	s3 =	sadd.s32 s3, s5;
	[dreg:$0x0] =	wrdreg $0x0  }
0xa8: {  	s5 =	sshll.u32 s28, $0x1;
	[dreg:$0x2] =	wrdreg s3  }
0xa9: {  	[dreg:$0x3] =	wrdreg s5  }
0xaa: {  	[dreg:$0x4] =	wrdreg $0xC0  }
0xab: {  	_ =	task [dreg:s7], $0x5FFFF  }
0xac: {  	[dreg:$0x1] =	wrdreg $0xFFFFFFFF  }
0xad: {  	[dreg:$0x0] =	wrdreg $0x60  }
0xae: {  	[dreg:$0x2] =	wrdreg s24  }
0xaf: {  	[dreg:$0x3] =	wrdreg s2  }
0xb0: {  	[dreg:$0x4] =	wrdreg $0x28800  }
0xb1: {  	[dreg:$0x5] =	wrdreg $0x9  }
0xb2: {  	_ =	task.clear_ibuf [dreg:s7], $0x6FFFF;
	_ =	strace $0x90000046  }
0xb3: {  	s29 =	simm.s32 $0x9;
	_ =	strace $0x80000048  }
0xb4: {  	_ =	swait.ge [sflag:s29], $0x1  }
0xb5: {  	[sflag:s29] =	ssyncadd.s32 $0xFFFFFFFF  }
0xb6: {  	_ =	strace $0x90000048  }
0xb7: {  	_ =	sfence  }
0xb8: {  	s30 =	sld [smem:$0x0];
	_ =	sdelay $0x2  }
0xb9: {  	s31 =	sshll.u32 s1, $0xD;
	s1 =	sshrl.u32 s1, $0x2  }
0xba: {  	s3 =	sand.u32 $0x4000, s31;
	s1 =	sadd.s32 s1, s30  }
0xbb: {  	s0 =	sor.u32 s3, s0;
	s1 =	sshll.u32 s1, $0x11  }
0xbc: {  	s0 =	sor.u32 s1, s0  }
0xbd: {  	s0 =	sadd.s32 $0x8F2B, s0  }
0xbe: {  	[sflag:s0] =	ssyncadd.remote.s32 $0x1  }
0xbf: {  	_ =	sfence.sel $0xFFFF  }
0xc0: {  	[dreg:$0x0] =	wrdreg $0xFFFFFFFF;
	(pc) =	sbr.abs _section_cstart, $3  }
0xc1: {  	[dreg:$0x1] =	wrdreg $0xFFFFFFFF  }
0xc2: {  	_ =	task.clear_ibuf [dreg:s7], $0x2FFFF;
	_ =	strace $0x9FFFFFFF  }
0xc3: {  	(tm) =	ssettm $0x7FFFFFFF  }
tec
execute0_lowered:
.L_overlay_start_1:
0x0: {  	(tag) =	ssettag $0x1  }
0x1: {  	s6 =	rddreg [dreg:$0x0]  }
0x2: {  	s1 =	rddreg [dreg:$0x1]  }
0x3: {  	s0 =	srdreg.scid;
	s3 =	rddreg [dreg:$0x2]  }
0x4: {  	s2 =	stileid.u32;
	s4 =	simm.s32 $0x0;
	s12 =	simm.s32 $0x1  }
0x5: {  	s13 =	simm.s32 $0x80;
	s15 =	simm.s32 $0x20;
	s16 =	simm.s32 $0x10  }
0x6: {  	s17 =	simm.s32 $0x2;
	s7 =	sand.u32 $0x1, s0;
	s0 =	rddreg [dreg:$0x3]  }
0x7: {  	s18 =	simm.s32 $0x0;
	s8 =	smul.u32 $0x500, s2;
	[smem:$0x7FF] =	sst s4  }
0x8: {  	s10 =	smul.u32 $0xA00, s2;
	s14 =	sshll.u32 s2, $0x6;
	s5 =	sshll.u32 s7, $0x4  }
0x9: {  	s9 =	sshll.u32 s7, $0x7;
	_ =	strace $0x80000047;
	s31 =	ssub.s32 $0x2, s7  }
0xa: {  	s5 =	sor.u32 s2, s5;
	s8 =	sor.u32 s9, s8;
	s7 =	sshrl.u32 s31, $0x1  }
0xb: {  	s10 =	sshrl.u32 s10, $0x2;
	s5 =	smul.u32 $0x500, s5;
	s8 =	sshrl.u32 s8, $0x3  }
0xc: {  	s11 =	ssub.s32 s31, s7;
	s10 =	sadd.s32 s10, s3;
	s8 =	sadd.s32 s8, s6  }
0xd: {  	s9 =	smax.u32 s11, $0x1;
	s10 =	sshrl.u32 s10, $0x3;
	s11 =	simm.s32 $0x2800  }
0xe: {  	s30 =	sadd.s32 s5, s6;
	s5 =	sadd.s32 $0x16600, s6;
	s6 =	sor.u32 $0x1C01, s14  }
0xf: {  	s8 =	sadd.s32 $0x16800, s8;
	s14 =	sor.u32 $0x1C02, s14;
	s7 =	sadd.s32 $0x2600, s30  }
.LBB2_1:
0x10: {  	[spmem:s10], [sflag:s6] =	dma.local [hbm:s5], $0x50  }
0x11: {  	[tilespmem:s11], [sflag:$0x1] =	stream.linear.gather [hbm4b:s1+s4], $0x80, $0x38;
	[tilespmem:$0x2B00] =	vst v63  }
0x12: {  	_ = 	snop  }
0x13: {  	[tilespmem:s4], [sflag:$0x1] =	stream.linear.gather [hbm4b:s7+s4], $0x2800, $0x38;
	[tilespmem:$0x2B00] =	vst v63  }
0x14: {  	_ =	swait.ge [sflag:s12], $0x50  }
0x15: {  	[sflag:s12] =	ssyncset.done $0x0  }
0x16: {  	[sflag:s12] =	ssyncadd.s32 $0xFFFFFFB0  }
0x17: {  	_ =	swait.ge [sflag:s12], $0x80  }
0x18: {  	[sflag:s12] =	ssyncset.done $0x0  }
0x19: {  	[sflag:s12] =	ssyncadd.s32 $0xFFFFFF80  }
0x1a: {  	_ =	swait.ge [sflag:s12], $0x2800  }
0x1b: {  	[sflag:s12] =	ssyncset.done $0x0  }
0x1c: {  	[sflag:s12] =	ssyncadd.s32 $0xFFFFD800  }
0x1d: {  	s19 =	simm.s32 $0x0;
	[bflag:$0x0] =	sbarrier.arrive $0xFFFF  }
.LBB2_2:
0x1e: {  	p0 =	sne.s32 s19, $0x9E00  }
.Ltmp0:
0x1f: {  	_ = 	snop;
	(pc) =	sbr.rel @p0 .LBB2_2-.Ltmp0, $3  }
0x20: {  	_ =	sdelay $0x1  }
0x21: {  	s20 =	sshra.s32 s19, $0x2;
	s19 =	sadd.s32 $0x200, s19  }
0x22: {  	[spmem:s3] =	stream.indirect.scatter.add.f32 [tilespmem:s11], [sflag:$0x1], $0x1, s20, s13, $0xb8;
	[tilespmem:$0x2B00] =	vst v63  }
0x23: {  	_ =	swait.ge [sflag:s12], $0x80  }
0x24: {  	s19 =	simm.s32 $0x4F;
	[sflag:s12] =	ssyncset.done $0x0  }
.LBB2_4:
0x25: {  	p0 =	sne.s32 s19, $0x1;
	s19 =	sadd.s32 $0xFFFFFFFF, s19;
	[sflag:s12] =	ssyncadd.s32 $0xFFFFFF80  }
.Ltmp1:
0x26: {  	(pc) =	sbr.rel @p0 .LBB2_4-.Ltmp1, $3  }
0x27: {  	_ =	sdelay $0x1  }
0x28: {  	_ =	swait.ge [sflag:s12], $0x80  }
0x29: {  	[sflag:s12] =	ssyncset.done $0x0  }
0x2a: {  	s18 =	sadd.s32 $0x1, s18  }
0x2b: {  	[sflag:s12] =	ssyncadd.s32 $0xFFFFFF80;
	p0 =	sne.s32 s18, s9  }
.Ltmp2:
0x2c: {  	[bflag:$0x0] =	sbarrier.arrive $0xFFFF;
	(pc) =	sbr.rel @p0 .LBB2_1-.Ltmp2, $4  }
0x2d: {  	[hbm:s8@s15], [sflag:s14] =	dma.strided [spmem:s10@s16], $0x50, s12, $0x10   }
0x2e: {  	_ =	swait.ge [sflag:s17], $0x50  }
0x2f: {  	[sflag:s17] =	ssyncset.done $0x0  }
0x30: {  	[sflag:s17] =	ssyncadd.s32 $0xFFFFFFB0  }
0x31: {  	_ =	sfence.sel $0x180000  }
0x32: {  	[bflag:$0x0] =	sbarrier.arrive $0xFFFF  }
0x33: {  	p0 =	sne.s32 s2, $0x0;
	_ =	strace $0x90000047  }
0x34: {  	s0 =	sadd.s32 @!p0 $0x100000, s0;
	[bflag:$0x2] =	sbarrier.arrive $0xFFFF  }
0x35: {  	[sflag:s0] =	ssyncadd.tile.s32 @!p0 $0x1;
	_ =	shalt  }
.Lfunc_end2:
_tile_overlayer_lowered:
.L_overlay_start_2:
0x36: {  	(tag) =	ssettag $0x2  }
0x37: {  	s0 =	rddreg [dreg:$0x0];
	s2 =	stileid.u32  }
0x38: {  	s1 =	rddreg [dreg:$0x1];
	p0 =	sne.s32 s2, $0x0  }
0x39: {  	s3 =	rddreg [dreg:$0x2];
	[bflag:$0x3] =	sbarrier.arrive $0xFFFF;
	s2 =	simm.s32 @!p0 $0x1C02  }
0x3a: {  	[timem:s3], [sflag:s2] =	dma.local @!p0 [hbm:s0], s1  }
0x3b: {  	s0 =	simm.s32 @!p0 $0x2  }
0x3c: {  	_ =	swait.ge @!p0 [sflag:s0], s1  }
0x3d: {  	s1 =	ssub.s32 @!p0 $0x0, s1;
	[sflag:s0] =	ssyncset.done @!p0 $0x0  }
0x3e: {  	[sflag:s0] =	ssyncadd.s32 @!p0 s1  }
0x3f: {  	[bflag:$0x3] =	sbarrier.arrive $0xFFFF  }
0x40: {  	_ =	shalt  }

</sc_bundles>
